<compile_context>
chip_gen: v7x
topology: tpu7x:2x2x1
jax: 0.10.2.dev20260603
libtpu: 0.0.44.dev20260713+nightly
codegen_flags: <defaults>
</compile_context>

<pallas_src>
import functools

import jax
import jax.numpy as jnp
from jax import lax
from jax.experimental import pallas as pl
from jax.experimental.pallas import tpu as pltpu
from jax.experimental.pallas import tpu_sc as plsc

NC = 2
NS = 16
NW = NC * NS
L = 16
NBUF = 3
WD = 1
CH = 32768
PAT = 1024


def _make_sc_add(NE, NP):
    per_w = NE // NW
    pat_w = NP // NW
    M = per_w // CH
    G = M // NBUF
    unit = 128 * PAT
    cpu = unit // CH
    assert NE % (NW * CH) == 0 and unit % CH == 0

    mesh = plsc.VectorSubcoreMesh(
        core_axis_name="c", subcore_axis_name="s", num_cores=NC, num_subcores=NS
    )

    def compute(buf, pats, pat_off):
        def p_body(p, _):
            vp = pats[pl.ds(pat_off + p * L, L)]
            for r in range(CH // PAT):
                o = r * PAT
                buf[pl.ds(o + p * L, L)] = buf[pl.ds(o + p * L, L)] + vp
            return 0

        lax.fori_loop(0, PAT // L, p_body, 0)

    @functools.partial(
        pl.kernel,
        out_type=jax.ShapeDtypeStruct((NE,), jnp.float32),
        mesh=mesh,
        scratch_types=[
            pltpu.VMEM((pat_w,), jnp.float32),
            [pltpu.VMEM((CH,), jnp.float32)] * NBUF,
            [pltpu.SemaphoreType.DMA] * NBUF,
            [pltpu.SemaphoreType.DMA] * NBUF,
        ],
    )
    def sc_add(x_hbm, p_hbm, o_hbm, pats, bufs, isems, osems):
        wid = lax.axis_index("s") * NC + lax.axis_index("c")
        base = wid * per_w
        pltpu.sync_copy(p_hbm.at[pl.ds(wid * pat_w, pat_w)], pats)

        def in_copy(k, j):
            return pltpu.make_async_copy(
                x_hbm.at[pl.ds(base + k * CH, CH)], bufs[j], isems[j]
            )

        def out_copy(k, j):
            return pltpu.make_async_copy(
                bufs[j], o_hbm.at[pl.ds(base + k * CH, CH)], osems[j]
            )

        for j in range(NBUF - WD):
            in_copy(j, j).start()

        def body(K, _):
            c0 = K * NBUF
            for j in range(NBUF):
                k = c0 + j
                in_copy(k, j).wait()
                compute(bufs[j], pats, (k // cpu) * PAT)
                out_copy(k, j).start()

                jw = (j - WD) % NBUF

                @pl.when(k >= WD)
                def _():
                    out_copy(k - WD, jw).wait()

                @pl.when(k + NBUF - WD < M)
                def _():
                    in_copy(k + NBUF - WD, jw).start()

            return 0

        lax.fori_loop(0, G, body, 0)
        for k in range(G * NBUF, M):
            j = k % NBUF
            in_copy(k, j).wait()
            compute(bufs[j], pats, (k // cpu) * PAT)
            out_copy(k, j).start()
            out_copy(k - WD, (j - WD) % NBUF).wait()
        for t in range(WD):
            k = M - WD + t
            out_copy(k, k % NBUF).wait()

    return sc_add


def kernel(inputs, table):
    B, C, D = inputs.shape
    DT = D // 8
    BT = B // 128
    NE = B * C * D
    NP = C * DT * 8 * 128

    x5 = jnp.transpose(
        jnp.reshape(jnp.transpose(inputs, (1, 2, 0)), (C, DT, 8, BT, 128)),
        (0, 1, 3, 2, 4),
    )
    x1d = jnp.reshape(x5, (NE,))

    pat = jnp.reshape(
        jnp.broadcast_to(jnp.reshape(table, (C, DT, 8, 1)), (C, DT, 8, 128)), (NP,)
    )

    out1d = _make_sc_add(NE, NP)(x1d, pat)

    out5 = jnp.reshape(out1d, (C, DT, BT, 8, 128))
    out3 = jnp.reshape(jnp.transpose(out5, (0, 1, 3, 2, 4)), (C, D, B))
    return jnp.transpose(out3, (2, 0, 1))

# --- scband reference (transcript-rebuilt; emitter-appended) ---
"""Pipeline reference for scband-tab-transformer-column-embedding-26259430047994 (READ-ONLY COPY).

The authoritative reference and input builder live on the scoring server;
editing this copy changes nothing except your own understanding.
"""

import jax, jax.numpy as jnp
import numpy as np

NUM_CAT = 100
EMBED_DIM = 64
BATCH = 16384

def setup_inputs(seed: int = 0) -> dict:
    key = jax.random.key(seed)
    k1, k2 = jax.random.split(key)
    inputs = jax.random.normal(k1, (BATCH, NUM_CAT, EMBED_DIM), dtype=jnp.float32)
    # Learned column embedding table (keras.layers.Embedding(input_dim=NUM_CAT, output_dim=EMBED_DIM))
    table = jax.random.uniform(k2, (NUM_CAT, EMBED_DIM), dtype=jnp.float32, minval=-0.05, maxval=0.05)
    return {"inputs": inputs, "table": table}

def reference(inputs, table):
    # column_indices = tf.range(0, num_categorical_features) -> cast float32 -> Embedding casts back to int
    column_indices = jnp.arange(NUM_CAT, dtype=jnp.int32)
    col_emb = jnp.take(table, column_indices, axis=0)  # [NUM_CAT, EMBED_DIM]
    # Broadcast add over batch dimension: inputs [B, NUM_CAT, D] + col_emb [NUM_CAT, D]
    return inputs + col_emb[None, :, :]

if __name__ == "__main__":
    import jax
    _d = setup_inputs()
    print(jax.jit(kernel)(*tuple(_d.values())))

</pallas_src>

<mosaic_0001>
#map = affine_map<(d0, d1) -> (0)>
module attributes {stable_mosaic.version = 14 : i64} {
  func.func @sc_add(%arg0: i32, %arg1: i32, %arg2: memref<104857600xf32, #tpu.memory_space<hbm>>, %arg3: memref<819200xf32, #tpu.memory_space<hbm>>, %arg4: memref<104857600xf32, #tpu.memory_space<hbm>>, %arg5: memref<25600xf32, #tpu.memory_space<vmem>>, %arg6: memref<32768xf32, #tpu.memory_space<vmem>>, %arg7: memref<32768xf32, #tpu.memory_space<vmem>>, %arg8: memref<32768xf32, #tpu.memory_space<vmem>>, %arg9: memref<!tpu.dma_semaphore, #tpu.memory_space<semaphore_mem>>, %arg10: memref<!tpu.dma_semaphore, #tpu.memory_space<semaphore_mem>>, %arg11: memref<!tpu.dma_semaphore, #tpu.memory_space<semaphore_mem>>, %arg12: memref<!tpu.dma_semaphore, #tpu.memory_space<semaphore_mem>>, %arg13: memref<!tpu.dma_semaphore, #tpu.memory_space<semaphore_mem>>, %arg14: memref<!tpu.dma_semaphore, #tpu.memory_space<semaphore_mem>>) attributes {dimension_semantics = [#tpu.dimension_semantics<core_parallel>, #tpu.dimension_semantics<subcore_parallel>], iteration_bounds = array<i64: 2, 16>, scalar_prefetch = 0 : i64, scratch_operands = 10 : i64, tpu.core_type = #tpu.core_type<sc_vector_subcore>, window_params = [{transform_indices = #map}, {transform_indices = #map}, {transform_indices = #map}]} {
    %mul3A = arith.constant 2 : i32
    %mul3A_0 = arith.muli %arg1, %mul3A : i32
    %add3A = arith.addi %mul3A_0, %arg0 : i32
    %mul3A_1 = arith.constant 3276800 : i32
    %mul3A_2 = arith.muli %add3A, %mul3A_1 : i32
    %mul3A_3 = arith.constant 25600 : i32
    %mul3A_4 = arith.muli %add3A, %mul3A_3 : i32
    "tpu.region"() ({
      %run_scoped3A = tpu.sem_alloc : memref<!tpu.dma_semaphore, #tpu.memory_space<semaphore_mem>>
      %dma_start3A_40 = tpu.memref_slice %arg3[%mul3A_4] : memref<819200xf32, #tpu.memory_space<hbm>> -> memref<25600xf32, #tpu.memory_space<hbm>>
      %dma_start3A_41 = tpu.memref_slice %arg3[%mul3A_4] : memref<819200xf32, #tpu.memory_space<hbm>> -> memref<25600xf32, #tpu.memory_space<hbm>>
      tpu.enqueue_dma source(%dma_start3A_41 : memref<25600xf32, #tpu.memory_space<hbm>>) target(%arg5 : memref<25600xf32, #tpu.memory_space<vmem>>) target_semaphore(%run_scoped3A : memref<!tpu.dma_semaphore, #tpu.memory_space<semaphore_mem>>)
      %dma_wait3A_42 = tpu.memref_slice %arg3[%mul3A_4] : memref<819200xf32, #tpu.memory_space<hbm>> -> memref<25600xf32, #tpu.memory_space<hbm>>
      %dma_wait3A_43 = tpu.memref_slice %arg3[%mul3A_4] : memref<819200xf32, #tpu.memory_space<hbm>> -> memref<25600xf32, #tpu.memory_space<hbm>>
      tpu.wait_dma2 semaphore(%run_scoped3A : memref<!tpu.dma_semaphore, #tpu.memory_space<semaphore_mem>>) src(%dma_wait3A_43 : memref<25600xf32, #tpu.memory_space<hbm>>) dst(%arg5 : memref<25600xf32, #tpu.memory_space<vmem>>)
      tpu.yield
    }) : () -> ()
    %add3A_5 = arith.constant 0 : i32
    %add3A_6 = arith.addi %mul3A_2, %add3A_5 : i32
    %dma_start3A = tpu.memref_slice %arg2[%add3A_6] : memref<104857600xf32, #tpu.memory_space<hbm>> -> memref<32768xf32, #tpu.memory_space<hbm>>
    %dma_start3A_7 = tpu.memref_slice %arg2[%add3A_6] : memref<104857600xf32, #tpu.memory_space<hbm>> -> memref<32768xf32, #tpu.memory_space<hbm>>
    tpu.enqueue_dma source(%dma_start3A_7 : memref<32768xf32, #tpu.memory_space<hbm>>) target(%arg6 : memref<32768xf32, #tpu.memory_space<vmem>>) target_semaphore(%arg9 : memref<!tpu.dma_semaphore, #tpu.memory_space<semaphore_mem>>)
    %add3A_8 = arith.constant 32768 : i32
    %add3A_9 = arith.addi %mul3A_2, %add3A_8 : i32
    %dma_start3A_10 = tpu.memref_slice %arg2[%add3A_9] : memref<104857600xf32, #tpu.memory_space<hbm>> -> memref<32768xf32, #tpu.memory_space<hbm>>
    %dma_start3A_11 = tpu.memref_slice %arg2[%add3A_9] : memref<104857600xf32, #tpu.memory_space<hbm>> -> memref<32768xf32, #tpu.memory_space<hbm>>
    tpu.enqueue_dma source(%dma_start3A_11 : memref<32768xf32, #tpu.memory_space<hbm>>) target(%arg7 : memref<32768xf32, #tpu.memory_space<vmem>>) target_semaphore(%arg10 : memref<!tpu.dma_semaphore, #tpu.memory_space<semaphore_mem>>)
    %scan3A = arith.constant 0 : i32
    %scan3A_12 = arith.constant 0 : i32
    %scan3A_13 = arith.constant 33 : i32
    %scan3A_14 = arith.addi %scan3A_12, %scan3A_13 : i32
    %scan3A_15 = arith.constant 1 : i32
    %scan3A_16 = scf.for %scan3A_40 = %scan3A_12 to %scan3A_14 step %scan3A_15 iter_args(%scan3A_41 = %scan3A) -> (i32)  : i32 {
      %mul3A_42 = arith.constant 3 : i32
      %mul3A_43 = arith.muli %scan3A_40, %mul3A_42 : i32
      %add3A_44 = arith.constant 0 : i32
      %add3A_45 = arith.addi %mul3A_43, %add3A_44 : i32
      %mul3A_46 = arith.constant 32768 : i32
      %mul3A_47 = arith.muli %add3A_45, %mul3A_46 : i32
      %add3A_48 = arith.addi %mul3A_2, %mul3A_47 : i32
      %dma_wait3A_49 = tpu.memref_slice %arg2[%add3A_48] : memref<104857600xf32, #tpu.memory_space<hbm>> -> memref<32768xf32, #tpu.memory_space<hbm>>
      %dma_wait3A_50 = tpu.memref_slice %arg2[%add3A_48] : memref<104857600xf32, #tpu.memory_space<hbm>> -> memref<32768xf32, #tpu.memory_space<hbm>>
      tpu.wait_dma2 semaphore(%arg9 : memref<!tpu.dma_semaphore, #tpu.memory_space<semaphore_mem>>) src(%dma_wait3A_50 : memref<32768xf32, #tpu.memory_space<hbm>>) dst(%arg6 : memref<32768xf32, #tpu.memory_space<vmem>>)
      %jit3A = arith.constant 4 : i32
      %div3A = arith.divsi %add3A_45, %jit3A : i32
      %sign3A = arith.constant 0 : i32
      %sign3A_51 = arith.cmpi sgt, %add3A_45, %sign3A : i32
      %sign3A_52 = arith.extui %sign3A_51 : i1 to i32
      %sign3A_53 = arith.constant 0 : i32
      %sign3A_54 = arith.cmpi slt, %add3A_45, %sign3A_53 : i32
      %sign3A_55 = arith.extui %sign3A_54 : i1 to i32
      %sign3A_56 = arith.subi %sign3A_52, %sign3A_55 : i32
      %sign3A_57 = arith.constant 0 : i32
      %sign3A_58 = arith.cmpi sgt, %jit3A, %sign3A_57 : i32
      %sign3A_59 = arith.extui %sign3A_58 : i1 to i32
      %sign3A_60 = arith.constant 0 : i32
      %sign3A_61 = arith.cmpi slt, %jit3A, %sign3A_60 : i32
      %sign3A_62 = arith.extui %sign3A_61 : i1 to i32
      %sign3A_63 = arith.subi %sign3A_59, %sign3A_62 : i32
      %ne3A = arith.cmpi ne, %sign3A_56, %sign3A_63 : i32
      %rem3A = arith.remsi %add3A_45, %jit3A : i32
      %ne3A_64 = arith.constant 0 : i32
      %ne3A_65 = arith.cmpi ne, %rem3A, %ne3A_64 : i32
      %and3A = arith.andi %ne3A, %ne3A_65 : i1
      %sub3A = arith.constant 1 : i32
      %sub3A_66 = arith.subi %div3A, %sub3A : i32
      %select_n3A = arith.select %and3A, %sub3A_66, %div3A : i32
      %mul3A_67 = arith.constant 1024 : i32
      %mul3A_68 = arith.muli %select_n3A, %mul3A_67 : i32
      %scan3A_69 = arith.constant 0 : i32
      %scan3A_70 = arith.constant 0 : i32
      %scan3A_71 = arith.constant 64 : i32
      %scan3A_72 = arith.addi %scan3A_70, %scan3A_71 : i32
      %scan3A_73 = arith.constant 1 : i32
      %scan3A_74 = scf.for %scan3A_210 = %scan3A_70 to %scan3A_72 step %scan3A_73 iter_args(%scan3A_211 = %scan3A_69) -> (i32)  : i32 {
        %mul3A_212 = arith.constant 16 : i32
        %mul3A_213 = arith.muli %scan3A_210, %mul3A_212 : i32
        %add3A_214 = arith.addi %mul3A_68, %mul3A_213 : i32
        %get3A = arith.index_cast %add3A_214 : i32 to index
        %get3A_215 = tpu.vector_load %arg5[%get3A] {strides = array<i32>} : memref<25600xf32, #tpu.memory_space<vmem>>, vector<16xf32>,
        %get3A_216 = vector.shape_cast %get3A_215 : vector<16xf32> to vector<16xf32>
        %mul3A_217 = arith.constant 16 : i32
        %mul3A_218 = arith.muli %scan3A_210, %mul3A_217 : i32
        %add3A_219 = arith.constant 0 : i32
        %add3A_220 = arith.addi %add3A_219, %mul3A_218 : i32
        %get3A_221 = arith.index_cast %add3A_220 : i32 to index
        %get3A_222 = tpu.vector_load %arg6[%get3A_221] {strides = array<i32>} : memref<32768xf32, #tpu.memory_space<vmem>>, vector<16xf32>,
        %get3A_223 = vector.shape_cast %get3A_222 : vector<16xf32> to vector<16xf32>
        %add3A_224 = arith.addf %get3A_223, %get3A_216 : vector<16xf32>
        %mul3A_225 = arith.constant 16 : i32
        %mul3A_226 = arith.muli %scan3A_210, %mul3A_225 : i32
        %add3A_227 = arith.constant 0 : i32
        %add3A_228 = arith.addi %add3A_227, %mul3A_226 : i32
        %swap3A = arith.index_cast %add3A_228 : i32 to index
        %swap3A_229 = tpu.vector_load %arg6[%swap3A] {strides = array<i32>} : memref<32768xf32, #tpu.memory_space<vmem>>, vector<16xf32>,
        %swap3A_230 = vector.shape_cast %swap3A_229 : vector<16xf32> to vector<16xf32>
        %swap3A_231 = vector.shape_cast %add3A_224 : vector<16xf32> to vector<16xf32>
        tpu.vector_store %arg6[%swap3A], %swap3A_231 {strides = array<i32>} : memref<32768xf32, #tpu.memory_space<vmem>>, vector<16xf32>,
        %mul3A_232 = arith.constant 16 : i32
        %mul3A_233 = arith.muli %scan3A_210, %mul3A_232 : i32
        %add3A_234 = arith.constant 1024 : i32
        %add3A_235 = arith.addi %add3A_234, %mul3A_233 : i32
        %get3A_236 = arith.index_cast %add3A_235 : i32 to index
        %get3A_237 = tpu.vector_load %arg6[%get3A_236] {strides = array<i32>} : memref<32768xf32, #tpu.memory_space<vmem>>, vector<16xf32>,
        %get3A_238 = vector.shape_cast %get3A_237 : vector<16xf32> to vector<16xf32>
        %add3A_239 = arith.addf %get3A_238, %get3A_216 : vector<16xf32>
        %mul3A_240 = arith.constant 16 : i32
        %mul3A_241 = arith.muli %scan3A_210, %mul3A_240 : i32
        %add3A_242 = arith.constant 1024 : i32
        %add3A_243 = arith.addi %add3A_242, %mul3A_241 : i32
        %swap3A_244 = arith.index_cast %add3A_243 : i32 to index
        %swap3A_245 = tpu.vector_load %arg6[%swap3A_244] {strides = array<i32>} : memref<32768xf32, #tpu.memory_space<vmem>>, vector<16xf32>,
        %swap3A_246 = vector.shape_cast %swap3A_245 : vector<16xf32> to vector<16xf32>
        %swap3A_247 = vector.shape_cast %add3A_239 : vector<16xf32> to vector<16xf32>
        tpu.vector_store %arg6[%swap3A_244], %swap3A_247 {strides = array<i32>} : memref<32768xf32, #tpu.memory_space<vmem>>, vector<16xf32>,
        %mul3A_248 = arith.constant 16 : i32
        %mul3A_249 = arith.muli %scan3A_210, %mul3A_248 : i32
        %add3A_250 = arith.constant 2048 : i32
        %add3A_251 = arith.addi %add3A_250, %mul3A_249 : i32
        %get3A_252 = arith.index_cast %add3A_251 : i32 to index
        %get3A_253 = tpu.vector_load %arg6[%get3A_252] {strides = array<i32>} : memref<32768xf32, #tpu.memory_space<vmem>>, vector<16xf32>,
        %get3A_254 = vector.shape_cast %get3A_253 : vector<16xf32> to vector<16xf32>
        %add3A_255 = arith.addf %get3A_254, %get3A_216 : vector<16xf32>
        %mul3A_256 = arith.constant 16 : i32
        %mul3A_257 = arith.muli %scan3A_210, %mul3A_256 : i32
        %add3A_258 = arith.constant 2048 : i32
        %add3A_259 = arith.addi %add3A_258, %mul3A_257 : i32
        %swap3A_260 = arith.index_cast %add3A_259 : i32 to index
        %swap3A_261 = tpu.vector_load %arg6[%swap3A_260] {strides = array<i32>} : memref<32768xf32, #tpu.memory_space<vmem>>, vector<16xf32>,
        %swap3A_262 = vector.shape_cast %swap3A_261 : vector<16xf32> to vector<16xf32>
        %swap3A_263 = vector.shape_cast %add3A_255 : vector<16xf32> to vector<16xf32>
        tpu.vector_store %arg6[%swap3A_260], %swap3A_263 {strides = array<i32>} : memref<32768xf32, #tpu.memory_space<vmem>>, vector<16xf32>,
        %mul3A_264 = arith.constant 16 : i32
        %mul3A_265 = arith.muli %scan3A_210, %mul3A_264 : i32
        %add3A_266 = arith.constant 3072 : i32
        %add3A_267 = arith.addi %add3A_266, %mul3A_265 : i32
        %get3A_268 = arith.index_cast %add3A_267 : i32 to index
        %get3A_269 = tpu.vector_load %arg6[%get3A_268] {strides = array<i32>} : memref<32768xf32, #tpu.memory_space<vmem>>, vector<16xf32>,
        %get3A_270 = vector.shape_cast %get3A_269 : vector<16xf32> to vector<16xf32>
        %add3A_271 = arith.addf %get3A_270, %get3A_216 : vector<16xf32>
        %mul3A_272 = arith.constant 16 : i32
        %mul3A_273 = arith.muli %scan3A_210, %mul3A_272 : i32
        %add3A_274 = arith.constant 3072 : i32
        %add3A_275 = arith.addi %add3A_274, %mul3A_273 : i32
        %swap3A_276 = arith.index_cast %add3A_275 : i32 to index
        %swap3A_277 = tpu.vector_load %arg6[%swap3A_276] {strides = array<i32>} : memref<32768xf32, #tpu.memory_space<vmem>>, vector<16xf32>,
        %swap3A_278 = vector.shape_cast %swap3A_277 : vector<16xf32> to vector<16xf32>
        %swap3A_279 = vector.shape_cast %add3A_271 : vector<16xf32> to vector<16xf32>
        tpu.vector_store %arg6[%swap3A_276], %swap3A_279 {strides = array<i32>} : memref<32768xf32, #tpu.memory_space<vmem>>, vector<16xf32>,
        %mul3A_280 = arith.constant 16 : i32
        %mul3A_281 = arith.muli %scan3A_210, %mul3A_280 : i32
        %add3A_282 = arith.constant 4096 : i32
        %add3A_283 = arith.addi %add3A_282, %mul3A_281 : i32
        %get3A_284 = arith.index_cast %add3A_283 : i32 to index
        %get3A_285 = tpu.vector_load %arg6[%get3A_284] {strides = array<i32>} : memref<32768xf32, #tpu.memory_space<vmem>>, vector<16xf32>,
        %get3A_286 = vector.shape_cast %get3A_285 : vector<16xf32> to vector<16xf32>
        %add3A_287 = arith.addf %get3A_286, %get3A_216 : vector<16xf32>
        %mul3A_288 = arith.constant 16 : i32
        %mul3A_289 = arith.muli %scan3A_210, %mul3A_288 : i32
        %add3A_290 = arith.constant 4096 : i32
        %add3A_291 = arith.addi %add3A_290, %mul3A_289 : i32
        %swap3A_292 = arith.index_cast %add3A_291 : i32 to index
        %swap3A_293 = tpu.vector_load %arg6[%swap3A_292] {strides = array<i32>} : memref<32768xf32, #tpu.memory_space<vmem>>, vector<16xf32>,
        %swap3A_294 = vector.shape_cast %swap3A_293 : vector<16xf32> to vector<16xf32>
        %swap3A_295 = vector.shape_cast %add3A_287 : vector<16xf32> to vector<16xf32>
        tpu.vector_store %arg6[%swap3A_292], %swap3A_295 {strides = array<i32>} : memref<32768xf32, #tpu.memory_space<vmem>>, vector<16xf32>,
        %mul3A_296 = arith.constant 16 : i32
        %mul3A_297 = arith.muli %scan3A_210, %mul3A_296 : i32
        %add3A_298 = arith.constant 5120 : i32
        %add3A_299 = arith.addi %add3A_298, %mul3A_297 : i32
        %get3A_300 = arith.index_cast %add3A_299 : i32 to index
        %get3A_301 = tpu.vector_load %arg6[%get3A_300] {strides = array<i32>} : memref<32768xf32, #tpu.memory_space<vmem>>, vector<16xf32>,
        %get3A_302 = vector.shape_cast %get3A_301 : vector<16xf32> to vector<16xf32>
        %add3A_303 = arith.addf %get3A_302, %get3A_216 : vector<16xf32>
        %mul3A_304 = arith.constant 16 : i32
        %mul3A_305 = arith.muli %scan3A_210, %mul3A_304 : i32
        %add3A_306 = arith.constant 5120 : i32
        %add3A_307 = arith.addi %add3A_306, %mul3A_305 : i32
        %swap3A_308 = arith.index_cast %add3A_307 : i32 to index
        %swap3A_309 = tpu.vector_load %arg6[%swap3A_308] {strides = array<i32>} : memref<32768xf32, #tpu.memory_space<vmem>>, vector<16xf32>,
        %swap3A_310 = vector.shape_cast %swap3A_309 : vector<16xf32> to vector<16xf32>
        %swap3A_311 = vector.shape_cast %add3A_303 : vector<16xf32> to vector<16xf32>
        tpu.vector_store %arg6[%swap3A_308], %swap3A_311 {strides = array<i32>} : memref<32768xf32, #tpu.memory_space<vmem>>, vector<16xf32>,
        %mul3A_312 = arith.constant 16 : i32
        %mul3A_313 = arith.muli %scan3A_210, %mul3A_312 : i32
        %add3A_314 = arith.constant 6144 : i32
        %add3A_315 = arith.addi %add3A_314, %mul3A_313 : i32
        %get3A_316 = arith.index_cast %add3A_315 : i32 to index
        %get3A_317 = tpu.vector_load %arg6[%get3A_316] {strides = array<i32>} : memref<32768xf32, #tpu.memory_space<vmem>>, vector<16xf32>,
        %get3A_318 = vector.shape_cast %get3A_317 : vector<16xf32> to vector<16xf32>
        %add3A_319 = arith.addf %get3A_318, %get3A_216 : vector<16xf32>
        %mul3A_320 = arith.constant 16 : i32
        %mul3A_321 = arith.muli %scan3A_210, %mul3A_320 : i32
        %add3A_322 = arith.constant 6144 : i32
        %add3A_323 = arith.addi %add3A_322, %mul3A_321 : i32
        %swap3A_324 = arith.index_cast %add3A_323 : i32 to index
        %swap3A_325 = tpu.vector_load %arg6[%swap3A_324] {strides = array<i32>} : memref<32768xf32, #tpu.memory_space<vmem>>, vector<16xf32>,
        %swap3A_326 = vector.shape_cast %swap3A_325 : vector<16xf32> to vector<16xf32>
        %swap3A_327 = vector.shape_cast %add3A_319 : vector<16xf32> to vector<16xf32>
        tpu.vector_store %arg6[%swap3A_324], %swap3A_327 {strides = array<i32>} : memref<32768xf32, #tpu.memory_space<vmem>>, vector<16xf32>,
        %mul3A_328 = arith.constant 16 : i32
        %mul3A_329 = arith.muli %scan3A_210, %mul3A_328 : i32
        %add3A_330 = arith.constant 7168 : i32
        %add3A_331 = arith.addi %add3A_330, %mul3A_329 : i32
        %get3A_332 = arith.index_cast %add3A_331 : i32 to index
        %get3A_333 = tpu.vector_load %arg6[%get3A_332] {strides = array<i32>} : memref<32768xf32, #tpu.memory_space<vmem>>, vector<16xf32>,
        %get3A_334 = vector.shape_cast %get3A_333 : vector<16xf32> to vector<16xf32>
        %add3A_335 = arith.addf %get3A_334, %get3A_216 : vector<16xf32>
        %mul3A_336 = arith.constant 16 : i32
        %mul3A_337 = arith.muli %scan3A_210, %mul3A_336 : i32
        %add3A_338 = arith.constant 7168 : i32
        %add3A_339 = arith.addi %add3A_338, %mul3A_337 : i32
        %swap3A_340 = arith.index_cast %add3A_339 : i32 to index
        %swap3A_341 = tpu.vector_load %arg6[%swap3A_340] {strides = array<i32>} : memref<32768xf32, #tpu.memory_space<vmem>>, vector<16xf32>,
        %swap3A_342 = vector.shape_cast %swap3A_341 : vector<16xf32> to vector<16xf32>
        %swap3A_343 = vector.shape_cast %add3A_335 : vector<16xf32> to vector<16xf32>
        tpu.vector_store %arg6[%swap3A_340], %swap3A_343 {strides = array<i32>} : memref<32768xf32, #tpu.memory_space<vmem>>, vector<16xf32>,
        %mul3A_344 = arith.constant 16 : i32
        %mul3A_345 = arith.muli %scan3A_210, %mul3A_344 : i32
        %add3A_346 = arith.constant 8192 : i32
        %add3A_347 = arith.addi %add3A_346, %mul3A_345 : i32
        %get3A_348 = arith.index_cast %add3A_347 : i32 to index
        %get3A_349 = tpu.vector_load %arg6[%get3A_348] {strides = array<i32>} : memref<32768xf32, #tpu.memory_space<vmem>>, vector<16xf32>,
        %get3A_350 = vector.shape_cast %get3A_349 : vector<16xf32> to vector<16xf32>
        %add3A_351 = arith.addf %get3A_350, %get3A_216 : vector<16xf32>
        %mul3A_352 = arith.constant 16 : i32
        %mul3A_353 = arith.muli %scan3A_210, %mul3A_352 : i32
        %add3A_354 = arith.constant 8192 : i32
        %add3A_355 = arith.addi %add3A_354, %mul3A_353 : i32
        %swap3A_356 = arith.index_cast %add3A_355 : i32 to index
        %swap3A_357 = tpu.vector_load %arg6[%swap3A_356] {strides = array<i32>} : memref<32768xf32, #tpu.memory_space<vmem>>, vector<16xf32>,
        %swap3A_358 = vector.shape_cast %swap3A_357 : vector<16xf32> to vector<16xf32>
        %swap3A_359 = vector.shape_cast %add3A_351 : vector<16xf32> to vector<16xf32>
        tpu.vector_store %arg6[%swap3A_356], %swap3A_359 {strides = array<i32>} : memref<32768xf32, #tpu.memory_space<vmem>>, vector<16xf32>,
        %mul3A_360 = arith.constant 16 : i32
        %mul3A_361 = arith.muli %scan3A_210, %mul3A_360 : i32
        %add3A_362 = arith.constant 9216 : i32
        %add3A_363 = arith.addi %add3A_362, %mul3A_361 : i32
        %get3A_364 = arith.index_cast %add3A_363 : i32 to index
        %get3A_365 = tpu.vector_load %arg6[%get3A_364] {strides = array<i32>} : memref<32768xf32, #tpu.memory_space<vmem>>, vector<16xf32>,
        %get3A_366 = vector.shape_cast %get3A_365 : vector<16xf32> to vector<16xf32>
        %add3A_367 = arith.addf %get3A_366, %get3A_216 : vector<16xf32>
        %mul3A_368 = arith.constant 16 : i32
        %mul3A_369 = arith.muli %scan3A_210, %mul3A_368 : i32
        %add3A_370 = arith.constant 9216 : i32
        %add3A_371 = arith.addi %add3A_370, %mul3A_369 : i32
        %swap3A_372 = arith.index_cast %add3A_371 : i32 to index
        %swap3A_373 = tpu.vector_load %arg6[%swap3A_372] {strides = array<i32>} : memref<32768xf32, #tpu.memory_space<vmem>>, vector<16xf32>,
        %swap3A_374 = vector.shape_cast %swap3A_373 : vector<16xf32> to vector<16xf32>
        %swap3A_375 = vector.shape_cast %add3A_367 : vector<16xf32> to vector<16xf32>
        tpu.vector_store %arg6[%swap3A_372], %swap3A_375 {strides = array<i32>} : memref<32768xf32, #tpu.memory_space<vmem>>, vector<16xf32>,
        %mul3A_376 = arith.constant 16 : i32
        %mul3A_377 = arith.muli %scan3A_210, %mul3A_376 : i32
        %add3A_378 = arith.constant 10240 : i32
        %add3A_379 = arith.addi %add3A_378, %mul3A_377 : i32
        %get3A_380 = arith.index_cast %add3A_379 : i32 to index
        %get3A_381 = tpu.vector_load %arg6[%get3A_380] {strides = array<i32>} : memref<32768xf32, #tpu.memory_space<vmem>>, vector<16xf32>,
        %get3A_382 = vector.shape_cast %get3A_381 : vector<16xf32> to vector<16xf32>
        %add3A_383 = arith.addf %get3A_382, %get3A_216 : vector<16xf32>
        %mul3A_384 = arith.constant 16 : i32
        %mul3A_385 = arith.muli %scan3A_210, %mul3A_384 : i32
        %add3A_386 = arith.constant 10240 : i32
        %add3A_387 = arith.addi %add3A_386, %mul3A_385 : i32
        %swap3A_388 = arith.index_cast %add3A_387 : i32 to index
        %swap3A_389 = tpu.vector_load %arg6[%swap3A_388] {strides = array<i32>} : memref<32768xf32, #tpu.memory_space<vmem>>, vector<16xf32>,
        %swap3A_390 = vector.shape_cast %swap3A_389 : vector<16xf32> to vector<16xf32>
        %swap3A_391 = vector.shape_cast %add3A_383 : vector<16xf32> to vector<16xf32>
        tpu.vector_store %arg6[%swap3A_388], %swap3A_391 {strides = array<i32>} : memref<32768xf32, #tpu.memory_space<vmem>>, vector<16xf32>,
        %mul3A_392 = arith.constant 16 : i32
        %mul3A_393 = arith.muli %scan3A_210, %mul3A_392 : i32
        %add3A_394 = arith.constant 11264 : i32
        %add3A_395 = arith.addi %add3A_394, %mul3A_393 : i32
        %get3A_396 = arith.index_cast %add3A_395 : i32 to index
        %get3A_397 = tpu.vector_load %arg6[%get3A_396] {strides = array<i32>} : memref<32768xf32, #tpu.memory_space<vmem>>, vector<16xf32>,
        %get3A_398 = vector.shape_cast %get3A_397 : vector<16xf32> to vector<16xf32>
        %add3A_399 = arith.addf %get3A_398, %get3A_216 : vector<16xf32>
        %mul3A_400 = arith.constant 16 : i32
        %mul3A_401 = arith.muli %scan3A_210, %mul3A_400 : i32
        %add3A_402 = arith.constant 11264 : i32
        %add3A_403 = arith.addi %add3A_402, %mul3A_401 : i32
        %swap3A_404 = arith.index_cast %add3A_403 : i32 to index
        %swap3A_405 = tpu.vector_load %arg6[%swap3A_404] {strides = array<i32>} : memref<32768xf32, #tpu.memory_space<vmem>>, vector<16xf32>,
        %swap3A_406 = vector.shape_cast %swap3A_405 : vector<16xf32> to vector<16xf32>
        %swap3A_407 = vector.shape_cast %add3A_399 : vector<16xf32> to vector<16xf32>
        tpu.vector_store %arg6[%swap3A_404], %swap3A_407 {strides = array<i32>} : memref<32768xf32, #tpu.memory_space<vmem>>, vector<16xf32>,
        %mul3A_408 = arith.constant 16 : i32
        %mul3A_409 = arith.muli %scan3A_210, %mul3A_408 : i32
        %add3A_410 = arith.constant 12288 : i32
        %add3A_411 = arith.addi %add3A_410, %mul3A_409 : i32
        %get3A_412 = arith.index_cast %add3A_411 : i32 to index
        %get3A_413 = tpu.vector_load %arg6[%get3A_412] {strides = array<i32>} : memref<32768xf32, #tpu.memory_space<vmem>>, vector<16xf32>,
        %get3A_414 = vector.shape_cast %get3A_413 : vector<16xf32> to vector<16xf32>
        %add3A_415 = arith.addf %get3A_414, %get3A_216 : vector<16xf32>
        %mul3A_416 = arith.constant 16 : i32
        %mul3A_417 = arith.muli %scan3A_210, %mul3A_416 : i32
        %add3A_418 = arith.constant 12288 : i32
        %add3A_419 = arith.addi %add3A_418, %mul3A_417 : i32
        %swap3A_420 = arith.index_cast %add3A_419 : i32 to index
        %swap3A_421 = tpu.vector_load %arg6[%swap3A_420] {strides = array<i32>} : memref<32768xf32, #tpu.memory_space<vmem>>, vector<16xf32>,
        %swap3A_422 = vector.shape_cast %swap3A_421 : vector<16xf32> to vector<16xf32>
        %swap3A_423 = vector.shape_cast %add3A_415 : vector<16xf32> to vector<16xf32>
        tpu.vector_store %arg6[%swap3A_420], %swap3A_423 {strides = array<i32>} : memref<32768xf32, #tpu.memory_space<vmem>>, vector<16xf32>,
        %mul3A_424 = arith.constant 16 : i32
        %mul3A_425 = arith.muli %scan3A_210, %mul3A_424 : i32
        %add3A_426 = arith.constant 13312 : i32
        %add3A_427 = arith.addi %add3A_426, %mul3A_425 : i32
        %get3A_428 = arith.index_cast %add3A_427 : i32 to index
        %get3A_429 = tpu.vector_load %arg6[%get3A_428] {strides = array<i32>} : memref<32768xf32, #tpu.memory_space<vmem>>, vector<16xf32>,
        %get3A_430 = vector.shape_cast %get3A_429 : vector<16xf32> to vector<16xf32>
        %add3A_431 = arith.addf %get3A_430, %get3A_216 : vector<16xf32>
        %mul3A_432 = arith.constant 16 : i32
        %mul3A_433 = arith.muli %scan3A_210, %mul3A_432 : i32
        %add3A_434 = arith.constant 13312 : i32
        %add3A_435 = arith.addi %add3A_434, %mul3A_433 : i32
        %swap3A_436 = arith.index_cast %add3A_435 : i32 to index
        %swap3A_437 = tpu.vector_load %arg6[%swap3A_436] {strides = array<i32>} : memref<32768xf32, #tpu.memory_space<vmem>>, vector<16xf32>,
        %swap3A_438 = vector.shape_cast %swap3A_437 : vector<16xf32> to vector<16xf32>
        %swap3A_439 = vector.shape_cast %add3A_431 : vector<16xf32> to vector<16xf32>
        tpu.vector_store %arg6[%swap3A_436], %swap3A_439 {strides = array<i32>} : memref<32768xf32, #tpu.memory_space<vmem>>, vector<16xf32>,
        %mul3A_440 = arith.constant 16 : i32
        %mul3A_441 = arith.muli %scan3A_210, %mul3A_440 : i32
        %add3A_442 = arith.constant 14336 : i32
        %add3A_443 = arith.addi %add3A_442, %mul3A_441 : i32
        %get3A_444 = arith.index_cast %add3A_443 : i32 to index
        %get3A_445 = tpu.vector_load %arg6[%get3A_444] {strides = array<i32>} : memref<32768xf32, #tpu.memory_space<vmem>>, vector<16xf32>,
        %get3A_446 = vector.shape_cast %get3A_445 : vector<16xf32> to vector<16xf32>
        %add3A_447 = arith.addf %get3A_446, %get3A_216 : vector<16xf32>
        %mul3A_448 = arith.constant 16 : i32
        %mul3A_449 = arith.muli %scan3A_210, %mul3A_448 : i32
        %add3A_450 = arith.constant 14336 : i32
        %add3A_451 = arith.addi %add3A_450, %mul3A_449 : i32
        %swap3A_452 = arith.index_cast %add3A_451 : i32 to index
        %swap3A_453 = tpu.vector_load %arg6[%swap3A_452] {strides = array<i32>} : memref<32768xf32, #tpu.memory_space<vmem>>, vector<16xf32>,
        %swap3A_454 = vector.shape_cast %swap3A_453 : vector<16xf32> to vector<16xf32>
        %swap3A_455 = vector.shape_cast %add3A_447 : vector<16xf32> to vector<16xf32>
        tpu.vector_store %arg6[%swap3A_452], %swap3A_455 {strides = array<i32>} : memref<32768xf32, #tpu.memory_space<vmem>>, vector<16xf32>,
        %mul3A_456 = arith.constant 16 : i32
        %mul3A_457 = arith.muli %scan3A_210, %mul3A_456 : i32
        %add3A_458 = arith.constant 15360 : i32
        %add3A_459 = arith.addi %add3A_458, %mul3A_457 : i32
        %get3A_460 = arith.index_cast %add3A_459 : i32 to index
        %get3A_461 = tpu.vector_load %arg6[%get3A_460] {strides = array<i32>} : memref<32768xf32, #tpu.memory_space<vmem>>, vector<16xf32>,
        %get3A_462 = vector.shape_cast %get3A_461 : vector<16xf32> to vector<16xf32>
        %add3A_463 = arith.addf %get3A_462, %get3A_216 : vector<16xf32>
        %mul3A_464 = arith.constant 16 : i32
        %mul3A_465 = arith.muli %scan3A_210, %mul3A_464 : i32
        %add3A_466 = arith.constant 15360 : i32
        %add3A_467 = arith.addi %add3A_466, %mul3A_465 : i32
        %swap3A_468 = arith.index_cast %add3A_467 : i32 to index
        %swap3A_469 = tpu.vector_load %arg6[%swap3A_468] {strides = array<i32>} : memref<32768xf32, #tpu.memory_space<vmem>>, vector<16xf32>,
        %swap3A_470 = vector.shape_cast %swap3A_469 : vector<16xf32> to vector<16xf32>
        %swap3A_471 = vector.shape_cast %add3A_463 : vector<16xf32> to vector<16xf32>
        tpu.vector_store %arg6[%swap3A_468], %swap3A_471 {strides = array<i32>} : memref<32768xf32, #tpu.memory_space<vmem>>, vector<16xf32>,
        %mul3A_472 = arith.constant 16 : i32
        %mul3A_473 = arith.muli %scan3A_210, %mul3A_472 : i32
        %add3A_474 = arith.constant 16384 : i32
        %add3A_475 = arith.addi %add3A_474, %mul3A_473 : i32
        %get3A_476 = arith.index_cast %add3A_475 : i32 to index
        %get3A_477 = tpu.vector_load %arg6[%get3A_476] {strides = array<i32>} : memref<32768xf32, #tpu.memory_space<vmem>>, vector<16xf32>,
        %get3A_478 = vector.shape_cast %get3A_477 : vector<16xf32> to vector<16xf32>
        %add3A_479 = arith.addf %get3A_478, %get3A_216 : vector<16xf32>
        %mul3A_480 = arith.constant 16 : i32
        %mul3A_481 = arith.muli %scan3A_210, %mul3A_480 : i32
        %add3A_482 = arith.constant 16384 : i32
        %add3A_483 = arith.addi %add3A_482, %mul3A_481 : i32
        %swap3A_484 = arith.index_cast %add3A_483 : i32 to index
        %swap3A_485 = tpu.vector_load %arg6[%swap3A_484] {strides = array<i32>} : memref<32768xf32, #tpu.memory_space<vmem>>, vector<16xf32>,
        %swap3A_486 = vector.shape_cast %swap3A_485 : vector<16xf32> to vector<16xf32>
        %swap3A_487 = vector.shape_cast %add3A_479 : vector<16xf32> to vector<16xf32>
        tpu.vector_store %arg6[%swap3A_484], %swap3A_487 {strides = array<i32>} : memref<32768xf32, #tpu.memory_space<vmem>>, vector<16xf32>,
        %mul3A_488 = arith.constant 16 : i32
        %mul3A_489 = arith.muli %scan3A_210, %mul3A_488 : i32
        %add3A_490 = arith.constant 17408 : i32
        %add3A_491 = arith.addi %add3A_490, %mul3A_489 : i32
        %get3A_492 = arith.index_cast %add3A_491 : i32 to index
        %get3A_493 = tpu.vector_load %arg6[%get3A_492] {strides = array<i32>} : memref<32768xf32, #tpu.memory_space<vmem>>, vector<16xf32>,
        %get3A_494 = vector.shape_cast %get3A_493 : vector<16xf32> to vector<16xf32>
        %add3A_495 = arith.addf %get3A_494, %get3A_216 : vector<16xf32>
        %mul3A_496 = arith.constant 16 : i32
        %mul3A_497 = arith.muli %scan3A_210, %mul3A_496 : i32
        %add3A_498 = arith.constant 17408 : i32
        %add3A_499 = arith.addi %add3A_498, %mul3A_497 : i32
        %swap3A_500 = arith.index_cast %add3A_499 : i32 to index
        %swap3A_501 = tpu.vector_load %arg6[%swap3A_500] {strides = array<i32>} : memref<32768xf32, #tpu.memory_space<vmem>>, vector<16xf32>,
        %swap3A_502 = vector.shape_cast %swap3A_501 : vector<16xf32> to vector<16xf32>
        %swap3A_503 = vector.shape_cast %add3A_495 : vector<16xf32> to vector<16xf32>
        tpu.vector_store %arg6[%swap3A_500], %swap3A_503 {strides = array<i32>} : memref<32768xf32, #tpu.memory_space<vmem>>, vector<16xf32>,
        %mul3A_504 = arith.constant 16 : i32
        %mul3A_505 = arith.muli %scan3A_210, %mul3A_504 : i32
        %add3A_506 = arith.constant 18432 : i32
        %add3A_507 = arith.addi %add3A_506, %mul3A_505 : i32
        %get3A_508 = arith.index_cast %add3A_507 : i32 to index
        %get3A_509 = tpu.vector_load %arg6[%get3A_508] {strides = array<i32>} : memref<32768xf32, #tpu.memory_space<vmem>>, vector<16xf32>,
        %get3A_510 = vector.shape_cast %get3A_509 : vector<16xf32> to vector<16xf32>
        %add3A_511 = arith.addf %get3A_510, %get3A_216 : vector<16xf32>
        %mul3A_512 = arith.constant 16 : i32
        %mul3A_513 = arith.muli %scan3A_210, %mul3A_512 : i32
        %add3A_514 = arith.constant 18432 : i32
        %add3A_515 = arith.addi %add3A_514, %mul3A_513 : i32
        %swap3A_516 = arith.index_cast %add3A_515 : i32 to index
        %swap3A_517 = tpu.vector_load %arg6[%swap3A_516] {strides = array<i32>} : memref<32768xf32, #tpu.memory_space<vmem>>, vector<16xf32>,
        %swap3A_518 = vector.shape_cast %swap3A_517 : vector<16xf32> to vector<16xf32>
        %swap3A_519 = vector.shape_cast %add3A_511 : vector<16xf32> to vector<16xf32>
        tpu.vector_store %arg6[%swap3A_516], %swap3A_519 {strides = array<i32>} : memref<32768xf32, #tpu.memory_space<vmem>>, vector<16xf32>,
        %mul3A_520 = arith.constant 16 : i32
        %mul3A_521 = arith.muli %scan3A_210, %mul3A_520 : i32
        %add3A_522 = arith.constant 19456 : i32
        %add3A_523 = arith.addi %add3A_522, %mul3A_521 : i32
        %get3A_524 = arith.index_cast %add3A_523 : i32 to index
        %get3A_525 = tpu.vector_load %arg6[%get3A_524] {strides = array<i32>} : memref<32768xf32, #tpu.memory_space<vmem>>, vector<16xf32>,
        %get3A_526 = vector.shape_cast %get3A_525 : vector<16xf32> to vector<16xf32>
        %add3A_527 = arith.addf %get3A_526, %get3A_216 : vector<16xf32>
        %mul3A_528 = arith.constant 16 : i32
        %mul3A_529 = arith.muli %scan3A_210, %mul3A_528 : i32
        %add3A_530 = arith.constant 19456 : i32
        %add3A_531 = arith.addi %add3A_530, %mul3A_529 : i32
        %swap3A_532 = arith.index_cast %add3A_531 : i32 to index
        %swap3A_533 = tpu.vector_load %arg6[%swap3A_532] {strides = array<i32>} : memref<32768xf32, #tpu.memory_space<vmem>>, vector<16xf32>,
        %swap3A_534 = vector.shape_cast %swap3A_533 : vector<16xf32> to vector<16xf32>
        %swap3A_535 = vector.shape_cast %add3A_527 : vector<16xf32> to vector<16xf32>
        tpu.vector_store %arg6[%swap3A_532], %swap3A_535 {strides = array<i32>} : memref<32768xf32, #tpu.memory_space<vmem>>, vector<16xf32>,
        %mul3A_536 = arith.constant 16 : i32
        %mul3A_537 = arith.muli %scan3A_210, %mul3A_536 : i32
        %add3A_538 = arith.constant 20480 : i32
        %add3A_539 = arith.addi %add3A_538, %mul3A_537 : i32
        %get3A_540 = arith.index_cast %add3A_539 : i32 to index
        %get3A_541 = tpu.vector_load %arg6[%get3A_540] {strides = array<i32>} : memref<32768xf32, #tpu.memory_space<vmem>>, vector<16xf32>,
        %get3A_542 = vector.shape_cast %get3A_541 : vector<16xf32> to vector<16xf32>
        %add3A_543 = arith.addf %get3A_542, %get3A_216 : vector<16xf32>
        %mul3A_544 = arith.constant 16 : i32
        %mul3A_545 = arith.muli %scan3A_210, %mul3A_544 : i32
        %add3A_546 = arith.constant 20480 : i32
        %add3A_547 = arith.addi %add3A_546, %mul3A_545 : i32
        %swap3A_548 = arith.index_cast %add3A_547 : i32 to index
        %swap3A_549 = tpu.vector_load %arg6[%swap3A_548] {strides = array<i32>} : memref<32768xf32, #tpu.memory_space<vmem>>, vector<16xf32>,
        %swap3A_550 = vector.shape_cast %swap3A_549 : vector<16xf32> to vector<16xf32>
        %swap3A_551 = vector.shape_cast %add3A_543 : vector<16xf32> to vector<16xf32>
        tpu.vector_store %arg6[%swap3A_548], %swap3A_551 {strides = array<i32>} : memref<32768xf32, #tpu.memory_space<vmem>>, vector<16xf32>,
        %mul3A_552 = arith.constant 16 : i32
        %mul3A_553 = arith.muli %scan3A_210, %mul3A_552 : i32
        %add3A_554 = arith.constant 21504 : i32
        %add3A_555 = arith.addi %add3A_554, %mul3A_553 : i32
        %get3A_556 = arith.index_cast %add3A_555 : i32 to index
        %get3A_557 = tpu.vector_load %arg6[%get3A_556] {strides = array<i32>} : memref<32768xf32, #tpu.memory_space<vmem>>, vector<16xf32>,
        %get3A_558 = vector.shape_cast %get3A_557 : vector<16xf32> to vector<16xf32>
        %add3A_559 = arith.addf %get3A_558, %get3A_216 : vector<16xf32>
        %mul3A_560 = arith.constant 16 : i32
        %mul3A_561 = arith.muli %scan3A_210, %mul3A_560 : i32
        %add3A_562 = arith.constant 21504 : i32
        %add3A_563 = arith.addi %add3A_562, %mul3A_561 : i32
        %swap3A_564 = arith.index_cast %add3A_563 : i32 to index
        %swap3A_565 = tpu.vector_load %arg6[%swap3A_564] {strides = array<i32>} : memref<32768xf32, #tpu.memory_space<vmem>>, vector<16xf32>,
        %swap3A_566 = vector.shape_cast %swap3A_565 : vector<16xf32> to vector<16xf32>
        %swap3A_567 = vector.shape_cast %add3A_559 : vector<16xf32> to vector<16xf32>
        tpu.vector_store %arg6[%swap3A_564], %swap3A_567 {strides = array<i32>} : memref<32768xf32, #tpu.memory_space<vmem>>, vector<16xf32>,
        %mul3A_568 = arith.constant 16 : i32
        %mul3A_569 = arith.muli %scan3A_210, %mul3A_568 : i32
        %add3A_570 = arith.constant 22528 : i32
        %add3A_571 = arith.addi %add3A_570, %mul3A_569 : i32
        %get3A_572 = arith.index_cast %add3A_571 : i32 to index
        %get3A_573 = tpu.vector_load %arg6[%get3A_572] {strides = array<i32>} : memref<32768xf32, #tpu.memory_space<vmem>>, vector<16xf32>,
        %get3A_574 = vector.shape_cast %get3A_573 : vector<16xf32> to vector<16xf32>
        %add3A_575 = arith.addf %get3A_574, %get3A_216 : vector<16xf32>
        %mul3A_576 = arith.constant 16 : i32
        %mul3A_577 = arith.muli %scan3A_210, %mul3A_576 : i32
        %add3A_578 = arith.constant 22528 : i32
        %add3A_579 = arith.addi %add3A_578, %mul3A_577 : i32
        %swap3A_580 = arith.index_cast %add3A_579 : i32 to index
        %swap3A_581 = tpu.vector_load %arg6[%swap3A_580] {strides = array<i32>} : memref<32768xf32, #tpu.memory_space<vmem>>, vector<16xf32>,
        %swap3A_582 = vector.shape_cast %swap3A_581 : vector<16xf32> to vector<16xf32>
        %swap3A_583 = vector.shape_cast %add3A_575 : vector<16xf32> to vector<16xf32>
        tpu.vector_store %arg6[%swap3A_580], %swap3A_583 {strides = array<i32>} : memref<32768xf32, #tpu.memory_space<vmem>>, vector<16xf32>,
        %mul3A_584 = arith.constant 16 : i32
        %mul3A_585 = arith.muli %scan3A_210, %mul3A_584 : i32
        %add3A_586 = arith.constant 23552 : i32
        %add3A_587 = arith.addi %add3A_586, %mul3A_585 : i32
        %get3A_588 = arith.index_cast %add3A_587 : i32 to index
        %get3A_589 = tpu.vector_load %arg6[%get3A_588] {strides = array<i32>} : memref<32768xf32, #tpu.memory_space<vmem>>, vector<16xf32>,
        %get3A_590 = vector.shape_cast %get3A_589 : vector<16xf32> to vector<16xf32>
        %add3A_591 = arith.addf %get3A_590, %get3A_216 : vector<16xf32>
        %mul3A_592 = arith.constant 16 : i32
        %mul3A_593 = arith.muli %scan3A_210, %mul3A_592 : i32
        %add3A_594 = arith.constant 23552 : i32
        %add3A_595 = arith.addi %add3A_594, %mul3A_593 : i32
        %swap3A_596 = arith.index_cast %add3A_595 : i32 to index
        %swap3A_597 = tpu.vector_load %arg6[%swap3A_596] {strides = array<i32>} : memref<32768xf32, #tpu.memory_space<vmem>>, vector<16xf32>,
        %swap3A_598 = vector.shape_cast %swap3A_597 : vector<16xf32> to vector<16xf32>
        %swap3A_599 = vector.shape_cast %add3A_591 : vector<16xf32> to vector<16xf32>
        tpu.vector_store %arg6[%swap3A_596], %swap3A_599 {strides = array<i32>} : memref<32768xf32, #tpu.memory_space<vmem>>, vector<16xf32>,
        %mul3A_600 = arith.constant 16 : i32
        %mul3A_601 = arith.muli %scan3A_210, %mul3A_600 : i32
        %add3A_602 = arith.constant 24576 : i32
        %add3A_603 = arith.addi %add3A_602, %mul3A_601 : i32
        %get3A_604 = arith.index_cast %add3A_603 : i32 to index
        %get3A_605 = tpu.vector_load %arg6[%get3A_604] {strides = array<i32>} : memref<32768xf32, #tpu.memory_space<vmem>>, vector<16xf32>,
        %get3A_606 = vector.shape_cast %get3A_605 : vector<16xf32> to vector<16xf32>
        %add3A_607 = arith.addf %get3A_606, %get3A_216 : vector<16xf32>
        %mul3A_608 = arith.constant 16 : i32
        %mul3A_609 = arith.muli %scan3A_210, %mul3A_608 : i32
        %add3A_610 = arith.constant 24576 : i32
        %add3A_611 = arith.addi %add3A_610, %mul3A_609 : i32
        %swap3A_612 = arith.index_cast %add3A_611 : i32 to index
        %swap3A_613 = tpu.vector_load %arg6[%swap3A_612] {strides = array<i32>} : memref<32768xf32, #tpu.memory_space<vmem>>, vector<16xf32>,
        %swap3A_614 = vector.shape_cast %swap3A_613 : vector<16xf32> to vector<16xf32>
        %swap3A_615 = vector.shape_cast %add3A_607 : vector<16xf32> to vector<16xf32>
        tpu.vector_store %arg6[%swap3A_612], %swap3A_615 {strides = array<i32>} : memref<32768xf32, #tpu.memory_space<vmem>>, vector<16xf32>,
        %mul3A_616 = arith.constant 16 : i32
        %mul3A_617 = arith.muli %scan3A_210, %mul3A_616 : i32
        %add3A_618 = arith.constant 25600 : i32
        %add3A_619 = arith.addi %add3A_618, %mul3A_617 : i32
        %get3A_620 = arith.index_cast %add3A_619 : i32 to index
        %get3A_621 = tpu.vector_load %arg6[%get3A_620] {strides = array<i32>} : memref<32768xf32, #tpu.memory_space<vmem>>, vector<16xf32>,
        %get3A_622 = vector.shape_cast %get3A_621 : vector<16xf32> to vector<16xf32>
        %add3A_623 = arith.addf %get3A_622, %get3A_216 : vector<16xf32>
        %mul3A_624 = arith.constant 16 : i32
        %mul3A_625 = arith.muli %scan3A_210, %mul3A_624 : i32
        %add3A_626 = arith.constant 25600 : i32
        %add3A_627 = arith.addi %add3A_626, %mul3A_625 : i32
        %swap3A_628 = arith.index_cast %add3A_627 : i32 to index
        %swap3A_629 = tpu.vector_load %arg6[%swap3A_628] {strides = array<i32>} : memref<32768xf32, #tpu.memory_space<vmem>>, vector<16xf32>,
        %swap3A_630 = vector.shape_cast %swap3A_629 : vector<16xf32> to vector<16xf32>
        %swap3A_631 = vector.shape_cast %add3A_623 : vector<16xf32> to vector<16xf32>
        tpu.vector_store %arg6[%swap3A_628], %swap3A_631 {strides = array<i32>} : memref<32768xf32, #tpu.memory_space<vmem>>, vector<16xf32>,
        %mul3A_632 = arith.constant 16 : i32
        %mul3A_633 = arith.muli %scan3A_210, %mul3A_632 : i32
        %add3A_634 = arith.constant 26624 : i32
        %add3A_635 = arith.addi %add3A_634, %mul3A_633 : i32
        %get3A_636 = arith.index_cast %add3A_635 : i32 to index
        %get3A_637 = tpu.vector_load %arg6[%get3A_636] {strides = array<i32>} : memref<32768xf32, #tpu.memory_space<vmem>>, vector<16xf32>,
        %get3A_638 = vector.shape_cast %get3A_637 : vector<16xf32> to vector<16xf32>
        %add3A_639 = arith.addf %get3A_638, %get3A_216 : vector<16xf32>
        %mul3A_640 = arith.constant 16 : i32
        %mul3A_641 = arith.muli %scan3A_210, %mul3A_640 : i32
        %add3A_642 = arith.constant 26624 : i32
        %add3A_643 = arith.addi %add3A_642, %mul3A_641 : i32
        %swap3A_644 = arith.index_cast %add3A_643 : i32 to index
        %swap3A_645 = tpu.vector_load %arg6[%swap3A_644] {strides = array<i32>} : memref<32768xf32, #tpu.memory_space<vmem>>, vector<16xf32>,
        %swap3A_646 = vector.shape_cast %swap3A_645 : vector<16xf32> to vector<16xf32>
        %swap3A_647 = vector.shape_cast %add3A_639 : vector<16xf32> to vector<16xf32>
        tpu.vector_store %arg6[%swap3A_644], %swap3A_647 {strides = array<i32>} : memref<32768xf32, #tpu.memory_space<vmem>>, vector<16xf32>,
        %mul3A_648 = arith.constant 16 : i32
        %mul3A_649 = arith.muli %scan3A_210, %mul3A_648 : i32
        %add3A_650 = arith.constant 27648 : i32
        %add3A_651 = arith.addi %add3A_650, %mul3A_649 : i32
        %get3A_652 = arith.index_cast %add3A_651 : i32 to index
        %get3A_653 = tpu.vector_load %arg6[%get3A_652] {strides = array<i32>} : memref<32768xf32, #tpu.memory_space<vmem>>, vector<16xf32>,
        %get3A_654 = vector.shape_cast %get3A_653 : vector<16xf32> to vector<16xf32>
        %add3A_655 = arith.addf %get3A_654, %get3A_216 : vector<16xf32>
        %mul3A_656 = arith.constant 16 : i32
        %mul3A_657 = arith.muli %scan3A_210, %mul3A_656 : i32
        %add3A_658 = arith.constant 27648 : i32
        %add3A_659 = arith.addi %add3A_658, %mul3A_657 : i32
        %swap3A_660 = arith.index_cast %add3A_659 : i32 to index
        %swap3A_661 = tpu.vector_load %arg6[%swap3A_660] {strides = array<i32>} : memref<32768xf32, #tpu.memory_space<vmem>>, vector<16xf32>,
        %swap3A_662 = vector.shape_cast %swap3A_661 : vector<16xf32> to vector<16xf32>
        %swap3A_663 = vector.shape_cast %add3A_655 : vector<16xf32> to vector<16xf32>
        tpu.vector_store %arg6[%swap3A_660], %swap3A_663 {strides = array<i32>} : memref<32768xf32, #tpu.memory_space<vmem>>, vector<16xf32>,
        %mul3A_664 = arith.constant 16 : i32
        %mul3A_665 = arith.muli %scan3A_210, %mul3A_664 : i32
        %add3A_666 = arith.constant 28672 : i32
        %add3A_667 = arith.addi %add3A_666, %mul3A_665 : i32
        %get3A_668 = arith.index_cast %add3A_667 : i32 to index
        %get3A_669 = tpu.vector_load %arg6[%get3A_668] {strides = array<i32>} : memref<32768xf32, #tpu.memory_space<vmem>>, vector<16xf32>,
        %get3A_670 = vector.shape_cast %get3A_669 : vector<16xf32> to vector<16xf32>
        %add3A_671 = arith.addf %get3A_670, %get3A_216 : vector<16xf32>
        %mul3A_672 = arith.constant 16 : i32
        %mul3A_673 = arith.muli %scan3A_210, %mul3A_672 : i32
        %add3A_674 = arith.constant 28672 : i32
        %add3A_675 = arith.addi %add3A_674, %mul3A_673 : i32
        %swap3A_676 = arith.index_cast %add3A_675 : i32 to index
        %swap3A_677 = tpu.vector_load %arg6[%swap3A_676] {strides = array<i32>} : memref<32768xf32, #tpu.memory_space<vmem>>, vector<16xf32>,
        %swap3A_678 = vector.shape_cast %swap3A_677 : vector<16xf32> to vector<16xf32>
        %swap3A_679 = vector.shape_cast %add3A_671 : vector<16xf32> to vector<16xf32>
        tpu.vector_store %arg6[%swap3A_676], %swap3A_679 {strides = array<i32>} : memref<32768xf32, #tpu.memory_space<vmem>>, vector<16xf32>,
        %mul3A_680 = arith.constant 16 : i32
        %mul3A_681 = arith.muli %scan3A_210, %mul3A_680 : i32
        %add3A_682 = arith.constant 29696 : i32
        %add3A_683 = arith.addi %add3A_682, %mul3A_681 : i32
        %get3A_684 = arith.index_cast %add3A_683 : i32 to index
        %get3A_685 = tpu.vector_load %arg6[%get3A_684] {strides = array<i32>} : memref<32768xf32, #tpu.memory_space<vmem>>, vector<16xf32>,
        %get3A_686 = vector.shape_cast %get3A_685 : vector<16xf32> to vector<16xf32>
        %add3A_687 = arith.addf %get3A_686, %get3A_216 : vector<16xf32>
        %mul3A_688 = arith.constant 16 : i32
        %mul3A_689 = arith.muli %scan3A_210, %mul3A_688 : i32
        %add3A_690 = arith.constant 29696 : i32
        %add3A_691 = arith.addi %add3A_690, %mul3A_689 : i32
        %swap3A_692 = arith.index_cast %add3A_691 : i32 to index
        %swap3A_693 = tpu.vector_load %arg6[%swap3A_692] {strides = array<i32>} : memref<32768xf32, #tpu.memory_space<vmem>>, vector<16xf32>,
        %swap3A_694 = vector.shape_cast %swap3A_693 : vector<16xf32> to vector<16xf32>
        %swap3A_695 = vector.shape_cast %add3A_687 : vector<16xf32> to vector<16xf32>
        tpu.vector_store %arg6[%swap3A_692], %swap3A_695 {strides = array<i32>} : memref<32768xf32, #tpu.memory_space<vmem>>, vector<16xf32>,
        %mul3A_696 = arith.constant 16 : i32
        %mul3A_697 = arith.muli %scan3A_210, %mul3A_696 : i32
        %add3A_698 = arith.constant 30720 : i32
        %add3A_699 = arith.addi %add3A_698, %mul3A_697 : i32
        %get3A_700 = arith.index_cast %add3A_699 : i32 to index
        %get3A_701 = tpu.vector_load %arg6[%get3A_700] {strides = array<i32>} : memref<32768xf32, #tpu.memory_space<vmem>>, vector<16xf32>,
        %get3A_702 = vector.shape_cast %get3A_701 : vector<16xf32> to vector<16xf32>
        %add3A_703 = arith.addf %get3A_702, %get3A_216 : vector<16xf32>
        %mul3A_704 = arith.constant 16 : i32
        %mul3A_705 = arith.muli %scan3A_210, %mul3A_704 : i32
        %add3A_706 = arith.constant 30720 : i32
        %add3A_707 = arith.addi %add3A_706, %mul3A_705 : i32
        %swap3A_708 = arith.index_cast %add3A_707 : i32 to index
        %swap3A_709 = tpu.vector_load %arg6[%swap3A_708] {strides = array<i32>} : memref<32768xf32, #tpu.memory_space<vmem>>, vector<16xf32>,
        %swap3A_710 = vector.shape_cast %swap3A_709 : vector<16xf32> to vector<16xf32>
        %swap3A_711 = vector.shape_cast %add3A_703 : vector<16xf32> to vector<16xf32>
        tpu.vector_store %arg6[%swap3A_708], %swap3A_711 {strides = array<i32>} : memref<32768xf32, #tpu.memory_space<vmem>>, vector<16xf32>,
        %mul3A_712 = arith.constant 16 : i32
        %mul3A_713 = arith.muli %scan3A_210, %mul3A_712 : i32
        %add3A_714 = arith.constant 31744 : i32
        %add3A_715 = arith.addi %add3A_714, %mul3A_713 : i32
        %get3A_716 = arith.index_cast %add3A_715 : i32 to index
        %get3A_717 = tpu.vector_load %arg6[%get3A_716] {strides = array<i32>} : memref<32768xf32, #tpu.memory_space<vmem>>, vector<16xf32>,
        %get3A_718 = vector.shape_cast %get3A_717 : vector<16xf32> to vector<16xf32>
        %add3A_719 = arith.addf %get3A_718, %get3A_216 : vector<16xf32>
        %mul3A_720 = arith.constant 16 : i32
        %mul3A_721 = arith.muli %scan3A_210, %mul3A_720 : i32
        %add3A_722 = arith.constant 31744 : i32
        %add3A_723 = arith.addi %add3A_722, %mul3A_721 : i32
        %swap3A_724 = arith.index_cast %add3A_723 : i32 to index
        %swap3A_725 = tpu.vector_load %arg6[%swap3A_724] {strides = array<i32>} : memref<32768xf32, #tpu.memory_space<vmem>>, vector<16xf32>,
        %swap3A_726 = vector.shape_cast %swap3A_725 : vector<16xf32> to vector<16xf32>
        %swap3A_727 = vector.shape_cast %add3A_719 : vector<16xf32> to vector<16xf32>
        tpu.vector_store %arg6[%swap3A_724], %swap3A_727 {strides = array<i32>} : memref<32768xf32, #tpu.memory_space<vmem>>, vector<16xf32>,
        %scan3A_728 = arith.constant 0 : i32
        scf.yield %scan3A_728 : i32
      }
      %scan3A_75 = arith.constant 64 : i32
      %mul3A_76 = arith.constant 32768 : i32
      %mul3A_77 = arith.muli %add3A_45, %mul3A_76 : i32
      %add3A_78 = arith.addi %mul3A_2, %mul3A_77 : i32
      %dma_start3A_79 = tpu.memref_slice %arg4[%add3A_78] : memref<104857600xf32, #tpu.memory_space<hbm>> -> memref<32768xf32, #tpu.memory_space<hbm>>
      %dma_start3A_80 = tpu.memref_slice %arg4[%add3A_78] : memref<104857600xf32, #tpu.memory_space<hbm>> -> memref<32768xf32, #tpu.memory_space<hbm>>
      tpu.enqueue_dma source(%arg6 : memref<32768xf32, #tpu.memory_space<vmem>>) target(%dma_start3A_80 : memref<32768xf32, #tpu.memory_space<hbm>>) target_semaphore(%arg12 : memref<!tpu.dma_semaphore, #tpu.memory_space<semaphore_mem>>)
      %ge3A = arith.constant 1 : i32
      %ge3A_81 = arith.cmpi sge, %add3A_45, %ge3A : i32
      %convert_element_type3A = arith.extui %ge3A_81 : i1 to i32
      %cond3A = arith.constant 0 : i32
      %cond3A_82 = arith.cmpi ne, %convert_element_type3A, %cond3A : i32
      scf.if %cond3A_82 {
        %sub3A_210 = arith.constant 1 : i32
        %sub3A_211 = arith.subi %add3A_45, %sub3A_210 : i32
        %mul3A_212 = arith.constant 32768 : i32
        %mul3A_213 = arith.muli %sub3A_211, %mul3A_212 : i32
        %add3A_214 = arith.addi %mul3A_2, %mul3A_213 : i32
        %dma_wait3A_215 = tpu.memref_slice %arg4[%add3A_214] : memref<104857600xf32, #tpu.memory_space<hbm>> -> memref<32768xf32, #tpu.memory_space<hbm>>
        %dma_wait3A_216 = tpu.memref_slice %arg4[%add3A_214] : memref<104857600xf32, #tpu.memory_space<hbm>> -> memref<32768xf32, #tpu.memory_space<hbm>>
        tpu.wait_dma2 semaphore(%arg14 : memref<!tpu.dma_semaphore, #tpu.memory_space<semaphore_mem>>) src(%arg8 : memref<32768xf32, #tpu.memory_space<vmem>>) dst(%dma_wait3A_216 : memref<32768xf32, #tpu.memory_space<hbm>>)
      } else {
      }
      %add3A_83 = arith.constant 3 : i32
      %add3A_84 = arith.addi %add3A_45, %add3A_83 : i32
      %sub3A_85 = arith.constant 1 : i32
      %sub3A_86 = arith.subi %add3A_84, %sub3A_85 : i32
      %lt3A = arith.constant 100 : i32
      %lt3A_87 = arith.cmpi slt, %sub3A_86, %lt3A : i32
      %convert_element_type3A_88 = arith.extui %lt3A_87 : i1 to i32
      %cond3A_89 = arith.constant 0 : i32
      %cond3A_90 = arith.cmpi ne, %convert_element_type3A_88, %cond3A_89 : i32
      scf.if %cond3A_90 {
        %add3A_210 = arith.constant 3 : i32
        %add3A_211 = arith.addi %add3A_45, %add3A_210 : i32
        %sub3A_212 = arith.constant 1 : i32
        %sub3A_213 = arith.subi %add3A_211, %sub3A_212 : i32
        %mul3A_214 = arith.constant 32768 : i32
        %mul3A_215 = arith.muli %sub3A_213, %mul3A_214 : i32
        %add3A_216 = arith.addi %mul3A_2, %mul3A_215 : i32
        %dma_start3A_217 = tpu.memref_slice %arg2[%add3A_216] : memref<104857600xf32, #tpu.memory_space<hbm>> -> memref<32768xf32, #tpu.memory_space<hbm>>
        %dma_start3A_218 = tpu.memref_slice %arg2[%add3A_216] : memref<104857600xf32, #tpu.memory_space<hbm>> -> memref<32768xf32, #tpu.memory_space<hbm>>
        tpu.enqueue_dma source(%dma_start3A_218 : memref<32768xf32, #tpu.memory_space<hbm>>) target(%arg8 : memref<32768xf32, #tpu.memory_space<vmem>>) target_semaphore(%arg11 : memref<!tpu.dma_semaphore, #tpu.memory_space<semaphore_mem>>)
      } else {
      }
      %add3A_91 = arith.constant 1 : i32
      %add3A_92 = arith.addi %mul3A_43, %add3A_91 : i32
      %mul3A_93 = arith.constant 32768 : i32
      %mul3A_94 = arith.muli %add3A_92, %mul3A_93 : i32
      %add3A_95 = arith.addi %mul3A_2, %mul3A_94 : i32
      %dma_wait3A_96 = tpu.memref_slice %arg2[%add3A_95] : memref<104857600xf32, #tpu.memory_space<hbm>> -> memref<32768xf32, #tpu.memory_space<hbm>>
      %dma_wait3A_97 = tpu.memref_slice %arg2[%add3A_95] : memref<104857600xf32, #tpu.memory_space<hbm>> -> memref<32768xf32, #tpu.memory_space<hbm>>
      tpu.wait_dma2 semaphore(%arg10 : memref<!tpu.dma_semaphore, #tpu.memory_space<semaphore_mem>>) src(%dma_wait3A_97 : memref<32768xf32, #tpu.memory_space<hbm>>) dst(%arg7 : memref<32768xf32, #tpu.memory_space<vmem>>)
      %jit3A_98 = arith.constant 4 : i32
      %div3A_99 = arith.divsi %add3A_92, %jit3A_98 : i32
      %sign3A_100 = arith.constant 0 : i32
      %sign3A_101 = arith.cmpi sgt, %add3A_92, %sign3A_100 : i32
      %sign3A_102 = arith.extui %sign3A_101 : i1 to i32
      %sign3A_103 = arith.constant 0 : i32
      %sign3A_104 = arith.cmpi slt, %add3A_92, %sign3A_103 : i32
      %sign3A_105 = arith.extui %sign3A_104 : i1 to i32
      %sign3A_106 = arith.subi %sign3A_102, %sign3A_105 : i32
      %sign3A_107 = arith.constant 0 : i32
      %sign3A_108 = arith.cmpi sgt, %jit3A_98, %sign3A_107 : i32
      %sign3A_109 = arith.extui %sign3A_108 : i1 to i32
      %sign3A_110 = arith.constant 0 : i32
      %sign3A_111 = arith.cmpi slt, %jit3A_98, %sign3A_110 : i32
      %sign3A_112 = arith.extui %sign3A_111 : i1 to i32
      %sign3A_113 = arith.subi %sign3A_109, %sign3A_112 : i32
      %ne3A_114 = arith.cmpi ne, %sign3A_106, %sign3A_113 : i32
      %rem3A_115 = arith.remsi %add3A_92, %jit3A_98 : i32
      %ne3A_116 = arith.constant 0 : i32
      %ne3A_117 = arith.cmpi ne, %rem3A_115, %ne3A_116 : i32
      %and3A_118 = arith.andi %ne3A_114, %ne3A_117 : i1
      %sub3A_119 = arith.constant 1 : i32
      %sub3A_120 = arith.subi %div3A_99, %sub3A_119 : i32
      %select_n3A_121 = arith.select %and3A_118, %sub3A_120, %div3A_99 : i32
      %mul3A_122 = arith.constant 1024 : i32
      %mul3A_123 = arith.muli %select_n3A_121, %mul3A_122 : i32
      %scan3A_124 = arith.constant 0 : i32
      %scan3A_125 = arith.constant 0 : i32
      %scan3A_126 = arith.constant 64 : i32
      %scan3A_127 = arith.addi %scan3A_125, %scan3A_126 : i32
      %scan3A_128 = arith.constant 1 : i32
      %scan3A_129 = scf.for %scan3A_210 = %scan3A_125 to %scan3A_127 step %scan3A_128 iter_args(%scan3A_211 = %scan3A_124) -> (i32)  : i32 {
        %mul3A_212 = arith.constant 16 : i32
        %mul3A_213 = arith.muli %scan3A_210, %mul3A_212 : i32
        %add3A_214 = arith.addi %mul3A_123, %mul3A_213 : i32
        %get3A = arith.index_cast %add3A_214 : i32 to index
        %get3A_215 = tpu.vector_load %arg5[%get3A] {strides = array<i32>} : memref<25600xf32, #tpu.memory_space<vmem>>, vector<16xf32>,
        %get3A_216 = vector.shape_cast %get3A_215 : vector<16xf32> to vector<16xf32>
        %mul3A_217 = arith.constant 16 : i32
        %mul3A_218 = arith.muli %scan3A_210, %mul3A_217 : i32
        %add3A_219 = arith.constant 0 : i32
        %add3A_220 = arith.addi %add3A_219, %mul3A_218 : i32
        %get3A_221 = arith.index_cast %add3A_220 : i32 to index
        %get3A_222 = tpu.vector_load %arg7[%get3A_221] {strides = array<i32>} : memref<32768xf32, #tpu.memory_space<vmem>>, vector<16xf32>,
        %get3A_223 = vector.shape_cast %get3A_222 : vector<16xf32> to vector<16xf32>
        %add3A_224 = arith.addf %get3A_223, %get3A_216 : vector<16xf32>
        %mul3A_225 = arith.constant 16 : i32
        %mul3A_226 = arith.muli %scan3A_210, %mul3A_225 : i32
        %add3A_227 = arith.constant 0 : i32
        %add3A_228 = arith.addi %add3A_227, %mul3A_226 : i32
        %swap3A = arith.index_cast %add3A_228 : i32 to index
        %swap3A_229 = tpu.vector_load %arg7[%swap3A] {strides = array<i32>} : memref<32768xf32, #tpu.memory_space<vmem>>, vector<16xf32>,
        %swap3A_230 = vector.shape_cast %swap3A_229 : vector<16xf32> to vector<16xf32>
        %swap3A_231 = vector.shape_cast %add3A_224 : vector<16xf32> to vector<16xf32>
        tpu.vector_store %arg7[%swap3A], %swap3A_231 {strides = array<i32>} : memref<32768xf32, #tpu.memory_space<vmem>>, vector<16xf32>,
        %mul3A_232 = arith.constant 16 : i32
        %mul3A_233 = arith.muli %scan3A_210, %mul3A_232 : i32
        %add3A_234 = arith.constant 1024 : i32
        %add3A_235 = arith.addi %add3A_234, %mul3A_233 : i32
        %get3A_236 = arith.index_cast %add3A_235 : i32 to index
        %get3A_237 = tpu.vector_load %arg7[%get3A_236] {strides = array<i32>} : memref<32768xf32, #tpu.memory_space<vmem>>, vector<16xf32>,
        %get3A_238 = vector.shape_cast %get3A_237 : vector<16xf32> to vector<16xf32>
        %add3A_239 = arith.addf %get3A_238, %get3A_216 : vector<16xf32>
        %mul3A_240 = arith.constant 16 : i32
        %mul3A_241 = arith.muli %scan3A_210, %mul3A_240 : i32
        %add3A_242 = arith.constant 1024 : i32
        %add3A_243 = arith.addi %add3A_242, %mul3A_241 : i32
        %swap3A_244 = arith.index_cast %add3A_243 : i32 to index
        %swap3A_245 = tpu.vector_load %arg7[%swap3A_244] {strides = array<i32>} : memref<32768xf32, #tpu.memory_space<vmem>>, vector<16xf32>,
        %swap3A_246 = vector.shape_cast %swap3A_245 : vector<16xf32> to vector<16xf32>
        %swap3A_247 = vector.shape_cast %add3A_239 : vector<16xf32> to vector<16xf32>
        tpu.vector_store %arg7[%swap3A_244], %swap3A_247 {strides = array<i32>} : memref<32768xf32, #tpu.memory_space<vmem>>, vector<16xf32>,
        %mul3A_248 = arith.constant 16 : i32
        %mul3A_249 = arith.muli %scan3A_210, %mul3A_248 : i32
        %add3A_250 = arith.constant 2048 : i32
        %add3A_251 = arith.addi %add3A_250, %mul3A_249 : i32
        %get3A_252 = arith.index_cast %add3A_251 : i32 to index
        %get3A_253 = tpu.vector_load %arg7[%get3A_252] {strides = array<i32>} : memref<32768xf32, #tpu.memory_space<vmem>>, vector<16xf32>,
        %get3A_254 = vector.shape_cast %get3A_253 : vector<16xf32> to vector<16xf32>
        %add3A_255 = arith.addf %get3A_254, %get3A_216 : vector<16xf32>
        %mul3A_256 = arith.constant 16 : i32
        %mul3A_257 = arith.muli %scan3A_210, %mul3A_256 : i32
        %add3A_258 = arith.constant 2048 : i32
        %add3A_259 = arith.addi %add3A_258, %mul3A_257 : i32
        %swap3A_260 = arith.index_cast %add3A_259 : i32 to index
        %swap3A_261 = tpu.vector_load %arg7[%swap3A_260] {strides = array<i32>} : memref<32768xf32, #tpu.memory_space<vmem>>, vector<16xf32>,
        %swap3A_262 = vector.shape_cast %swap3A_261 : vector<16xf32> to vector<16xf32>
        %swap3A_263 = vector.shape_cast %add3A_255 : vector<16xf32> to vector<16xf32>
        tpu.vector_store %arg7[%swap3A_260], %swap3A_263 {strides = array<i32>} : memref<32768xf32, #tpu.memory_space<vmem>>, vector<16xf32>,
        %mul3A_264 = arith.constant 16 : i32
        %mul3A_265 = arith.muli %scan3A_210, %mul3A_264 : i32
        %add3A_266 = arith.constant 3072 : i32
        %add3A_267 = arith.addi %add3A_266, %mul3A_265 : i32
        %get3A_268 = arith.index_cast %add3A_267 : i32 to index
        %get3A_269 = tpu.vector_load %arg7[%get3A_268] {strides = array<i32>} : memref<32768xf32, #tpu.memory_space<vmem>>, vector<16xf32>,
        %get3A_270 = vector.shape_cast %get3A_269 : vector<16xf32> to vector<16xf32>
        %add3A_271 = arith.addf %get3A_270, %get3A_216 : vector<16xf32>
        %mul3A_272 = arith.constant 16 : i32
        %mul3A_273 = arith.muli %scan3A_210, %mul3A_272 : i32
        %add3A_274 = arith.constant 3072 : i32
        %add3A_275 = arith.addi %add3A_274, %mul3A_273 : i32
        %swap3A_276 = arith.index_cast %add3A_275 : i32 to index
        %swap3A_277 = tpu.vector_load %arg7[%swap3A_276] {strides = array<i32>} : memref<32768xf32, #tpu.memory_space<vmem>>, vector<16xf32>,
        %swap3A_278 = vector.shape_cast %swap3A_277 : vector<16xf32> to vector<16xf32>
        %swap3A_279 = vector.shape_cast %add3A_271 : vector<16xf32> to vector<16xf32>
        tpu.vector_store %arg7[%swap3A_276], %swap3A_279 {strides = array<i32>} : memref<32768xf32, #tpu.memory_space<vmem>>, vector<16xf32>,
        %mul3A_280 = arith.constant 16 : i32
        %mul3A_281 = arith.muli %scan3A_210, %mul3A_280 : i32
        %add3A_282 = arith.constant 4096 : i32
        %add3A_283 = arith.addi %add3A_282, %mul3A_281 : i32
        %get3A_284 = arith.index_cast %add3A_283 : i32 to index
        %get3A_285 = tpu.vector_load %arg7[%get3A_284] {strides = array<i32>} : memref<32768xf32, #tpu.memory_space<vmem>>, vector<16xf32>,
        %get3A_286 = vector.shape_cast %get3A_285 : vector<16xf32> to vector<16xf32>
        %add3A_287 = arith.addf %get3A_286, %get3A_216 : vector<16xf32>
        %mul3A_288 = arith.constant 16 : i32
        %mul3A_289 = arith.muli %scan3A_210, %mul3A_288 : i32
        %add3A_290 = arith.constant 4096 : i32
        %add3A_291 = arith.addi %add3A_290, %mul3A_289 : i32
        %swap3A_292 = arith.index_cast %add3A_291 : i32 to index
        %swap3A_293 = tpu.vector_load %arg7[%swap3A_292] {strides = array<i32>} : memref<32768xf32, #tpu.memory_space<vmem>>, vector<16xf32>,
        %swap3A_294 = vector.shape_cast %swap3A_293 : vector<16xf32> to vector<16xf32>
        %swap3A_295 = vector.shape_cast %add3A_287 : vector<16xf32> to vector<16xf32>
        tpu.vector_store %arg7[%swap3A_292], %swap3A_295 {strides = array<i32>} : memref<32768xf32, #tpu.memory_space<vmem>>, vector<16xf32>,
        %mul3A_296 = arith.constant 16 : i32
        %mul3A_297 = arith.muli %scan3A_210, %mul3A_296 : i32
        %add3A_298 = arith.constant 5120 : i32
        %add3A_299 = arith.addi %add3A_298, %mul3A_297 : i32
        %get3A_300 = arith.index_cast %add3A_299 : i32 to index
        %get3A_301 = tpu.vector_load %arg7[%get3A_300] {strides = array<i32>} : memref<32768xf32, #tpu.memory_space<vmem>>, vector<16xf32>,
        %get3A_302 = vector.shape_cast %get3A_301 : vector<16xf32> to vector<16xf32>
        %add3A_303 = arith.addf %get3A_302, %get3A_216 : vector<16xf32>
        %mul3A_304 = arith.constant 16 : i32
        %mul3A_305 = arith.muli %scan3A_210, %mul3A_304 : i32
        %add3A_306 = arith.constant 5120 : i32
        %add3A_307 = arith.addi %add3A_306, %mul3A_305 : i32
        %swap3A_308 = arith.index_cast %add3A_307 : i32 to index
        %swap3A_309 = tpu.vector_load %arg7[%swap3A_308] {strides = array<i32>} : memref<32768xf32, #tpu.memory_space<vmem>>, vector<16xf32>,
        %swap3A_310 = vector.shape_cast %swap3A_309 : vector<16xf32> to vector<16xf32>
        %swap3A_311 = vector.shape_cast %add3A_303 : vector<16xf32> to vector<16xf32>
        tpu.vector_store %arg7[%swap3A_308], %swap3A_311 {strides = array<i32>} : memref<32768xf32, #tpu.memory_space<vmem>>, vector<16xf32>,
        %mul3A_312 = arith.constant 16 : i32
        %mul3A_313 = arith.muli %scan3A_210, %mul3A_312 : i32
        %add3A_314 = arith.constant 6144 : i32
        %add3A_315 = arith.addi %add3A_314, %mul3A_313 : i32
        %get3A_316 = arith.index_cast %add3A_315 : i32 to index
        %get3A_317 = tpu.vector_load %arg7[%get3A_316] {strides = array<i32>} : memref<32768xf32, #tpu.memory_space<vmem>>, vector<16xf32>,
        %get3A_318 = vector.shape_cast %get3A_317 : vector<16xf32> to vector<16xf32>
        %add3A_319 = arith.addf %get3A_318, %get3A_216 : vector<16xf32>
        %mul3A_320 = arith.constant 16 : i32
        %mul3A_321 = arith.muli %scan3A_210, %mul3A_320 : i32
        %add3A_322 = arith.constant 6144 : i32
        %add3A_323 = arith.addi %add3A_322, %mul3A_321 : i32
        %swap3A_324 = arith.index_cast %add3A_323 : i32 to index
        %swap3A_325 = tpu.vector_load %arg7[%swap3A_324] {strides = array<i32>} : memref<32768xf32, #tpu.memory_space<vmem>>, vector<16xf32>,
        %swap3A_326 = vector.shape_cast %swap3A_325 : vector<16xf32> to vector<16xf32>
        %swap3A_327 = vector.shape_cast %add3A_319 : vector<16xf32> to vector<16xf32>
        tpu.vector_store %arg7[%swap3A_324], %swap3A_327 {strides = array<i32>} : memref<32768xf32, #tpu.memory_space<vmem>>, vector<16xf32>,
        %mul3A_328 = arith.constant 16 : i32
        %mul3A_329 = arith.muli %scan3A_210, %mul3A_328 : i32
        %add3A_330 = arith.constant 7168 : i32
        %add3A_331 = arith.addi %add3A_330, %mul3A_329 : i32
        %get3A_332 = arith.index_cast %add3A_331 : i32 to index
        %get3A_333 = tpu.vector_load %arg7[%get3A_332] {strides = array<i32>} : memref<32768xf32, #tpu.memory_space<vmem>>, vector<16xf32>,
        %get3A_334 = vector.shape_cast %get3A_333 : vector<16xf32> to vector<16xf32>
        %add3A_335 = arith.addf %get3A_334, %get3A_216 : vector<16xf32>
        %mul3A_336 = arith.constant 16 : i32
        %mul3A_337 = arith.muli %scan3A_210, %mul3A_336 : i32
        %add3A_338 = arith.constant 7168 : i32
        %add3A_339 = arith.addi %add3A_338, %mul3A_337 : i32
        %swap3A_340 = arith.index_cast %add3A_339 : i32 to index
        %swap3A_341 = tpu.vector_load %arg7[%swap3A_340] {strides = array<i32>} : memref<32768xf32, #tpu.memory_space<vmem>>, vector<16xf32>,
        %swap3A_342 = vector.shape_cast %swap3A_341 : vector<16xf32> to vector<16xf32>
        %swap3A_343 = vector.shape_cast %add3A_335 : vector<16xf32> to vector<16xf32>
        tpu.vector_store %arg7[%swap3A_340], %swap3A_343 {strides = array<i32>} : memref<32768xf32, #tpu.memory_space<vmem>>, vector<16xf32>,
        %mul3A_344 = arith.constant 16 : i32
        %mul3A_345 = arith.muli %scan3A_210, %mul3A_344 : i32
        %add3A_346 = arith.constant 8192 : i32
        %add3A_347 = arith.addi %add3A_346, %mul3A_345 : i32
        %get3A_348 = arith.index_cast %add3A_347 : i32 to index
        %get3A_349 = tpu.vector_load %arg7[%get3A_348] {strides = array<i32>} : memref<32768xf32, #tpu.memory_space<vmem>>, vector<16xf32>,
        %get3A_350 = vector.shape_cast %get3A_349 : vector<16xf32> to vector<16xf32>
        %add3A_351 = arith.addf %get3A_350, %get3A_216 : vector<16xf32>
        %mul3A_352 = arith.constant 16 : i32
        %mul3A_353 = arith.muli %scan3A_210, %mul3A_352 : i32
        %add3A_354 = arith.constant 8192 : i32
        %add3A_355 = arith.addi %add3A_354, %mul3A_353 : i32
        %swap3A_356 = arith.index_cast %add3A_355 : i32 to index
        %swap3A_357 = tpu.vector_load %arg7[%swap3A_356] {strides = array<i32>} : memref<32768xf32, #tpu.memory_space<vmem>>, vector<16xf32>,
        %swap3A_358 = vector.shape_cast %swap3A_357 : vector<16xf32> to vector<16xf32>
        %swap3A_359 = vector.shape_cast %add3A_351 : vector<16xf32> to vector<16xf32>
        tpu.vector_store %arg7[%swap3A_356], %swap3A_359 {strides = array<i32>} : memref<32768xf32, #tpu.memory_space<vmem>>, vector<16xf32>,
        %mul3A_360 = arith.constant 16 : i32
        %mul3A_361 = arith.muli %scan3A_210, %mul3A_360 : i32
        %add3A_362 = arith.constant 9216 : i32
        %add3A_363 = arith.addi %add3A_362, %mul3A_361 : i32
        %get3A_364 = arith.index_cast %add3A_363 : i32 to index
        %get3A_365 = tpu.vector_load %arg7[%get3A_364] {strides = array<i32>} : memref<32768xf32, #tpu.memory_space<vmem>>, vector<16xf32>,
        %get3A_366 = vector.shape_cast %get3A_365 : vector<16xf32> to vector<16xf32>
        %add3A_367 = arith.addf %get3A_366, %get3A_216 : vector<16xf32>
        %mul3A_368 = arith.constant 16 : i32
        %mul3A_369 = arith.muli %scan3A_210, %mul3A_368 : i32
        %add3A_370 = arith.constant 9216 : i32
        %add3A_371 = arith.addi %add3A_370, %mul3A_369 : i32
        %swap3A_372 = arith.index_cast %add3A_371 : i32 to index
        %swap3A_373 = tpu.vector_load %arg7[%swap3A_372] {strides = array<i32>} : memref<32768xf32, #tpu.memory_space<vmem>>, vector<16xf32>,
        %swap3A_374 = vector.shape_cast %swap3A_373 : vector<16xf32> to vector<16xf32>
        %swap3A_375 = vector.shape_cast %add3A_367 : vector<16xf32> to vector<16xf32>
        tpu.vector_store %arg7[%swap3A_372], %swap3A_375 {strides = array<i32>} : memref<32768xf32, #tpu.memory_space<vmem>>, vector<16xf32>,
        %mul3A_376 = arith.constant 16 : i32
        %mul3A_377 = arith.muli %scan3A_210, %mul3A_376 : i32
        %add3A_378 = arith.constant 10240 : i32
        %add3A_379 = arith.addi %add3A_378, %mul3A_377 : i32
        %get3A_380 = arith.index_cast %add3A_379 : i32 to index
        %get3A_381 = tpu.vector_load %arg7[%get3A_380] {strides = array<i32>} : memref<32768xf32, #tpu.memory_space<vmem>>, vector<16xf32>,
        %get3A_382 = vector.shape_cast %get3A_381 : vector<16xf32> to vector<16xf32>
        %add3A_383 = arith.addf %get3A_382, %get3A_216 : vector<16xf32>
        %mul3A_384 = arith.constant 16 : i32
        %mul3A_385 = arith.muli %scan3A_210, %mul3A_384 : i32
        %add3A_386 = arith.constant 10240 : i32
        %add3A_387 = arith.addi %add3A_386, %mul3A_385 : i32
        %swap3A_388 = arith.index_cast %add3A_387 : i32 to index
        %swap3A_389 = tpu.vector_load %arg7[%swap3A_388] {strides = array<i32>} : memref<32768xf32, #tpu.memory_space<vmem>>, vector<16xf32>,
        %swap3A_390 = vector.shape_cast %swap3A_389 : vector<16xf32> to vector<16xf32>
        %swap3A_391 = vector.shape_cast %add3A_383 : vector<16xf32> to vector<16xf32>
        tpu.vector_store %arg7[%swap3A_388], %swap3A_391 {strides = array<i32>} : memref<32768xf32, #tpu.memory_space<vmem>>, vector<16xf32>,
        %mul3A_392 = arith.constant 16 : i32
        %mul3A_393 = arith.muli %scan3A_210, %mul3A_392 : i32
        %add3A_394 = arith.constant 11264 : i32
        %add3A_395 = arith.addi %add3A_394, %mul3A_393 : i32
        %get3A_396 = arith.index_cast %add3A_395 : i32 to index
        %get3A_397 = tpu.vector_load %arg7[%get3A_396] {strides = array<i32>} : memref<32768xf32, #tpu.memory_space<vmem>>, vector<16xf32>,
        %get3A_398 = vector.shape_cast %get3A_397 : vector<16xf32> to vector<16xf32>
        %add3A_399 = arith.addf %get3A_398, %get3A_216 : vector<16xf32>
        %mul3A_400 = arith.constant 16 : i32
        %mul3A_401 = arith.muli %scan3A_210, %mul3A_400 : i32
        %add3A_402 = arith.constant 11264 : i32
        %add3A_403 = arith.addi %add3A_402, %mul3A_401 : i32
        %swap3A_404 = arith.index_cast %add3A_403 : i32 to index
        %swap3A_405 = tpu.vector_load %arg7[%swap3A_404] {strides = array<i32>} : memref<32768xf32, #tpu.memory_space<vmem>>, vector<16xf32>,
        %swap3A_406 = vector.shape_cast %swap3A_405 : vector<16xf32> to vector<16xf32>
        %swap3A_407 = vector.shape_cast %add3A_399 : vector<16xf32> to vector<16xf32>
        tpu.vector_store %arg7[%swap3A_404], %swap3A_407 {strides = array<i32>} : memref<32768xf32, #tpu.memory_space<vmem>>, vector<16xf32>,
        %mul3A_408 = arith.constant 16 : i32
        %mul3A_409 = arith.muli %scan3A_210, %mul3A_408 : i32
        %add3A_410 = arith.constant 12288 : i32
        %add3A_411 = arith.addi %add3A_410, %mul3A_409 : i32
        %get3A_412 = arith.index_cast %add3A_411 : i32 to index
        %get3A_413 = tpu.vector_load %arg7[%get3A_412] {strides = array<i32>} : memref<32768xf32, #tpu.memory_space<vmem>>, vector<16xf32>,
        %get3A_414 = vector.shape_cast %get3A_413 : vector<16xf32> to vector<16xf32>
        %add3A_415 = arith.addf %get3A_414, %get3A_216 : vector<16xf32>
        %mul3A_416 = arith.constant 16 : i32
        %mul3A_417 = arith.muli %scan3A_210, %mul3A_416 : i32
        %add3A_418 = arith.constant 12288 : i32
        %add3A_419 = arith.addi %add3A_418, %mul3A_417 : i32
        %swap3A_420 = arith.index_cast %add3A_419 : i32 to index
        %swap3A_421 = tpu.vector_load %arg7[%swap3A_420] {strides = array<i32>} : memref<32768xf32, #tpu.memory_space<vmem>>, vector<16xf32>,
        %swap3A_422 = vector.shape_cast %swap3A_421 : vector<16xf32> to vector<16xf32>
        %swap3A_423 = vector.shape_cast %add3A_415 : vector<16xf32> to vector<16xf32>
        tpu.vector_store %arg7[%swap3A_420], %swap3A_423 {strides = array<i32>} : memref<32768xf32, #tpu.memory_space<vmem>>, vector<16xf32>,
        %mul3A_424 = arith.constant 16 : i32
        %mul3A_425 = arith.muli %scan3A_210, %mul3A_424 : i32
        %add3A_426 = arith.constant 13312 : i32
        %add3A_427 = arith.addi %add3A_426, %mul3A_425 : i32
        %get3A_428 = arith.index_cast %add3A_427 : i32 to index
        %get3A_429 = tpu.vector_load %arg7[%get3A_428] {strides = array<i32>} : memref<32768xf32, #tpu.memory_space<vmem>>, vector<16xf32>,
        %get3A_430 = vector.shape_cast %get3A_429 : vector<16xf32> to vector<16xf32>
        %add3A_431 = arith.addf %get3A_430, %get3A_216 : vector<16xf32>
        %mul3A_432 = arith.constant 16 : i32
        %mul3A_433 = arith.muli %scan3A_210, %mul3A_432 : i32
        %add3A_434 = arith.constant 13312 : i32
        %add3A_435 = arith.addi %add3A_434, %mul3A_433 : i32
        %swap3A_436 = arith.index_cast %add3A_435 : i32 to index
        %swap3A_437 = tpu.vector_load %arg7[%swap3A_436] {strides = array<i32>} : memref<32768xf32, #tpu.memory_space<vmem>>, vector<16xf32>,
        %swap3A_438 = vector.shape_cast %swap3A_437 : vector<16xf32> to vector<16xf32>
        %swap3A_439 = vector.shape_cast %add3A_431 : vector<16xf32> to vector<16xf32>
        tpu.vector_store %arg7[%swap3A_436], %swap3A_439 {strides = array<i32>} : memref<32768xf32, #tpu.memory_space<vmem>>, vector<16xf32>,
        %mul3A_440 = arith.constant 16 : i32
        %mul3A_441 = arith.muli %scan3A_210, %mul3A_440 : i32
        %add3A_442 = arith.constant 14336 : i32
        %add3A_443 = arith.addi %add3A_442, %mul3A_441 : i32
        %get3A_444 = arith.index_cast %add3A_443 : i32 to index
        %get3A_445 = tpu.vector_load %arg7[%get3A_444] {strides = array<i32>} : memref<32768xf32, #tpu.memory_space<vmem>>, vector<16xf32>,
        %get3A_446 = vector.shape_cast %get3A_445 : vector<16xf32> to vector<16xf32>
        %add3A_447 = arith.addf %get3A_446, %get3A_216 : vector<16xf32>
        %mul3A_448 = arith.constant 16 : i32
        %mul3A_449 = arith.muli %scan3A_210, %mul3A_448 : i32
        %add3A_450 = arith.constant 14336 : i32
        %add3A_451 = arith.addi %add3A_450, %mul3A_449 : i32
        %swap3A_452 = arith.index_cast %add3A_451 : i32 to index
        %swap3A_453 = tpu.vector_load %arg7[%swap3A_452] {strides = array<i32>} : memref<32768xf32, #tpu.memory_space<vmem>>, vector<16xf32>,
        %swap3A_454 = vector.shape_cast %swap3A_453 : vector<16xf32> to vector<16xf32>
        %swap3A_455 = vector.shape_cast %add3A_447 : vector<16xf32> to vector<16xf32>
        tpu.vector_store %arg7[%swap3A_452], %swap3A_455 {strides = array<i32>} : memref<32768xf32, #tpu.memory_space<vmem>>, vector<16xf32>,
        %mul3A_456 = arith.constant 16 : i32
        %mul3A_457 = arith.muli %scan3A_210, %mul3A_456 : i32
        %add3A_458 = arith.constant 15360 : i32
        %add3A_459 = arith.addi %add3A_458, %mul3A_457 : i32
        %get3A_460 = arith.index_cast %add3A_459 : i32 to index
        %get3A_461 = tpu.vector_load %arg7[%get3A_460] {strides = array<i32>} : memref<32768xf32, #tpu.memory_space<vmem>>, vector<16xf32>,
        %get3A_462 = vector.shape_cast %get3A_461 : vector<16xf32> to vector<16xf32>
        %add3A_463 = arith.addf %get3A_462, %get3A_216 : vector<16xf32>
        %mul3A_464 = arith.constant 16 : i32
        %mul3A_465 = arith.muli %scan3A_210, %mul3A_464 : i32
        %add3A_466 = arith.constant 15360 : i32
        %add3A_467 = arith.addi %add3A_466, %mul3A_465 : i32
        %swap3A_468 = arith.index_cast %add3A_467 : i32 to index
        %swap3A_469 = tpu.vector_load %arg7[%swap3A_468] {strides = array<i32>} : memref<32768xf32, #tpu.memory_space<vmem>>, vector<16xf32>,
        %swap3A_470 = vector.shape_cast %swap3A_469 : vector<16xf32> to vector<16xf32>
        %swap3A_471 = vector.shape_cast %add3A_463 : vector<16xf32> to vector<16xf32>
        tpu.vector_store %arg7[%swap3A_468], %swap3A_471 {strides = array<i32>} : memref<32768xf32, #tpu.memory_space<vmem>>, vector<16xf32>,
        %mul3A_472 = arith.constant 16 : i32
        %mul3A_473 = arith.muli %scan3A_210, %mul3A_472 : i32
        %add3A_474 = arith.constant 16384 : i32
        %add3A_475 = arith.addi %add3A_474, %mul3A_473 : i32
        %get3A_476 = arith.index_cast %add3A_475 : i32 to index
        %get3A_477 = tpu.vector_load %arg7[%get3A_476] {strides = array<i32>} : memref<32768xf32, #tpu.memory_space<vmem>>, vector<16xf32>,
        %get3A_478 = vector.shape_cast %get3A_477 : vector<16xf32> to vector<16xf32>
        %add3A_479 = arith.addf %get3A_478, %get3A_216 : vector<16xf32>
        %mul3A_480 = arith.constant 16 : i32
        %mul3A_481 = arith.muli %scan3A_210, %mul3A_480 : i32
        %add3A_482 = arith.constant 16384 : i32
        %add3A_483 = arith.addi %add3A_482, %mul3A_481 : i32
        %swap3A_484 = arith.index_cast %add3A_483 : i32 to index
        %swap3A_485 = tpu.vector_load %arg7[%swap3A_484] {strides = array<i32>} : memref<32768xf32, #tpu.memory_space<vmem>>, vector<16xf32>,
        %swap3A_486 = vector.shape_cast %swap3A_485 : vector<16xf32> to vector<16xf32>
        %swap3A_487 = vector.shape_cast %add3A_479 : vector<16xf32> to vector<16xf32>
        tpu.vector_store %arg7[%swap3A_484], %swap3A_487 {strides = array<i32>} : memref<32768xf32, #tpu.memory_space<vmem>>, vector<16xf32>,
        %mul3A_488 = arith.constant 16 : i32
        %mul3A_489 = arith.muli %scan3A_210, %mul3A_488 : i32
        %add3A_490 = arith.constant 17408 : i32
        %add3A_491 = arith.addi %add3A_490, %mul3A_489 : i32
        %get3A_492 = arith.index_cast %add3A_491 : i32 to index
        %get3A_493 = tpu.vector_load %arg7[%get3A_492] {strides = array<i32>} : memref<32768xf32, #tpu.memory_space<vmem>>, vector<16xf32>,
        %get3A_494 = vector.shape_cast %get3A_493 : vector<16xf32> to vector<16xf32>
        %add3A_495 = arith.addf %get3A_494, %get3A_216 : vector<16xf32>
        %mul3A_496 = arith.constant 16 : i32
        %mul3A_497 = arith.muli %scan3A_210, %mul3A_496 : i32
        %add3A_498 = arith.constant 17408 : i32
        %add3A_499 = arith.addi %add3A_498, %mul3A_497 : i32
        %swap3A_500 = arith.index_cast %add3A_499 : i32 to index
        %swap3A_501 = tpu.vector_load %arg7[%swap3A_500] {strides = array<i32>} : memref<32768xf32, #tpu.memory_space<vmem>>, vector<16xf32>,
        %swap3A_502 = vector.shape_cast %swap3A_501 : vector<16xf32> to vector<16xf32>
        %swap3A_503 = vector.shape_cast %add3A_495 : vector<16xf32> to vector<16xf32>
        tpu.vector_store %arg7[%swap3A_500], %swap3A_503 {strides = array<i32>} : memref<32768xf32, #tpu.memory_space<vmem>>, vector<16xf32>,
        %mul3A_504 = arith.constant 16 : i32
        %mul3A_505 = arith.muli %scan3A_210, %mul3A_504 : i32
        %add3A_506 = arith.constant 18432 : i32
        %add3A_507 = arith.addi %add3A_506, %mul3A_505 : i32
        %get3A_508 = arith.index_cast %add3A_507 : i32 to index
        %get3A_509 = tpu.vector_load %arg7[%get3A_508] {strides = array<i32>} : memref<32768xf32, #tpu.memory_space<vmem>>, vector<16xf32>,
        %get3A_510 = vector.shape_cast %get3A_509 : vector<16xf32> to vector<16xf32>
        %add3A_511 = arith.addf %get3A_510, %get3A_216 : vector<16xf32>
        %mul3A_512 = arith.constant 16 : i32
        %mul3A_513 = arith.muli %scan3A_210, %mul3A_512 : i32
        %add3A_514 = arith.constant 18432 : i32
        %add3A_515 = arith.addi %add3A_514, %mul3A_513 : i32
        %swap3A_516 = arith.index_cast %add3A_515 : i32 to index
        %swap3A_517 = tpu.vector_load %arg7[%swap3A_516] {strides = array<i32>} : memref<32768xf32, #tpu.memory_space<vmem>>, vector<16xf32>,
        %swap3A_518 = vector.shape_cast %swap3A_517 : vector<16xf32> to vector<16xf32>
        %swap3A_519 = vector.shape_cast %add3A_511 : vector<16xf32> to vector<16xf32>
        tpu.vector_store %arg7[%swap3A_516], %swap3A_519 {strides = array<i32>} : memref<32768xf32, #tpu.memory_space<vmem>>, vector<16xf32>,
        %mul3A_520 = arith.constant 16 : i32
        %mul3A_521 = arith.muli %scan3A_210, %mul3A_520 : i32
        %add3A_522 = arith.constant 19456 : i32
        %add3A_523 = arith.addi %add3A_522, %mul3A_521 : i32
        %get3A_524 = arith.index_cast %add3A_523 : i32 to index
        %get3A_525 = tpu.vector_load %arg7[%get3A_524] {strides = array<i32>} : memref<32768xf32, #tpu.memory_space<vmem>>, vector<16xf32>,
        %get3A_526 = vector.shape_cast %get3A_525 : vector<16xf32> to vector<16xf32>
        %add3A_527 = arith.addf %get3A_526, %get3A_216 : vector<16xf32>
        %mul3A_528 = arith.constant 16 : i32
        %mul3A_529 = arith.muli %scan3A_210, %mul3A_528 : i32
        %add3A_530 = arith.constant 19456 : i32
        %add3A_531 = arith.addi %add3A_530, %mul3A_529 : i32
        %swap3A_532 = arith.index_cast %add3A_531 : i32 to index
        %swap3A_533 = tpu.vector_load %arg7[%swap3A_532] {strides = array<i32>} : memref<32768xf32, #tpu.memory_space<vmem>>, vector<16xf32>,
        %swap3A_534 = vector.shape_cast %swap3A_533 : vector<16xf32> to vector<16xf32>
        %swap3A_535 = vector.shape_cast %add3A_527 : vector<16xf32> to vector<16xf32>
        tpu.vector_store %arg7[%swap3A_532], %swap3A_535 {strides = array<i32>} : memref<32768xf32, #tpu.memory_space<vmem>>, vector<16xf32>,
        %mul3A_536 = arith.constant 16 : i32
        %mul3A_537 = arith.muli %scan3A_210, %mul3A_536 : i32
        %add3A_538 = arith.constant 20480 : i32
        %add3A_539 = arith.addi %add3A_538, %mul3A_537 : i32
        %get3A_540 = arith.index_cast %add3A_539 : i32 to index
        %get3A_541 = tpu.vector_load %arg7[%get3A_540] {strides = array<i32>} : memref<32768xf32, #tpu.memory_space<vmem>>, vector<16xf32>,
        %get3A_542 = vector.shape_cast %get3A_541 : vector<16xf32> to vector<16xf32>
        %add3A_543 = arith.addf %get3A_542, %get3A_216 : vector<16xf32>
        %mul3A_544 = arith.constant 16 : i32
        %mul3A_545 = arith.muli %scan3A_210, %mul3A_544 : i32
        %add3A_546 = arith.constant 20480 : i32
        %add3A_547 = arith.addi %add3A_546, %mul3A_545 : i32
        %swap3A_548 = arith.index_cast %add3A_547 : i32 to index
        %swap3A_549 = tpu.vector_load %arg7[%swap3A_548] {strides = array<i32>} : memref<32768xf32, #tpu.memory_space<vmem>>, vector<16xf32>,
        %swap3A_550 = vector.shape_cast %swap3A_549 : vector<16xf32> to vector<16xf32>
        %swap3A_551 = vector.shape_cast %add3A_543 : vector<16xf32> to vector<16xf32>
        tpu.vector_store %arg7[%swap3A_548], %swap3A_551 {strides = array<i32>} : memref<32768xf32, #tpu.memory_space<vmem>>, vector<16xf32>,
        %mul3A_552 = arith.constant 16 : i32
        %mul3A_553 = arith.muli %scan3A_210, %mul3A_552 : i32
        %add3A_554 = arith.constant 21504 : i32
        %add3A_555 = arith.addi %add3A_554, %mul3A_553 : i32
        %get3A_556 = arith.index_cast %add3A_555 : i32 to index
        %get3A_557 = tpu.vector_load %arg7[%get3A_556] {strides = array<i32>} : memref<32768xf32, #tpu.memory_space<vmem>>, vector<16xf32>,
        %get3A_558 = vector.shape_cast %get3A_557 : vector<16xf32> to vector<16xf32>
        %add3A_559 = arith.addf %get3A_558, %get3A_216 : vector<16xf32>
        %mul3A_560 = arith.constant 16 : i32
        %mul3A_561 = arith.muli %scan3A_210, %mul3A_560 : i32
        %add3A_562 = arith.constant 21504 : i32
        %add3A_563 = arith.addi %add3A_562, %mul3A_561 : i32
        %swap3A_564 = arith.index_cast %add3A_563 : i32 to index
        %swap3A_565 = tpu.vector_load %arg7[%swap3A_564] {strides = array<i32>} : memref<32768xf32, #tpu.memory_space<vmem>>, vector<16xf32>,
        %swap3A_566 = vector.shape_cast %swap3A_565 : vector<16xf32> to vector<16xf32>
        %swap3A_567 = vector.shape_cast %add3A_559 : vector<16xf32> to vector<16xf32>
        tpu.vector_store %arg7[%swap3A_564], %swap3A_567 {strides = array<i32>} : memref<32768xf32, #tpu.memory_space<vmem>>, vector<16xf32>,
        %mul3A_568 = arith.constant 16 : i32
        %mul3A_569 = arith.muli %scan3A_210, %mul3A_568 : i32
        %add3A_570 = arith.constant 22528 : i32
        %add3A_571 = arith.addi %add3A_570, %mul3A_569 : i32
        %get3A_572 = arith.index_cast %add3A_571 : i32 to index
        %get3A_573 = tpu.vector_load %arg7[%get3A_572] {strides = array<i32>} : memref<32768xf32, #tpu.memory_space<vmem>>, vector<16xf32>,
        %get3A_574 = vector.shape_cast %get3A_573 : vector<16xf32> to vector<16xf32>
        %add3A_575 = arith.addf %get3A_574, %get3A_216 : vector<16xf32>
        %mul3A_576 = arith.constant 16 : i32
        %mul3A_577 = arith.muli %scan3A_210, %mul3A_576 : i32
        %add3A_578 = arith.constant 22528 : i32
        %add3A_579 = arith.addi %add3A_578, %mul3A_577 : i32
        %swap3A_580 = arith.index_cast %add3A_579 : i32 to index
        %swap3A_581 = tpu.vector_load %arg7[%swap3A_580] {strides = array<i32>} : memref<32768xf32, #tpu.memory_space<vmem>>, vector<16xf32>,
        %swap3A_582 = vector.shape_cast %swap3A_581 : vector<16xf32> to vector<16xf32>
        %swap3A_583 = vector.shape_cast %add3A_575 : vector<16xf32> to vector<16xf32>
        tpu.vector_store %arg7[%swap3A_580], %swap3A_583 {strides = array<i32>} : memref<32768xf32, #tpu.memory_space<vmem>>, vector<16xf32>,
        %mul3A_584 = arith.constant 16 : i32
        %mul3A_585 = arith.muli %scan3A_210, %mul3A_584 : i32
        %add3A_586 = arith.constant 23552 : i32
        %add3A_587 = arith.addi %add3A_586, %mul3A_585 : i32
        %get3A_588 = arith.index_cast %add3A_587 : i32 to index
        %get3A_589 = tpu.vector_load %arg7[%get3A_588] {strides = array<i32>} : memref<32768xf32, #tpu.memory_space<vmem>>, vector<16xf32>,
        %get3A_590 = vector.shape_cast %get3A_589 : vector<16xf32> to vector<16xf32>
        %add3A_591 = arith.addf %get3A_590, %get3A_216 : vector<16xf32>
        %mul3A_592 = arith.constant 16 : i32
        %mul3A_593 = arith.muli %scan3A_210, %mul3A_592 : i32
        %add3A_594 = arith.constant 23552 : i32
        %add3A_595 = arith.addi %add3A_594, %mul3A_593 : i32
        %swap3A_596 = arith.index_cast %add3A_595 : i32 to index
        %swap3A_597 = tpu.vector_load %arg7[%swap3A_596] {strides = array<i32>} : memref<32768xf32, #tpu.memory_space<vmem>>, vector<16xf32>,
        %swap3A_598 = vector.shape_cast %swap3A_597 : vector<16xf32> to vector<16xf32>
        %swap3A_599 = vector.shape_cast %add3A_591 : vector<16xf32> to vector<16xf32>
        tpu.vector_store %arg7[%swap3A_596], %swap3A_599 {strides = array<i32>} : memref<32768xf32, #tpu.memory_space<vmem>>, vector<16xf32>,
        %mul3A_600 = arith.constant 16 : i32
        %mul3A_601 = arith.muli %scan3A_210, %mul3A_600 : i32
        %add3A_602 = arith.constant 24576 : i32
        %add3A_603 = arith.addi %add3A_602, %mul3A_601 : i32
        %get3A_604 = arith.index_cast %add3A_603 : i32 to index
        %get3A_605 = tpu.vector_load %arg7[%get3A_604] {strides = array<i32>} : memref<32768xf32, #tpu.memory_space<vmem>>, vector<16xf32>,
        %get3A_606 = vector.shape_cast %get3A_605 : vector<16xf32> to vector<16xf32>
        %add3A_607 = arith.addf %get3A_606, %get3A_216 : vector<16xf32>
        %mul3A_608 = arith.constant 16 : i32
        %mul3A_609 = arith.muli %scan3A_210, %mul3A_608 : i32
        %add3A_610 = arith.constant 24576 : i32
        %add3A_611 = arith.addi %add3A_610, %mul3A_609 : i32
        %swap3A_612 = arith.index_cast %add3A_611 : i32 to index
        %swap3A_613 = tpu.vector_load %arg7[%swap3A_612] {strides = array<i32>} : memref<32768xf32, #tpu.memory_space<vmem>>, vector<16xf32>,
        %swap3A_614 = vector.shape_cast %swap3A_613 : vector<16xf32> to vector<16xf32>
        %swap3A_615 = vector.shape_cast %add3A_607 : vector<16xf32> to vector<16xf32>
        tpu.vector_store %arg7[%swap3A_612], %swap3A_615 {strides = array<i32>} : memref<32768xf32, #tpu.memory_space<vmem>>, vector<16xf32>,
        %mul3A_616 = arith.constant 16 : i32
        %mul3A_617 = arith.muli %scan3A_210, %mul3A_616 : i32
        %add3A_618 = arith.constant 25600 : i32
        %add3A_619 = arith.addi %add3A_618, %mul3A_617 : i32
        %get3A_620 = arith.index_cast %add3A_619 : i32 to index
        %get3A_621 = tpu.vector_load %arg7[%get3A_620] {strides = array<i32>} : memref<32768xf32, #tpu.memory_space<vmem>>, vector<16xf32>,
        %get3A_622 = vector.shape_cast %get3A_621 : vector<16xf32> to vector<16xf32>
        %add3A_623 = arith.addf %get3A_622, %get3A_216 : vector<16xf32>
        %mul3A_624 = arith.constant 16 : i32
        %mul3A_625 = arith.muli %scan3A_210, %mul3A_624 : i32
        %add3A_626 = arith.constant 25600 : i32
        %add3A_627 = arith.addi %add3A_626, %mul3A_625 : i32
        %swap3A_628 = arith.index_cast %add3A_627 : i32 to index
        %swap3A_629 = tpu.vector_load %arg7[%swap3A_628] {strides = array<i32>} : memref<32768xf32, #tpu.memory_space<vmem>>, vector<16xf32>,
        %swap3A_630 = vector.shape_cast %swap3A_629 : vector<16xf32> to vector<16xf32>
        %swap3A_631 = vector.shape_cast %add3A_623 : vector<16xf32> to vector<16xf32>
        tpu.vector_store %arg7[%swap3A_628], %swap3A_631 {strides = array<i32>} : memref<32768xf32, #tpu.memory_space<vmem>>, vector<16xf32>,
        %mul3A_632 = arith.constant 16 : i32
        %mul3A_633 = arith.muli %scan3A_210, %mul3A_632 : i32
        %add3A_634 = arith.constant 26624 : i32
        %add3A_635 = arith.addi %add3A_634, %mul3A_633 : i32
        %get3A_636 = arith.index_cast %add3A_635 : i32 to index
        %get3A_637 = tpu.vector_load %arg7[%get3A_636] {strides = array<i32>} : memref<32768xf32, #tpu.memory_space<vmem>>, vector<16xf32>,
        %get3A_638 = vector.shape_cast %get3A_637 : vector<16xf32> to vector<16xf32>
        %add3A_639 = arith.addf %get3A_638, %get3A_216 : vector<16xf32>
        %mul3A_640 = arith.constant 16 : i32
        %mul3A_641 = arith.muli %scan3A_210, %mul3A_640 : i32
        %add3A_642 = arith.constant 26624 : i32
        %add3A_643 = arith.addi %add3A_642, %mul3A_641 : i32
        %swap3A_644 = arith.index_cast %add3A_643 : i32 to index
        %swap3A_645 = tpu.vector_load %arg7[%swap3A_644] {strides = array<i32>} : memref<32768xf32, #tpu.memory_space<vmem>>, vector<16xf32>,
        %swap3A_646 = vector.shape_cast %swap3A_645 : vector<16xf32> to vector<16xf32>
        %swap3A_647 = vector.shape_cast %add3A_639 : vector<16xf32> to vector<16xf32>
        tpu.vector_store %arg7[%swap3A_644], %swap3A_647 {strides = array<i32>} : memref<32768xf32, #tpu.memory_space<vmem>>, vector<16xf32>,
        %mul3A_648 = arith.constant 16 : i32
        %mul3A_649 = arith.muli %scan3A_210, %mul3A_648 : i32
        %add3A_650 = arith.constant 27648 : i32
        %add3A_651 = arith.addi %add3A_650, %mul3A_649 : i32
        %get3A_652 = arith.index_cast %add3A_651 : i32 to index
        %get3A_653 = tpu.vector_load %arg7[%get3A_652] {strides = array<i32>} : memref<32768xf32, #tpu.memory_space<vmem>>, vector<16xf32>,
        %get3A_654 = vector.shape_cast %get3A_653 : vector<16xf32> to vector<16xf32>
        %add3A_655 = arith.addf %get3A_654, %get3A_216 : vector<16xf32>
        %mul3A_656 = arith.constant 16 : i32
        %mul3A_657 = arith.muli %scan3A_210, %mul3A_656 : i32
        %add3A_658 = arith.constant 27648 : i32
        %add3A_659 = arith.addi %add3A_658, %mul3A_657 : i32
        %swap3A_660 = arith.index_cast %add3A_659 : i32 to index
        %swap3A_661 = tpu.vector_load %arg7[%swap3A_660] {strides = array<i32>} : memref<32768xf32, #tpu.memory_space<vmem>>, vector<16xf32>,
        %swap3A_662 = vector.shape_cast %swap3A_661 : vector<16xf32> to vector<16xf32>
        %swap3A_663 = vector.shape_cast %add3A_655 : vector<16xf32> to vector<16xf32>
        tpu.vector_store %arg7[%swap3A_660], %swap3A_663 {strides = array<i32>} : memref<32768xf32, #tpu.memory_space<vmem>>, vector<16xf32>,
        %mul3A_664 = arith.constant 16 : i32
        %mul3A_665 = arith.muli %scan3A_210, %mul3A_664 : i32
        %add3A_666 = arith.constant 28672 : i32
        %add3A_667 = arith.addi %add3A_666, %mul3A_665 : i32
        %get3A_668 = arith.index_cast %add3A_667 : i32 to index
        %get3A_669 = tpu.vector_load %arg7[%get3A_668] {strides = array<i32>} : memref<32768xf32, #tpu.memory_space<vmem>>, vector<16xf32>,
        %get3A_670 = vector.shape_cast %get3A_669 : vector<16xf32> to vector<16xf32>
        %add3A_671 = arith.addf %get3A_670, %get3A_216 : vector<16xf32>
        %mul3A_672 = arith.constant 16 : i32
        %mul3A_673 = arith.muli %scan3A_210, %mul3A_672 : i32
        %add3A_674 = arith.constant 28672 : i32
        %add3A_675 = arith.addi %add3A_674, %mul3A_673 : i32
        %swap3A_676 = arith.index_cast %add3A_675 : i32 to index
        %swap3A_677 = tpu.vector_load %arg7[%swap3A_676] {strides = array<i32>} : memref<32768xf32, #tpu.memory_space<vmem>>, vector<16xf32>,
        %swap3A_678 = vector.shape_cast %swap3A_677 : vector<16xf32> to vector<16xf32>
        %swap3A_679 = vector.shape_cast %add3A_671 : vector<16xf32> to vector<16xf32>
        tpu.vector_store %arg7[%swap3A_676], %swap3A_679 {strides = array<i32>} : memref<32768xf32, #tpu.memory_space<vmem>>, vector<16xf32>,
        %mul3A_680 = arith.constant 16 : i32
        %mul3A_681 = arith.muli %scan3A_210, %mul3A_680 : i32
        %add3A_682 = arith.constant 29696 : i32
        %add3A_683 = arith.addi %add3A_682, %mul3A_681 : i32
        %get3A_684 = arith.index_cast %add3A_683 : i32 to index
        %get3A_685 = tpu.vector_load %arg7[%get3A_684] {strides = array<i32>} : memref<32768xf32, #tpu.memory_space<vmem>>, vector<16xf32>,
        %get3A_686 = vector.shape_cast %get3A_685 : vector<16xf32> to vector<16xf32>
        %add3A_687 = arith.addf %get3A_686, %get3A_216 : vector<16xf32>
        %mul3A_688 = arith.constant 16 : i32
        %mul3A_689 = arith.muli %scan3A_210, %mul3A_688 : i32
        %add3A_690 = arith.constant 29696 : i32
        %add3A_691 = arith.addi %add3A_690, %mul3A_689 : i32
        %swap3A_692 = arith.index_cast %add3A_691 : i32 to index
        %swap3A_693 = tpu.vector_load %arg7[%swap3A_692] {strides = array<i32>} : memref<32768xf32, #tpu.memory_space<vmem>>, vector<16xf32>,
        %swap3A_694 = vector.shape_cast %swap3A_693 : vector<16xf32> to vector<16xf32>
        %swap3A_695 = vector.shape_cast %add3A_687 : vector<16xf32> to vector<16xf32>
        tpu.vector_store %arg7[%swap3A_692], %swap3A_695 {strides = array<i32>} : memref<32768xf32, #tpu.memory_space<vmem>>, vector<16xf32>,
        %mul3A_696 = arith.constant 16 : i32
        %mul3A_697 = arith.muli %scan3A_210, %mul3A_696 : i32
        %add3A_698 = arith.constant 30720 : i32
        %add3A_699 = arith.addi %add3A_698, %mul3A_697 : i32
        %get3A_700 = arith.index_cast %add3A_699 : i32 to index
        %get3A_701 = tpu.vector_load %arg7[%get3A_700] {strides = array<i32>} : memref<32768xf32, #tpu.memory_space<vmem>>, vector<16xf32>,
        %get3A_702 = vector.shape_cast %get3A_701 : vector<16xf32> to vector<16xf32>
        %add3A_703 = arith.addf %get3A_702, %get3A_216 : vector<16xf32>
        %mul3A_704 = arith.constant 16 : i32
        %mul3A_705 = arith.muli %scan3A_210, %mul3A_704 : i32
        %add3A_706 = arith.constant 30720 : i32
        %add3A_707 = arith.addi %add3A_706, %mul3A_705 : i32
        %swap3A_708 = arith.index_cast %add3A_707 : i32 to index
        %swap3A_709 = tpu.vector_load %arg7[%swap3A_708] {strides = array<i32>} : memref<32768xf32, #tpu.memory_space<vmem>>, vector<16xf32>,
        %swap3A_710 = vector.shape_cast %swap3A_709 : vector<16xf32> to vector<16xf32>
        %swap3A_711 = vector.shape_cast %add3A_703 : vector<16xf32> to vector<16xf32>
        tpu.vector_store %arg7[%swap3A_708], %swap3A_711 {strides = array<i32>} : memref<32768xf32, #tpu.memory_space<vmem>>, vector<16xf32>,
        %mul3A_712 = arith.constant 16 : i32
        %mul3A_713 = arith.muli %scan3A_210, %mul3A_712 : i32
        %add3A_714 = arith.constant 31744 : i32
        %add3A_715 = arith.addi %add3A_714, %mul3A_713 : i32
        %get3A_716 = arith.index_cast %add3A_715 : i32 to index
        %get3A_717 = tpu.vector_load %arg7[%get3A_716] {strides = array<i32>} : memref<32768xf32, #tpu.memory_space<vmem>>, vector<16xf32>,
        %get3A_718 = vector.shape_cast %get3A_717 : vector<16xf32> to vector<16xf32>
        %add3A_719 = arith.addf %get3A_718, %get3A_216 : vector<16xf32>
        %mul3A_720 = arith.constant 16 : i32
        %mul3A_721 = arith.muli %scan3A_210, %mul3A_720 : i32
        %add3A_722 = arith.constant 31744 : i32
        %add3A_723 = arith.addi %add3A_722, %mul3A_721 : i32
        %swap3A_724 = arith.index_cast %add3A_723 : i32 to index
        %swap3A_725 = tpu.vector_load %arg7[%swap3A_724] {strides = array<i32>} : memref<32768xf32, #tpu.memory_space<vmem>>, vector<16xf32>,
        %swap3A_726 = vector.shape_cast %swap3A_725 : vector<16xf32> to vector<16xf32>
        %swap3A_727 = vector.shape_cast %add3A_719 : vector<16xf32> to vector<16xf32>
        tpu.vector_store %arg7[%swap3A_724], %swap3A_727 {strides = array<i32>} : memref<32768xf32, #tpu.memory_space<vmem>>, vector<16xf32>,
        %scan3A_728 = arith.constant 0 : i32
        scf.yield %scan3A_728 : i32
      }
      %scan3A_130 = arith.constant 64 : i32
      %mul3A_131 = arith.constant 32768 : i32
      %mul3A_132 = arith.muli %add3A_92, %mul3A_131 : i32
      %add3A_133 = arith.addi %mul3A_2, %mul3A_132 : i32
      %dma_start3A_134 = tpu.memref_slice %arg4[%add3A_133] : memref<104857600xf32, #tpu.memory_space<hbm>> -> memref<32768xf32, #tpu.memory_space<hbm>>
      %dma_start3A_135 = tpu.memref_slice %arg4[%add3A_133] : memref<104857600xf32, #tpu.memory_space<hbm>> -> memref<32768xf32, #tpu.memory_space<hbm>>
      tpu.enqueue_dma source(%arg7 : memref<32768xf32, #tpu.memory_space<vmem>>) target(%dma_start3A_135 : memref<32768xf32, #tpu.memory_space<hbm>>) target_semaphore(%arg13 : memref<!tpu.dma_semaphore, #tpu.memory_space<semaphore_mem>>)
      %ge3A_136 = arith.constant 1 : i32
      %ge3A_137 = arith.cmpi sge, %add3A_92, %ge3A_136 : i32
      %convert_element_type3A_138 = arith.extui %ge3A_137 : i1 to i32
      %cond3A_139 = arith.constant 0 : i32
      %cond3A_140 = arith.cmpi ne, %convert_element_type3A_138, %cond3A_139 : i32
      scf.if %cond3A_140 {
        %sub3A_210 = arith.constant 1 : i32
        %sub3A_211 = arith.subi %add3A_92, %sub3A_210 : i32
        %mul3A_212 = arith.constant 32768 : i32
        %mul3A_213 = arith.muli %sub3A_211, %mul3A_212 : i32
        %add3A_214 = arith.addi %mul3A_2, %mul3A_213 : i32
        %dma_wait3A_215 = tpu.memref_slice %arg4[%add3A_214] : memref<104857600xf32, #tpu.memory_space<hbm>> -> memref<32768xf32, #tpu.memory_space<hbm>>
        %dma_wait3A_216 = tpu.memref_slice %arg4[%add3A_214] : memref<104857600xf32, #tpu.memory_space<hbm>> -> memref<32768xf32, #tpu.memory_space<hbm>>
        tpu.wait_dma2 semaphore(%arg12 : memref<!tpu.dma_semaphore, #tpu.memory_space<semaphore_mem>>) src(%arg6 : memref<32768xf32, #tpu.memory_space<vmem>>) dst(%dma_wait3A_216 : memref<32768xf32, #tpu.memory_space<hbm>>)
      } else {
      }
      %add3A_141 = arith.constant 3 : i32
      %add3A_142 = arith.addi %add3A_92, %add3A_141 : i32
      %sub3A_143 = arith.constant 1 : i32
      %sub3A_144 = arith.subi %add3A_142, %sub3A_143 : i32
      %lt3A_145 = arith.constant 100 : i32
      %lt3A_146 = arith.cmpi slt, %sub3A_144, %lt3A_145 : i32
      %convert_element_type3A_147 = arith.extui %lt3A_146 : i1 to i32
      %cond3A_148 = arith.constant 0 : i32
      %cond3A_149 = arith.cmpi ne, %convert_element_type3A_147, %cond3A_148 : i32
      scf.if %cond3A_149 {
        %add3A_210 = arith.constant 3 : i32
        %add3A_211 = arith.addi %add3A_92, %add3A_210 : i32
        %sub3A_212 = arith.constant 1 : i32
        %sub3A_213 = arith.subi %add3A_211, %sub3A_212 : i32
        %mul3A_214 = arith.constant 32768 : i32
        %mul3A_215 = arith.muli %sub3A_213, %mul3A_214 : i32
        %add3A_216 = arith.addi %mul3A_2, %mul3A_215 : i32
        %dma_start3A_217 = tpu.memref_slice %arg2[%add3A_216] : memref<104857600xf32, #tpu.memory_space<hbm>> -> memref<32768xf32, #tpu.memory_space<hbm>>
        %dma_start3A_218 = tpu.memref_slice %arg2[%add3A_216] : memref<104857600xf32, #tpu.memory_space<hbm>> -> memref<32768xf32, #tpu.memory_space<hbm>>
        tpu.enqueue_dma source(%dma_start3A_218 : memref<32768xf32, #tpu.memory_space<hbm>>) target(%arg6 : memref<32768xf32, #tpu.memory_space<vmem>>) target_semaphore(%arg9 : memref<!tpu.dma_semaphore, #tpu.memory_space<semaphore_mem>>)
      } else {
      }
      %add3A_150 = arith.constant 2 : i32
      %add3A_151 = arith.addi %mul3A_43, %add3A_150 : i32
      %mul3A_152 = arith.constant 32768 : i32
      %mul3A_153 = arith.muli %add3A_151, %mul3A_152 : i32
      %add3A_154 = arith.addi %mul3A_2, %mul3A_153 : i32
      %dma_wait3A_155 = tpu.memref_slice %arg2[%add3A_154] : memref<104857600xf32, #tpu.memory_space<hbm>> -> memref<32768xf32, #tpu.memory_space<hbm>>
      %dma_wait3A_156 = tpu.memref_slice %arg2[%add3A_154] : memref<104857600xf32, #tpu.memory_space<hbm>> -> memref<32768xf32, #tpu.memory_space<hbm>>
      tpu.wait_dma2 semaphore(%arg11 : memref<!tpu.dma_semaphore, #tpu.memory_space<semaphore_mem>>) src(%dma_wait3A_156 : memref<32768xf32, #tpu.memory_space<hbm>>) dst(%arg8 : memref<32768xf32, #tpu.memory_space<vmem>>)
      %jit3A_157 = arith.constant 4 : i32
      %div3A_158 = arith.divsi %add3A_151, %jit3A_157 : i32
      %sign3A_159 = arith.constant 0 : i32
      %sign3A_160 = arith.cmpi sgt, %add3A_151, %sign3A_159 : i32
      %sign3A_161 = arith.extui %sign3A_160 : i1 to i32
      %sign3A_162 = arith.constant 0 : i32
      %sign3A_163 = arith.cmpi slt, %add3A_151, %sign3A_162 : i32
      %sign3A_164 = arith.extui %sign3A_163 : i1 to i32
      %sign3A_165 = arith.subi %sign3A_161, %sign3A_164 : i32
      %sign3A_166 = arith.constant 0 : i32
      %sign3A_167 = arith.cmpi sgt, %jit3A_157, %sign3A_166 : i32
      %sign3A_168 = arith.extui %sign3A_167 : i1 to i32
      %sign3A_169 = arith.constant 0 : i32
      %sign3A_170 = arith.cmpi slt, %jit3A_157, %sign3A_169 : i32
      %sign3A_171 = arith.extui %sign3A_170 : i1 to i32
      %sign3A_172 = arith.subi %sign3A_168, %sign3A_171 : i32
      %ne3A_173 = arith.cmpi ne, %sign3A_165, %sign3A_172 : i32
      %rem3A_174 = arith.remsi %add3A_151, %jit3A_157 : i32
      %ne3A_175 = arith.constant 0 : i32
      %ne3A_176 = arith.cmpi ne, %rem3A_174, %ne3A_175 : i32
      %and3A_177 = arith.andi %ne3A_173, %ne3A_176 : i1
      %sub3A_178 = arith.constant 1 : i32
      %sub3A_179 = arith.subi %div3A_158, %sub3A_178 : i32
      %select_n3A_180 = arith.select %and3A_177, %sub3A_179, %div3A_158 : i32
      %mul3A_181 = arith.constant 1024 : i32
      %mul3A_182 = arith.muli %select_n3A_180, %mul3A_181 : i32
      %scan3A_183 = arith.constant 0 : i32
      %scan3A_184 = arith.constant 0 : i32
      %scan3A_185 = arith.constant 64 : i32
      %scan3A_186 = arith.addi %scan3A_184, %scan3A_185 : i32
      %scan3A_187 = arith.constant 1 : i32
      %scan3A_188 = scf.for %scan3A_210 = %scan3A_184 to %scan3A_186 step %scan3A_187 iter_args(%scan3A_211 = %scan3A_183) -> (i32)  : i32 {
        %mul3A_212 = arith.constant 16 : i32
        %mul3A_213 = arith.muli %scan3A_210, %mul3A_212 : i32
        %add3A_214 = arith.addi %mul3A_182, %mul3A_213 : i32
        %get3A = arith.index_cast %add3A_214 : i32 to index
        %get3A_215 = tpu.vector_load %arg5[%get3A] {strides = array<i32>} : memref<25600xf32, #tpu.memory_space<vmem>>, vector<16xf32>,
        %get3A_216 = vector.shape_cast %get3A_215 : vector<16xf32> to vector<16xf32>
        %mul3A_217 = arith.constant 16 : i32
        %mul3A_218 = arith.muli %scan3A_210, %mul3A_217 : i32
        %add3A_219 = arith.constant 0 : i32
        %add3A_220 = arith.addi %add3A_219, %mul3A_218 : i32
        %get3A_221 = arith.index_cast %add3A_220 : i32 to index
        %get3A_222 = tpu.vector_load %arg8[%get3A_221] {strides = array<i32>} : memref<32768xf32, #tpu.memory_space<vmem>>, vector<16xf32>,
        %get3A_223 = vector.shape_cast %get3A_222 : vector<16xf32> to vector<16xf32>
        %add3A_224 = arith.addf %get3A_223, %get3A_216 : vector<16xf32>
        %mul3A_225 = arith.constant 16 : i32
        %mul3A_226 = arith.muli %scan3A_210, %mul3A_225 : i32
        %add3A_227 = arith.constant 0 : i32
        %add3A_228 = arith.addi %add3A_227, %mul3A_226 : i32
        %swap3A = arith.index_cast %add3A_228 : i32 to index
        %swap3A_229 = tpu.vector_load %arg8[%swap3A] {strides = array<i32>} : memref<32768xf32, #tpu.memory_space<vmem>>, vector<16xf32>,
        %swap3A_230 = vector.shape_cast %swap3A_229 : vector<16xf32> to vector<16xf32>
        %swap3A_231 = vector.shape_cast %add3A_224 : vector<16xf32> to vector<16xf32>
        tpu.vector_store %arg8[%swap3A], %swap3A_231 {strides = array<i32>} : memref<32768xf32, #tpu.memory_space<vmem>>, vector<16xf32>,
        %mul3A_232 = arith.constant 16 : i32
        %mul3A_233 = arith.muli %scan3A_210, %mul3A_232 : i32
        %add3A_234 = arith.constant 1024 : i32
        %add3A_235 = arith.addi %add3A_234, %mul3A_233 : i32
        %get3A_236 = arith.index_cast %add3A_235 : i32 to index
        %get3A_237 = tpu.vector_load %arg8[%get3A_236] {strides = array<i32>} : memref<32768xf32, #tpu.memory_space<vmem>>, vector<16xf32>,
        %get3A_238 = vector.shape_cast %get3A_237 : vector<16xf32> to vector<16xf32>
        %add3A_239 = arith.addf %get3A_238, %get3A_216 : vector<16xf32>
        %mul3A_240 = arith.constant 16 : i32
        %mul3A_241 = arith.muli %scan3A_210, %mul3A_240 : i32
        %add3A_242 = arith.constant 1024 : i32
        %add3A_243 = arith.addi %add3A_242, %mul3A_241 : i32
        %swap3A_244 = arith.index_cast %add3A_243 : i32 to index
        %swap3A_245 = tpu.vector_load %arg8[%swap3A_244] {strides = array<i32>} : memref<32768xf32, #tpu.memory_space<vmem>>, vector<16xf32>,
        %swap3A_246 = vector.shape_cast %swap3A_245 : vector<16xf32> to vector<16xf32>
        %swap3A_247 = vector.shape_cast %add3A_239 : vector<16xf32> to vector<16xf32>
        tpu.vector_store %arg8[%swap3A_244], %swap3A_247 {strides = array<i32>} : memref<32768xf32, #tpu.memory_space<vmem>>, vector<16xf32>,
        %mul3A_248 = arith.constant 16 : i32
        %mul3A_249 = arith.muli %scan3A_210, %mul3A_248 : i32
        %add3A_250 = arith.constant 2048 : i32
        %add3A_251 = arith.addi %add3A_250, %mul3A_249 : i32
        %get3A_252 = arith.index_cast %add3A_251 : i32 to index
        %get3A_253 = tpu.vector_load %arg8[%get3A_252] {strides = array<i32>} : memref<32768xf32, #tpu.memory_space<vmem>>, vector<16xf32>,
        %get3A_254 = vector.shape_cast %get3A_253 : vector<16xf32> to vector<16xf32>
        %add3A_255 = arith.addf %get3A_254, %get3A_216 : vector<16xf32>
        %mul3A_256 = arith.constant 16 : i32
        %mul3A_257 = arith.muli %scan3A_210, %mul3A_256 : i32
        %add3A_258 = arith.constant 2048 : i32
        %add3A_259 = arith.addi %add3A_258, %mul3A_257 : i32
        %swap3A_260 = arith.index_cast %add3A_259 : i32 to index
        %swap3A_261 = tpu.vector_load %arg8[%swap3A_260] {strides = array<i32>} : memref<32768xf32, #tpu.memory_space<vmem>>, vector<16xf32>,
        %swap3A_262 = vector.shape_cast %swap3A_261 : vector<16xf32> to vector<16xf32>
        %swap3A_263 = vector.shape_cast %add3A_255 : vector<16xf32> to vector<16xf32>
        tpu.vector_store %arg8[%swap3A_260], %swap3A_263 {strides = array<i32>} : memref<32768xf32, #tpu.memory_space<vmem>>, vector<16xf32>,
        %mul3A_264 = arith.constant 16 : i32
        %mul3A_265 = arith.muli %scan3A_210, %mul3A_264 : i32
        %add3A_266 = arith.constant 3072 : i32
        %add3A_267 = arith.addi %add3A_266, %mul3A_265 : i32
        %get3A_268 = arith.index_cast %add3A_267 : i32 to index
        %get3A_269 = tpu.vector_load %arg8[%get3A_268] {strides = array<i32>} : memref<32768xf32, #tpu.memory_space<vmem>>, vector<16xf32>,
        %get3A_270 = vector.shape_cast %get3A_269 : vector<16xf32> to vector<16xf32>
        %add3A_271 = arith.addf %get3A_270, %get3A_216 : vector<16xf32>
        %mul3A_272 = arith.constant 16 : i32
        %mul3A_273 = arith.muli %scan3A_210, %mul3A_272 : i32
        %add3A_274 = arith.constant 3072 : i32
        %add3A_275 = arith.addi %add3A_274, %mul3A_273 : i32
        %swap3A_276 = arith.index_cast %add3A_275 : i32 to index
        %swap3A_277 = tpu.vector_load %arg8[%swap3A_276] {strides = array<i32>} : memref<32768xf32, #tpu.memory_space<vmem>>, vector<16xf32>,
        %swap3A_278 = vector.shape_cast %swap3A_277 : vector<16xf32> to vector<16xf32>
        %swap3A_279 = vector.shape_cast %add3A_271 : vector<16xf32> to vector<16xf32>
        tpu.vector_store %arg8[%swap3A_276], %swap3A_279 {strides = array<i32>} : memref<32768xf32, #tpu.memory_space<vmem>>, vector<16xf32>,
        %mul3A_280 = arith.constant 16 : i32
        %mul3A_281 = arith.muli %scan3A_210, %mul3A_280 : i32
        %add3A_282 = arith.constant 4096 : i32
        %add3A_283 = arith.addi %add3A_282, %mul3A_281 : i32
        %get3A_284 = arith.index_cast %add3A_283 : i32 to index
        %get3A_285 = tpu.vector_load %arg8[%get3A_284] {strides = array<i32>} : memref<32768xf32, #tpu.memory_space<vmem>>, vector<16xf32>,
        %get3A_286 = vector.shape_cast %get3A_285 : vector<16xf32> to vector<16xf32>
        %add3A_287 = arith.addf %get3A_286, %get3A_216 : vector<16xf32>
        %mul3A_288 = arith.constant 16 : i32
        %mul3A_289 = arith.muli %scan3A_210, %mul3A_288 : i32
        %add3A_290 = arith.constant 4096 : i32
        %add3A_291 = arith.addi %add3A_290, %mul3A_289 : i32
        %swap3A_292 = arith.index_cast %add3A_291 : i32 to index
        %swap3A_293 = tpu.vector_load %arg8[%swap3A_292] {strides = array<i32>} : memref<32768xf32, #tpu.memory_space<vmem>>, vector<16xf32>,
        %swap3A_294 = vector.shape_cast %swap3A_293 : vector<16xf32> to vector<16xf32>
        %swap3A_295 = vector.shape_cast %add3A_287 : vector<16xf32> to vector<16xf32>
        tpu.vector_store %arg8[%swap3A_292], %swap3A_295 {strides = array<i32>} : memref<32768xf32, #tpu.memory_space<vmem>>, vector<16xf32>,
        %mul3A_296 = arith.constant 16 : i32
        %mul3A_297 = arith.muli %scan3A_210, %mul3A_296 : i32
        %add3A_298 = arith.constant 5120 : i32
        %add3A_299 = arith.addi %add3A_298, %mul3A_297 : i32
        %get3A_300 = arith.index_cast %add3A_299 : i32 to index
        %get3A_301 = tpu.vector_load %arg8[%get3A_300] {strides = array<i32>} : memref<32768xf32, #tpu.memory_space<vmem>>, vector<16xf32>,
        %get3A_302 = vector.shape_cast %get3A_301 : vector<16xf32> to vector<16xf32>
        %add3A_303 = arith.addf %get3A_302, %get3A_216 : vector<16xf32>
        %mul3A_304 = arith.constant 16 : i32
        %mul3A_305 = arith.muli %scan3A_210, %mul3A_304 : i32
        %add3A_306 = arith.constant 5120 : i32
        %add3A_307 = arith.addi %add3A_306, %mul3A_305 : i32
        %swap3A_308 = arith.index_cast %add3A_307 : i32 to index
        %swap3A_309 = tpu.vector_load %arg8[%swap3A_308] {strides = array<i32>} : memref<32768xf32, #tpu.memory_space<vmem>>, vector<16xf32>,
        %swap3A_310 = vector.shape_cast %swap3A_309 : vector<16xf32> to vector<16xf32>
        %swap3A_311 = vector.shape_cast %add3A_303 : vector<16xf32> to vector<16xf32>
        tpu.vector_store %arg8[%swap3A_308], %swap3A_311 {strides = array<i32>} : memref<32768xf32, #tpu.memory_space<vmem>>, vector<16xf32>,
        %mul3A_312 = arith.constant 16 : i32
        %mul3A_313 = arith.muli %scan3A_210, %mul3A_312 : i32
        %add3A_314 = arith.constant 6144 : i32
        %add3A_315 = arith.addi %add3A_314, %mul3A_313 : i32
        %get3A_316 = arith.index_cast %add3A_315 : i32 to index
        %get3A_317 = tpu.vector_load %arg8[%get3A_316] {strides = array<i32>} : memref<32768xf32, #tpu.memory_space<vmem>>, vector<16xf32>,
        %get3A_318 = vector.shape_cast %get3A_317 : vector<16xf32> to vector<16xf32>
        %add3A_319 = arith.addf %get3A_318, %get3A_216 : vector<16xf32>
        %mul3A_320 = arith.constant 16 : i32
        %mul3A_321 = arith.muli %scan3A_210, %mul3A_320 : i32
        %add3A_322 = arith.constant 6144 : i32
        %add3A_323 = arith.addi %add3A_322, %mul3A_321 : i32
        %swap3A_324 = arith.index_cast %add3A_323 : i32 to index
        %swap3A_325 = tpu.vector_load %arg8[%swap3A_324] {strides = array<i32>} : memref<32768xf32, #tpu.memory_space<vmem>>, vector<16xf32>,
        %swap3A_326 = vector.shape_cast %swap3A_325 : vector<16xf32> to vector<16xf32>
        %swap3A_327 = vector.shape_cast %add3A_319 : vector<16xf32> to vector<16xf32>
        tpu.vector_store %arg8[%swap3A_324], %swap3A_327 {strides = array<i32>} : memref<32768xf32, #tpu.memory_space<vmem>>, vector<16xf32>,
        %mul3A_328 = arith.constant 16 : i32
        %mul3A_329 = arith.muli %scan3A_210, %mul3A_328 : i32
        %add3A_330 = arith.constant 7168 : i32
        %add3A_331 = arith.addi %add3A_330, %mul3A_329 : i32
        %get3A_332 = arith.index_cast %add3A_331 : i32 to index
        %get3A_333 = tpu.vector_load %arg8[%get3A_332] {strides = array<i32>} : memref<32768xf32, #tpu.memory_space<vmem>>, vector<16xf32>,
        %get3A_334 = vector.shape_cast %get3A_333 : vector<16xf32> to vector<16xf32>
        %add3A_335 = arith.addf %get3A_334, %get3A_216 : vector<16xf32>
        %mul3A_336 = arith.constant 16 : i32
        %mul3A_337 = arith.muli %scan3A_210, %mul3A_336 : i32
        %add3A_338 = arith.constant 7168 : i32
        %add3A_339 = arith.addi %add3A_338, %mul3A_337 : i32
        %swap3A_340 = arith.index_cast %add3A_339 : i32 to index
        %swap3A_341 = tpu.vector_load %arg8[%swap3A_340] {strides = array<i32>} : memref<32768xf32, #tpu.memory_space<vmem>>, vector<16xf32>,
        %swap3A_342 = vector.shape_cast %swap3A_341 : vector<16xf32> to vector<16xf32>
        %swap3A_343 = vector.shape_cast %add3A_335 : vector<16xf32> to vector<16xf32>
        tpu.vector_store %arg8[%swap3A_340], %swap3A_343 {strides = array<i32>} : memref<32768xf32, #tpu.memory_space<vmem>>, vector<16xf32>,
        %mul3A_344 = arith.constant 16 : i32
        %mul3A_345 = arith.muli %scan3A_210, %mul3A_344 : i32
        %add3A_346 = arith.constant 8192 : i32
        %add3A_347 = arith.addi %add3A_346, %mul3A_345 : i32
        %get3A_348 = arith.index_cast %add3A_347 : i32 to index
        %get3A_349 = tpu.vector_load %arg8[%get3A_348] {strides = array<i32>} : memref<32768xf32, #tpu.memory_space<vmem>>, vector<16xf32>,
        %get3A_350 = vector.shape_cast %get3A_349 : vector<16xf32> to vector<16xf32>
        %add3A_351 = arith.addf %get3A_350, %get3A_216 : vector<16xf32>
        %mul3A_352 = arith.constant 16 : i32
        %mul3A_353 = arith.muli %scan3A_210, %mul3A_352 : i32
        %add3A_354 = arith.constant 8192 : i32
        %add3A_355 = arith.addi %add3A_354, %mul3A_353 : i32
        %swap3A_356 = arith.index_cast %add3A_355 : i32 to index
        %swap3A_357 = tpu.vector_load %arg8[%swap3A_356] {strides = array<i32>} : memref<32768xf32, #tpu.memory_space<vmem>>, vector<16xf32>,
        %swap3A_358 = vector.shape_cast %swap3A_357 : vector<16xf32> to vector<16xf32>
        %swap3A_359 = vector.shape_cast %add3A_351 : vector<16xf32> to vector<16xf32>
        tpu.vector_store %arg8[%swap3A_356], %swap3A_359 {strides = array<i32>} : memref<32768xf32, #tpu.memory_space<vmem>>, vector<16xf32>,
        %mul3A_360 = arith.constant 16 : i32
        %mul3A_361 = arith.muli %scan3A_210, %mul3A_360 : i32
        %add3A_362 = arith.constant 9216 : i32
        %add3A_363 = arith.addi %add3A_362, %mul3A_361 : i32
        %get3A_364 = arith.index_cast %add3A_363 : i32 to index
        %get3A_365 = tpu.vector_load %arg8[%get3A_364] {strides = array<i32>} : memref<32768xf32, #tpu.memory_space<vmem>>, vector<16xf32>,
        %get3A_366 = vector.shape_cast %get3A_365 : vector<16xf32> to vector<16xf32>
        %add3A_367 = arith.addf %get3A_366, %get3A_216 : vector<16xf32>
        %mul3A_368 = arith.constant 16 : i32
        %mul3A_369 = arith.muli %scan3A_210, %mul3A_368 : i32
        %add3A_370 = arith.constant 9216 : i32
        %add3A_371 = arith.addi %add3A_370, %mul3A_369 : i32
        %swap3A_372 = arith.index_cast %add3A_371 : i32 to index
        %swap3A_373 = tpu.vector_load %arg8[%swap3A_372] {strides = array<i32>} : memref<32768xf32, #tpu.memory_space<vmem>>, vector<16xf32>,
        %swap3A_374 = vector.shape_cast %swap3A_373 : vector<16xf32> to vector<16xf32>
        %swap3A_375 = vector.shape_cast %add3A_367 : vector<16xf32> to vector<16xf32>
        tpu.vector_store %arg8[%swap3A_372], %swap3A_375 {strides = array<i32>} : memref<32768xf32, #tpu.memory_space<vmem>>, vector<16xf32>,
        %mul3A_376 = arith.constant 16 : i32
        %mul3A_377 = arith.muli %scan3A_210, %mul3A_376 : i32
        %add3A_378 = arith.constant 10240 : i32
        %add3A_379 = arith.addi %add3A_378, %mul3A_377 : i32
        %get3A_380 = arith.index_cast %add3A_379 : i32 to index
        %get3A_381 = tpu.vector_load %arg8[%get3A_380] {strides = array<i32>} : memref<32768xf32, #tpu.memory_space<vmem>>, vector<16xf32>,
        %get3A_382 = vector.shape_cast %get3A_381 : vector<16xf32> to vector<16xf32>
        %add3A_383 = arith.addf %get3A_382, %get3A_216 : vector<16xf32>
        %mul3A_384 = arith.constant 16 : i32
        %mul3A_385 = arith.muli %scan3A_210, %mul3A_384 : i32
        %add3A_386 = arith.constant 10240 : i32
        %add3A_387 = arith.addi %add3A_386, %mul3A_385 : i32
        %swap3A_388 = arith.index_cast %add3A_387 : i32 to index
        %swap3A_389 = tpu.vector_load %arg8[%swap3A_388] {strides = array<i32>} : memref<32768xf32, #tpu.memory_space<vmem>>, vector<16xf32>,
        %swap3A_390 = vector.shape_cast %swap3A_389 : vector<16xf32> to vector<16xf32>
        %swap3A_391 = vector.shape_cast %add3A_383 : vector<16xf32> to vector<16xf32>
        tpu.vector_store %arg8[%swap3A_388], %swap3A_391 {strides = array<i32>} : memref<32768xf32, #tpu.memory_space<vmem>>, vector<16xf32>,
        %mul3A_392 = arith.constant 16 : i32
        %mul3A_393 = arith.muli %scan3A_210, %mul3A_392 : i32
        %add3A_394 = arith.constant 11264 : i32
        %add3A_395 = arith.addi %add3A_394, %mul3A_393 : i32
        %get3A_396 = arith.index_cast %add3A_395 : i32 to index
        %get3A_397 = tpu.vector_load %arg8[%get3A_396] {strides = array<i32>} : memref<32768xf32, #tpu.memory_space<vmem>>, vector<16xf32>,
        %get3A_398 = vector.shape_cast %get3A_397 : vector<16xf32> to vector<16xf32>
        %add3A_399 = arith.addf %get3A_398, %get3A_216 : vector<16xf32>
        %mul3A_400 = arith.constant 16 : i32
        %mul3A_401 = arith.muli %scan3A_210, %mul3A_400 : i32
        %add3A_402 = arith.constant 11264 : i32
        %add3A_403 = arith.addi %add3A_402, %mul3A_401 : i32
        %swap3A_404 = arith.index_cast %add3A_403 : i32 to index
        %swap3A_405 = tpu.vector_load %arg8[%swap3A_404] {strides = array<i32>} : memref<32768xf32, #tpu.memory_space<vmem>>, vector<16xf32>,
        %swap3A_406 = vector.shape_cast %swap3A_405 : vector<16xf32> to vector<16xf32>
        %swap3A_407 = vector.shape_cast %add3A_399 : vector<16xf32> to vector<16xf32>
        tpu.vector_store %arg8[%swap3A_404], %swap3A_407 {strides = array<i32>} : memref<32768xf32, #tpu.memory_space<vmem>>, vector<16xf32>,
        %mul3A_408 = arith.constant 16 : i32
        %mul3A_409 = arith.muli %scan3A_210, %mul3A_408 : i32
        %add3A_410 = arith.constant 12288 : i32
        %add3A_411 = arith.addi %add3A_410, %mul3A_409 : i32
        %get3A_412 = arith.index_cast %add3A_411 : i32 to index
        %get3A_413 = tpu.vector_load %arg8[%get3A_412] {strides = array<i32>} : memref<32768xf32, #tpu.memory_space<vmem>>, vector<16xf32>,
        %get3A_414 = vector.shape_cast %get3A_413 : vector<16xf32> to vector<16xf32>
        %add3A_415 = arith.addf %get3A_414, %get3A_216 : vector<16xf32>
        %mul3A_416 = arith.constant 16 : i32
        %mul3A_417 = arith.muli %scan3A_210, %mul3A_416 : i32
        %add3A_418 = arith.constant 12288 : i32
        %add3A_419 = arith.addi %add3A_418, %mul3A_417 : i32
        %swap3A_420 = arith.index_cast %add3A_419 : i32 to index
        %swap3A_421 = tpu.vector_load %arg8[%swap3A_420] {strides = array<i32>} : memref<32768xf32, #tpu.memory_space<vmem>>, vector<16xf32>,
        %swap3A_422 = vector.shape_cast %swap3A_421 : vector<16xf32> to vector<16xf32>
        %swap3A_423 = vector.shape_cast %add3A_415 : vector<16xf32> to vector<16xf32>
        tpu.vector_store %arg8[%swap3A_420], %swap3A_423 {strides = array<i32>} : memref<32768xf32, #tpu.memory_space<vmem>>, vector<16xf32>,
        %mul3A_424 = arith.constant 16 : i32
        %mul3A_425 = arith.muli %scan3A_210, %mul3A_424 : i32
        %add3A_426 = arith.constant 13312 : i32
        %add3A_427 = arith.addi %add3A_426, %mul3A_425 : i32
        %get3A_428 = arith.index_cast %add3A_427 : i32 to index
        %get3A_429 = tpu.vector_load %arg8[%get3A_428] {strides = array<i32>} : memref<32768xf32, #tpu.memory_space<vmem>>, vector<16xf32>,
        %get3A_430 = vector.shape_cast %get3A_429 : vector<16xf32> to vector<16xf32>
        %add3A_431 = arith.addf %get3A_430, %get3A_216 : vector<16xf32>
        %mul3A_432 = arith.constant 16 : i32
        %mul3A_433 = arith.muli %scan3A_210, %mul3A_432 : i32
        %add3A_434 = arith.constant 13312 : i32
        %add3A_435 = arith.addi %add3A_434, %mul3A_433 : i32
        %swap3A_436 = arith.index_cast %add3A_435 : i32 to index
        %swap3A_437 = tpu.vector_load %arg8[%swap3A_436] {strides = array<i32>} : memref<32768xf32, #tpu.memory_space<vmem>>, vector<16xf32>,
        %swap3A_438 = vector.shape_cast %swap3A_437 : vector<16xf32> to vector<16xf32>
        %swap3A_439 = vector.shape_cast %add3A_431 : vector<16xf32> to vector<16xf32>
        tpu.vector_store %arg8[%swap3A_436], %swap3A_439 {strides = array<i32>} : memref<32768xf32, #tpu.memory_space<vmem>>, vector<16xf32>,
        %mul3A_440 = arith.constant 16 : i32
        %mul3A_441 = arith.muli %scan3A_210, %mul3A_440 : i32
        %add3A_442 = arith.constant 14336 : i32
        %add3A_443 = arith.addi %add3A_442, %mul3A_441 : i32
        %get3A_444 = arith.index_cast %add3A_443 : i32 to index
        %get3A_445 = tpu.vector_load %arg8[%get3A_444] {strides = array<i32>} : memref<32768xf32, #tpu.memory_space<vmem>>, vector<16xf32>,
        %get3A_446 = vector.shape_cast %get3A_445 : vector<16xf32> to vector<16xf32>
        %add3A_447 = arith.addf %get3A_446, %get3A_216 : vector<16xf32>
        %mul3A_448 = arith.constant 16 : i32
        %mul3A_449 = arith.muli %scan3A_210, %mul3A_448 : i32
        %add3A_450 = arith.constant 14336 : i32
        %add3A_451 = arith.addi %add3A_450, %mul3A_449 : i32
        %swap3A_452 = arith.index_cast %add3A_451 : i32 to index
        %swap3A_453 = tpu.vector_load %arg8[%swap3A_452] {strides = array<i32>} : memref<32768xf32, #tpu.memory_space<vmem>>, vector<16xf32>,
        %swap3A_454 = vector.shape_cast %swap3A_453 : vector<16xf32> to vector<16xf32>
        %swap3A_455 = vector.shape_cast %add3A_447 : vector<16xf32> to vector<16xf32>
        tpu.vector_store %arg8[%swap3A_452], %swap3A_455 {strides = array<i32>} : memref<32768xf32, #tpu.memory_space<vmem>>, vector<16xf32>,
        %mul3A_456 = arith.constant 16 : i32
        %mul3A_457 = arith.muli %scan3A_210, %mul3A_456 : i32
        %add3A_458 = arith.constant 15360 : i32
        %add3A_459 = arith.addi %add3A_458, %mul3A_457 : i32
        %get3A_460 = arith.index_cast %add3A_459 : i32 to index
        %get3A_461 = tpu.vector_load %arg8[%get3A_460] {strides = array<i32>} : memref<32768xf32, #tpu.memory_space<vmem>>, vector<16xf32>,
        %get3A_462 = vector.shape_cast %get3A_461 : vector<16xf32> to vector<16xf32>
        %add3A_463 = arith.addf %get3A_462, %get3A_216 : vector<16xf32>
        %mul3A_464 = arith.constant 16 : i32
        %mul3A_465 = arith.muli %scan3A_210, %mul3A_464 : i32
        %add3A_466 = arith.constant 15360 : i32
        %add3A_467 = arith.addi %add3A_466, %mul3A_465 : i32
        %swap3A_468 = arith.index_cast %add3A_467 : i32 to index
        %swap3A_469 = tpu.vector_load %arg8[%swap3A_468] {strides = array<i32>} : memref<32768xf32, #tpu.memory_space<vmem>>, vector<16xf32>,
        %swap3A_470 = vector.shape_cast %swap3A_469 : vector<16xf32> to vector<16xf32>
        %swap3A_471 = vector.shape_cast %add3A_463 : vector<16xf32> to vector<16xf32>
        tpu.vector_store %arg8[%swap3A_468], %swap3A_471 {strides = array<i32>} : memref<32768xf32, #tpu.memory_space<vmem>>, vector<16xf32>,
        %mul3A_472 = arith.constant 16 : i32
        %mul3A_473 = arith.muli %scan3A_210, %mul3A_472 : i32
        %add3A_474 = arith.constant 16384 : i32
        %add3A_475 = arith.addi %add3A_474, %mul3A_473 : i32
        %get3A_476 = arith.index_cast %add3A_475 : i32 to index
        %get3A_477 = tpu.vector_load %arg8[%get3A_476] {strides = array<i32>} : memref<32768xf32, #tpu.memory_space<vmem>>, vector<16xf32>,
        %get3A_478 = vector.shape_cast %get3A_477 : vector<16xf32> to vector<16xf32>
        %add3A_479 = arith.addf %get3A_478, %get3A_216 : vector<16xf32>
        %mul3A_480 = arith.constant 16 : i32
        %mul3A_481 = arith.muli %scan3A_210, %mul3A_480 : i32
        %add3A_482 = arith.constant 16384 : i32
        %add3A_483 = arith.addi %add3A_482, %mul3A_481 : i32
        %swap3A_484 = arith.index_cast %add3A_483 : i32 to index
        %swap3A_485 = tpu.vector_load %arg8[%swap3A_484] {strides = array<i32>} : memref<32768xf32, #tpu.memory_space<vmem>>, vector<16xf32>,
        %swap3A_486 = vector.shape_cast %swap3A_485 : vector<16xf32> to vector<16xf32>
        %swap3A_487 = vector.shape_cast %add3A_479 : vector<16xf32> to vector<16xf32>
        tpu.vector_store %arg8[%swap3A_484], %swap3A_487 {strides = array<i32>} : memref<32768xf32, #tpu.memory_space<vmem>>, vector<16xf32>,
        %mul3A_488 = arith.constant 16 : i32
        %mul3A_489 = arith.muli %scan3A_210, %mul3A_488 : i32
        %add3A_490 = arith.constant 17408 : i32
        %add3A_491 = arith.addi %add3A_490, %mul3A_489 : i32
        %get3A_492 = arith.index_cast %add3A_491 : i32 to index
        %get3A_493 = tpu.vector_load %arg8[%get3A_492] {strides = array<i32>} : memref<32768xf32, #tpu.memory_space<vmem>>, vector<16xf32>,
        %get3A_494 = vector.shape_cast %get3A_493 : vector<16xf32> to vector<16xf32>
        %add3A_495 = arith.addf %get3A_494, %get3A_216 : vector<16xf32>
        %mul3A_496 = arith.constant 16 : i32
        %mul3A_497 = arith.muli %scan3A_210, %mul3A_496 : i32
        %add3A_498 = arith.constant 17408 : i32
        %add3A_499 = arith.addi %add3A_498, %mul3A_497 : i32
        %swap3A_500 = arith.index_cast %add3A_499 : i32 to index
        %swap3A_501 = tpu.vector_load %arg8[%swap3A_500] {strides = array<i32>} : memref<32768xf32, #tpu.memory_space<vmem>>, vector<16xf32>,
        %swap3A_502 = vector.shape_cast %swap3A_501 : vector<16xf32> to vector<16xf32>
        %swap3A_503 = vector.shape_cast %add3A_495 : vector<16xf32> to vector<16xf32>
        tpu.vector_store %arg8[%swap3A_500], %swap3A_503 {strides = array<i32>} : memref<32768xf32, #tpu.memory_space<vmem>>, vector<16xf32>,
        %mul3A_504 = arith.constant 16 : i32
        %mul3A_505 = arith.muli %scan3A_210, %mul3A_504 : i32
        %add3A_506 = arith.constant 18432 : i32
        %add3A_507 = arith.addi %add3A_506, %mul3A_505 : i32
        %get3A_508 = arith.index_cast %add3A_507 : i32 to index
        %get3A_509 = tpu.vector_load %arg8[%get3A_508] {strides = array<i32>} : memref<32768xf32, #tpu.memory_space<vmem>>, vector<16xf32>,
        %get3A_510 = vector.shape_cast %get3A_509 : vector<16xf32> to vector<16xf32>
        %add3A_511 = arith.addf %get3A_510, %get3A_216 : vector<16xf32>
        %mul3A_512 = arith.constant 16 : i32
        %mul3A_513 = arith.muli %scan3A_210, %mul3A_512 : i32
        %add3A_514 = arith.constant 18432 : i32
        %add3A_515 = arith.addi %add3A_514, %mul3A_513 : i32
        %swap3A_516 = arith.index_cast %add3A_515 : i32 to index
        %swap3A_517 = tpu.vector_load %arg8[%swap3A_516] {strides = array<i32>} : memref<32768xf32, #tpu.memory_space<vmem>>, vector<16xf32>,
        %swap3A_518 = vector.shape_cast %swap3A_517 : vector<16xf32> to vector<16xf32>
        %swap3A_519 = vector.shape_cast %add3A_511 : vector<16xf32> to vector<16xf32>
        tpu.vector_store %arg8[%swap3A_516], %swap3A_519 {strides = array<i32>} : memref<32768xf32, #tpu.memory_space<vmem>>, vector<16xf32>,
        %mul3A_520 = arith.constant 16 : i32
        %mul3A_521 = arith.muli %scan3A_210, %mul3A_520 : i32
        %add3A_522 = arith.constant 19456 : i32
        %add3A_523 = arith.addi %add3A_522, %mul3A_521 : i32
        %get3A_524 = arith.index_cast %add3A_523 : i32 to index
        %get3A_525 = tpu.vector_load %arg8[%get3A_524] {strides = array<i32>} : memref<32768xf32, #tpu.memory_space<vmem>>, vector<16xf32>,
        %get3A_526 = vector.shape_cast %get3A_525 : vector<16xf32> to vector<16xf32>
        %add3A_527 = arith.addf %get3A_526, %get3A_216 : vector<16xf32>
        %mul3A_528 = arith.constant 16 : i32
        %mul3A_529 = arith.muli %scan3A_210, %mul3A_528 : i32
        %add3A_530 = arith.constant 19456 : i32
        %add3A_531 = arith.addi %add3A_530, %mul3A_529 : i32
        %swap3A_532 = arith.index_cast %add3A_531 : i32 to index
        %swap3A_533 = tpu.vector_load %arg8[%swap3A_532] {strides = array<i32>} : memref<32768xf32, #tpu.memory_space<vmem>>, vector<16xf32>,
        %swap3A_534 = vector.shape_cast %swap3A_533 : vector<16xf32> to vector<16xf32>
        %swap3A_535 = vector.shape_cast %add3A_527 : vector<16xf32> to vector<16xf32>
        tpu.vector_store %arg8[%swap3A_532], %swap3A_535 {strides = array<i32>} : memref<32768xf32, #tpu.memory_space<vmem>>, vector<16xf32>,
        %mul3A_536 = arith.constant 16 : i32
        %mul3A_537 = arith.muli %scan3A_210, %mul3A_536 : i32
        %add3A_538 = arith.constant 20480 : i32
        %add3A_539 = arith.addi %add3A_538, %mul3A_537 : i32
        %get3A_540 = arith.index_cast %add3A_539 : i32 to index
        %get3A_541 = tpu.vector_load %arg8[%get3A_540] {strides = array<i32>} : memref<32768xf32, #tpu.memory_space<vmem>>, vector<16xf32>,
        %get3A_542 = vector.shape_cast %get3A_541 : vector<16xf32> to vector<16xf32>
        %add3A_543 = arith.addf %get3A_542, %get3A_216 : vector<16xf32>
        %mul3A_544 = arith.constant 16 : i32
        %mul3A_545 = arith.muli %scan3A_210, %mul3A_544 : i32
        %add3A_546 = arith.constant 20480 : i32
        %add3A_547 = arith.addi %add3A_546, %mul3A_545 : i32
        %swap3A_548 = arith.index_cast %add3A_547 : i32 to index
        %swap3A_549 = tpu.vector_load %arg8[%swap3A_548] {strides = array<i32>} : memref<32768xf32, #tpu.memory_space<vmem>>, vector<16xf32>,
        %swap3A_550 = vector.shape_cast %swap3A_549 : vector<16xf32> to vector<16xf32>
        %swap3A_551 = vector.shape_cast %add3A_543 : vector<16xf32> to vector<16xf32>
        tpu.vector_store %arg8[%swap3A_548], %swap3A_551 {strides = array<i32>} : memref<32768xf32, #tpu.memory_space<vmem>>, vector<16xf32>,
        %mul3A_552 = arith.constant 16 : i32
        %mul3A_553 = arith.muli %scan3A_210, %mul3A_552 : i32
        %add3A_554 = arith.constant 21504 : i32
        %add3A_555 = arith.addi %add3A_554, %mul3A_553 : i32
        %get3A_556 = arith.index_cast %add3A_555 : i32 to index
        %get3A_557 = tpu.vector_load %arg8[%get3A_556] {strides = array<i32>} : memref<32768xf32, #tpu.memory_space<vmem>>, vector<16xf32>,
        %get3A_558 = vector.shape_cast %get3A_557 : vector<16xf32> to vector<16xf32>
        %add3A_559 = arith.addf %get3A_558, %get3A_216 : vector<16xf32>
        %mul3A_560 = arith.constant 16 : i32
        %mul3A_561 = arith.muli %scan3A_210, %mul3A_560 : i32
        %add3A_562 = arith.constant 21504 : i32
        %add3A_563 = arith.addi %add3A_562, %mul3A_561 : i32
        %swap3A_564 = arith.index_cast %add3A_563 : i32 to index
        %swap3A_565 = tpu.vector_load %arg8[%swap3A_564] {strides = array<i32>} : memref<32768xf32, #tpu.memory_space<vmem>>, vector<16xf32>,
        %swap3A_566 = vector.shape_cast %swap3A_565 : vector<16xf32> to vector<16xf32>
        %swap3A_567 = vector.shape_cast %add3A_559 : vector<16xf32> to vector<16xf32>
        tpu.vector_store %arg8[%swap3A_564], %swap3A_567 {strides = array<i32>} : memref<32768xf32, #tpu.memory_space<vmem>>, vector<16xf32>,
        %mul3A_568 = arith.constant 16 : i32
        %mul3A_569 = arith.muli %scan3A_210, %mul3A_568 : i32
        %add3A_570 = arith.constant 22528 : i32
        %add3A_571 = arith.addi %add3A_570, %mul3A_569 : i32
        %get3A_572 = arith.index_cast %add3A_571 : i32 to index
        %get3A_573 = tpu.vector_load %arg8[%get3A_572] {strides = array<i32>} : memref<32768xf32, #tpu.memory_space<vmem>>, vector<16xf32>,
        %get3A_574 = vector.shape_cast %get3A_573 : vector<16xf32> to vector<16xf32>
        %add3A_575 = arith.addf %get3A_574, %get3A_216 : vector<16xf32>
        %mul3A_576 = arith.constant 16 : i32
        %mul3A_577 = arith.muli %scan3A_210, %mul3A_576 : i32
        %add3A_578 = arith.constant 22528 : i32
        %add3A_579 = arith.addi %add3A_578, %mul3A_577 : i32
        %swap3A_580 = arith.index_cast %add3A_579 : i32 to index
        %swap3A_581 = tpu.vector_load %arg8[%swap3A_580] {strides = array<i32>} : memref<32768xf32, #tpu.memory_space<vmem>>, vector<16xf32>,
        %swap3A_582 = vector.shape_cast %swap3A_581 : vector<16xf32> to vector<16xf32>
        %swap3A_583 = vector.shape_cast %add3A_575 : vector<16xf32> to vector<16xf32>
        tpu.vector_store %arg8[%swap3A_580], %swap3A_583 {strides = array<i32>} : memref<32768xf32, #tpu.memory_space<vmem>>, vector<16xf32>,
        %mul3A_584 = arith.constant 16 : i32
        %mul3A_585 = arith.muli %scan3A_210, %mul3A_584 : i32
        %add3A_586 = arith.constant 23552 : i32
        %add3A_587 = arith.addi %add3A_586, %mul3A_585 : i32
        %get3A_588 = arith.index_cast %add3A_587 : i32 to index
        %get3A_589 = tpu.vector_load %arg8[%get3A_588] {strides = array<i32>} : memref<32768xf32, #tpu.memory_space<vmem>>, vector<16xf32>,
        %get3A_590 = vector.shape_cast %get3A_589 : vector<16xf32> to vector<16xf32>
        %add3A_591 = arith.addf %get3A_590, %get3A_216 : vector<16xf32>
        %mul3A_592 = arith.constant 16 : i32
        %mul3A_593 = arith.muli %scan3A_210, %mul3A_592 : i32
        %add3A_594 = arith.constant 23552 : i32
        %add3A_595 = arith.addi %add3A_594, %mul3A_593 : i32
        %swap3A_596 = arith.index_cast %add3A_595 : i32 to index
        %swap3A_597 = tpu.vector_load %arg8[%swap3A_596] {strides = array<i32>} : memref<32768xf32, #tpu.memory_space<vmem>>, vector<16xf32>,
        %swap3A_598 = vector.shape_cast %swap3A_597 : vector<16xf32> to vector<16xf32>
        %swap3A_599 = vector.shape_cast %add3A_591 : vector<16xf32> to vector<16xf32>
        tpu.vector_store %arg8[%swap3A_596], %swap3A_599 {strides = array<i32>} : memref<32768xf32, #tpu.memory_space<vmem>>, vector<16xf32>,
        %mul3A_600 = arith.constant 16 : i32
        %mul3A_601 = arith.muli %scan3A_210, %mul3A_600 : i32
        %add3A_602 = arith.constant 24576 : i32
        %add3A_603 = arith.addi %add3A_602, %mul3A_601 : i32
        %get3A_604 = arith.index_cast %add3A_603 : i32 to index
        %get3A_605 = tpu.vector_load %arg8[%get3A_604] {strides = array<i32>} : memref<32768xf32, #tpu.memory_space<vmem>>, vector<16xf32>,
        %get3A_606 = vector.shape_cast %get3A_605 : vector<16xf32> to vector<16xf32>
        %add3A_607 = arith.addf %get3A_606, %get3A_216 : vector<16xf32>
        %mul3A_608 = arith.constant 16 : i32
        %mul3A_609 = arith.muli %scan3A_210, %mul3A_608 : i32
        %add3A_610 = arith.constant 24576 : i32
        %add3A_611 = arith.addi %add3A_610, %mul3A_609 : i32
        %swap3A_612 = arith.index_cast %add3A_611 : i32 to index
        %swap3A_613 = tpu.vector_load %arg8[%swap3A_612] {strides = array<i32>} : memref<32768xf32, #tpu.memory_space<vmem>>, vector<16xf32>,
        %swap3A_614 = vector.shape_cast %swap3A_613 : vector<16xf32> to vector<16xf32>
        %swap3A_615 = vector.shape_cast %add3A_607 : vector<16xf32> to vector<16xf32>
        tpu.vector_store %arg8[%swap3A_612], %swap3A_615 {strides = array<i32>} : memref<32768xf32, #tpu.memory_space<vmem>>, vector<16xf32>,
        %mul3A_616 = arith.constant 16 : i32
        %mul3A_617 = arith.muli %scan3A_210, %mul3A_616 : i32
        %add3A_618 = arith.constant 25600 : i32
        %add3A_619 = arith.addi %add3A_618, %mul3A_617 : i32
        %get3A_620 = arith.index_cast %add3A_619 : i32 to index
        %get3A_621 = tpu.vector_load %arg8[%get3A_620] {strides = array<i32>} : memref<32768xf32, #tpu.memory_space<vmem>>, vector<16xf32>,
        %get3A_622 = vector.shape_cast %get3A_621 : vector<16xf32> to vector<16xf32>
        %add3A_623 = arith.addf %get3A_622, %get3A_216 : vector<16xf32>
        %mul3A_624 = arith.constant 16 : i32
        %mul3A_625 = arith.muli %scan3A_210, %mul3A_624 : i32
        %add3A_626 = arith.constant 25600 : i32
        %add3A_627 = arith.addi %add3A_626, %mul3A_625 : i32
        %swap3A_628 = arith.index_cast %add3A_627 : i32 to index
        %swap3A_629 = tpu.vector_load %arg8[%swap3A_628] {strides = array<i32>} : memref<32768xf32, #tpu.memory_space<vmem>>, vector<16xf32>,
        %swap3A_630 = vector.shape_cast %swap3A_629 : vector<16xf32> to vector<16xf32>
        %swap3A_631 = vector.shape_cast %add3A_623 : vector<16xf32> to vector<16xf32>
        tpu.vector_store %arg8[%swap3A_628], %swap3A_631 {strides = array<i32>} : memref<32768xf32, #tpu.memory_space<vmem>>, vector<16xf32>,
        %mul3A_632 = arith.constant 16 : i32
        %mul3A_633 = arith.muli %scan3A_210, %mul3A_632 : i32
        %add3A_634 = arith.constant 26624 : i32
        %add3A_635 = arith.addi %add3A_634, %mul3A_633 : i32
        %get3A_636 = arith.index_cast %add3A_635 : i32 to index
        %get3A_637 = tpu.vector_load %arg8[%get3A_636] {strides = array<i32>} : memref<32768xf32, #tpu.memory_space<vmem>>, vector<16xf32>,
        %get3A_638 = vector.shape_cast %get3A_637 : vector<16xf32> to vector<16xf32>
        %add3A_639 = arith.addf %get3A_638, %get3A_216 : vector<16xf32>
        %mul3A_640 = arith.constant 16 : i32
        %mul3A_641 = arith.muli %scan3A_210, %mul3A_640 : i32
        %add3A_642 = arith.constant 26624 : i32
        %add3A_643 = arith.addi %add3A_642, %mul3A_641 : i32
        %swap3A_644 = arith.index_cast %add3A_643 : i32 to index
        %swap3A_645 = tpu.vector_load %arg8[%swap3A_644] {strides = array<i32>} : memref<32768xf32, #tpu.memory_space<vmem>>, vector<16xf32>,
        %swap3A_646 = vector.shape_cast %swap3A_645 : vector<16xf32> to vector<16xf32>
        %swap3A_647 = vector.shape_cast %add3A_639 : vector<16xf32> to vector<16xf32>
        tpu.vector_store %arg8[%swap3A_644], %swap3A_647 {strides = array<i32>} : memref<32768xf32, #tpu.memory_space<vmem>>, vector<16xf32>,
        %mul3A_648 = arith.constant 16 : i32
        %mul3A_649 = arith.muli %scan3A_210, %mul3A_648 : i32
        %add3A_650 = arith.constant 27648 : i32
        %add3A_651 = arith.addi %add3A_650, %mul3A_649 : i32
        %get3A_652 = arith.index_cast %add3A_651 : i32 to index
        %get3A_653 = tpu.vector_load %arg8[%get3A_652] {strides = array<i32>} : memref<32768xf32, #tpu.memory_space<vmem>>, vector<16xf32>,
        %get3A_654 = vector.shape_cast %get3A_653 : vector<16xf32> to vector<16xf32>
        %add3A_655 = arith.addf %get3A_654, %get3A_216 : vector<16xf32>
        %mul3A_656 = arith.constant 16 : i32
        %mul3A_657 = arith.muli %scan3A_210, %mul3A_656 : i32
        %add3A_658 = arith.constant 27648 : i32
        %add3A_659 = arith.addi %add3A_658, %mul3A_657 : i32
        %swap3A_660 = arith.index_cast %add3A_659 : i32 to index
        %swap3A_661 = tpu.vector_load %arg8[%swap3A_660] {strides = array<i32>} : memref<32768xf32, #tpu.memory_space<vmem>>, vector<16xf32>,
        %swap3A_662 = vector.shape_cast %swap3A_661 : vector<16xf32> to vector<16xf32>
        %swap3A_663 = vector.shape_cast %add3A_655 : vector<16xf32> to vector<16xf32>
        tpu.vector_store %arg8[%swap3A_660], %swap3A_663 {strides = array<i32>} : memref<32768xf32, #tpu.memory_space<vmem>>, vector<16xf32>,
        %mul3A_664 = arith.constant 16 : i32
        %mul3A_665 = arith.muli %scan3A_210, %mul3A_664 : i32
        %add3A_666 = arith.constant 28672 : i32
        %add3A_667 = arith.addi %add3A_666, %mul3A_665 : i32
        %get3A_668 = arith.index_cast %add3A_667 : i32 to index
        %get3A_669 = tpu.vector_load %arg8[%get3A_668] {strides = array<i32>} : memref<32768xf32, #tpu.memory_space<vmem>>, vector<16xf32>,
        %get3A_670 = vector.shape_cast %get3A_669 : vector<16xf32> to vector<16xf32>
        %add3A_671 = arith.addf %get3A_670, %get3A_216 : vector<16xf32>
        %mul3A_672 = arith.constant 16 : i32
        %mul3A_673 = arith.muli %scan3A_210, %mul3A_672 : i32
        %add3A_674 = arith.constant 28672 : i32
        %add3A_675 = arith.addi %add3A_674, %mul3A_673 : i32
        %swap3A_676 = arith.index_cast %add3A_675 : i32 to index
        %swap3A_677 = tpu.vector_load %arg8[%swap3A_676] {strides = array<i32>} : memref<32768xf32, #tpu.memory_space<vmem>>, vector<16xf32>,
        %swap3A_678 = vector.shape_cast %swap3A_677 : vector<16xf32> to vector<16xf32>
        %swap3A_679 = vector.shape_cast %add3A_671 : vector<16xf32> to vector<16xf32>
        tpu.vector_store %arg8[%swap3A_676], %swap3A_679 {strides = array<i32>} : memref<32768xf32, #tpu.memory_space<vmem>>, vector<16xf32>,
        %mul3A_680 = arith.constant 16 : i32
        %mul3A_681 = arith.muli %scan3A_210, %mul3A_680 : i32
        %add3A_682 = arith.constant 29696 : i32
        %add3A_683 = arith.addi %add3A_682, %mul3A_681 : i32
        %get3A_684 = arith.index_cast %add3A_683 : i32 to index
        %get3A_685 = tpu.vector_load %arg8[%get3A_684] {strides = array<i32>} : memref<32768xf32, #tpu.memory_space<vmem>>, vector<16xf32>,
        %get3A_686 = vector.shape_cast %get3A_685 : vector<16xf32> to vector<16xf32>
        %add3A_687 = arith.addf %get3A_686, %get3A_216 : vector<16xf32>
        %mul3A_688 = arith.constant 16 : i32
        %mul3A_689 = arith.muli %scan3A_210, %mul3A_688 : i32
        %add3A_690 = arith.constant 29696 : i32
        %add3A_691 = arith.addi %add3A_690, %mul3A_689 : i32
        %swap3A_692 = arith.index_cast %add3A_691 : i32 to index
        %swap3A_693 = tpu.vector_load %arg8[%swap3A_692] {strides = array<i32>} : memref<32768xf32, #tpu.memory_space<vmem>>, vector<16xf32>,
        %swap3A_694 = vector.shape_cast %swap3A_693 : vector<16xf32> to vector<16xf32>
        %swap3A_695 = vector.shape_cast %add3A_687 : vector<16xf32> to vector<16xf32>
        tpu.vector_store %arg8[%swap3A_692], %swap3A_695 {strides = array<i32>} : memref<32768xf32, #tpu.memory_space<vmem>>, vector<16xf32>,
        %mul3A_696 = arith.constant 16 : i32
        %mul3A_697 = arith.muli %scan3A_210, %mul3A_696 : i32
        %add3A_698 = arith.constant 30720 : i32
        %add3A_699 = arith.addi %add3A_698, %mul3A_697 : i32
        %get3A_700 = arith.index_cast %add3A_699 : i32 to index
        %get3A_701 = tpu.vector_load %arg8[%get3A_700] {strides = array<i32>} : memref<32768xf32, #tpu.memory_space<vmem>>, vector<16xf32>,
        %get3A_702 = vector.shape_cast %get3A_701 : vector<16xf32> to vector<16xf32>
        %add3A_703 = arith.addf %get3A_702, %get3A_216 : vector<16xf32>
        %mul3A_704 = arith.constant 16 : i32
        %mul3A_705 = arith.muli %scan3A_210, %mul3A_704 : i32
        %add3A_706 = arith.constant 30720 : i32
        %add3A_707 = arith.addi %add3A_706, %mul3A_705 : i32
        %swap3A_708 = arith.index_cast %add3A_707 : i32 to index
        %swap3A_709 = tpu.vector_load %arg8[%swap3A_708] {strides = array<i32>} : memref<32768xf32, #tpu.memory_space<vmem>>, vector<16xf32>,
        %swap3A_710 = vector.shape_cast %swap3A_709 : vector<16xf32> to vector<16xf32>
        %swap3A_711 = vector.shape_cast %add3A_703 : vector<16xf32> to vector<16xf32>
        tpu.vector_store %arg8[%swap3A_708], %swap3A_711 {strides = array<i32>} : memref<32768xf32, #tpu.memory_space<vmem>>, vector<16xf32>,
        %mul3A_712 = arith.constant 16 : i32
        %mul3A_713 = arith.muli %scan3A_210, %mul3A_712 : i32
        %add3A_714 = arith.constant 31744 : i32
        %add3A_715 = arith.addi %add3A_714, %mul3A_713 : i32
        %get3A_716 = arith.index_cast %add3A_715 : i32 to index
        %get3A_717 = tpu.vector_load %arg8[%get3A_716] {strides = array<i32>} : memref<32768xf32, #tpu.memory_space<vmem>>, vector<16xf32>,
        %get3A_718 = vector.shape_cast %get3A_717 : vector<16xf32> to vector<16xf32>
        %add3A_719 = arith.addf %get3A_718, %get3A_216 : vector<16xf32>
        %mul3A_720 = arith.constant 16 : i32
        %mul3A_721 = arith.muli %scan3A_210, %mul3A_720 : i32
        %add3A_722 = arith.constant 31744 : i32
        %add3A_723 = arith.addi %add3A_722, %mul3A_721 : i32
        %swap3A_724 = arith.index_cast %add3A_723 : i32 to index
        %swap3A_725 = tpu.vector_load %arg8[%swap3A_724] {strides = array<i32>} : memref<32768xf32, #tpu.memory_space<vmem>>, vector<16xf32>,
        %swap3A_726 = vector.shape_cast %swap3A_725 : vector<16xf32> to vector<16xf32>
        %swap3A_727 = vector.shape_cast %add3A_719 : vector<16xf32> to vector<16xf32>
        tpu.vector_store %arg8[%swap3A_724], %swap3A_727 {strides = array<i32>} : memref<32768xf32, #tpu.memory_space<vmem>>, vector<16xf32>,
        %scan3A_728 = arith.constant 0 : i32
        scf.yield %scan3A_728 : i32
      }
      %scan3A_189 = arith.constant 64 : i32
      %mul3A_190 = arith.constant 32768 : i32
      %mul3A_191 = arith.muli %add3A_151, %mul3A_190 : i32
      %add3A_192 = arith.addi %mul3A_2, %mul3A_191 : i32
      %dma_start3A_193 = tpu.memref_slice %arg4[%add3A_192] : memref<104857600xf32, #tpu.memory_space<hbm>> -> memref<32768xf32, #tpu.memory_space<hbm>>
      %dma_start3A_194 = tpu.memref_slice %arg4[%add3A_192] : memref<104857600xf32, #tpu.memory_space<hbm>> -> memref<32768xf32, #tpu.memory_space<hbm>>
      tpu.enqueue_dma source(%arg8 : memref<32768xf32, #tpu.memory_space<vmem>>) target(%dma_start3A_194 : memref<32768xf32, #tpu.memory_space<hbm>>) target_semaphore(%arg14 : memref<!tpu.dma_semaphore, #tpu.memory_space<semaphore_mem>>)
      %ge3A_195 = arith.constant 1 : i32
      %ge3A_196 = arith.cmpi sge, %add3A_151, %ge3A_195 : i32
      %convert_element_type3A_197 = arith.extui %ge3A_196 : i1 to i32
      %cond3A_198 = arith.constant 0 : i32
      %cond3A_199 = arith.cmpi ne, %convert_element_type3A_197, %cond3A_198 : i32
      scf.if %cond3A_199 {
        %sub3A_210 = arith.constant 1 : i32
        %sub3A_211 = arith.subi %add3A_151, %sub3A_210 : i32
        %mul3A_212 = arith.constant 32768 : i32
        %mul3A_213 = arith.muli %sub3A_211, %mul3A_212 : i32
        %add3A_214 = arith.addi %mul3A_2, %mul3A_213 : i32
        %dma_wait3A_215 = tpu.memref_slice %arg4[%add3A_214] : memref<104857600xf32, #tpu.memory_space<hbm>> -> memref<32768xf32, #tpu.memory_space<hbm>>
        %dma_wait3A_216 = tpu.memref_slice %arg4[%add3A_214] : memref<104857600xf32, #tpu.memory_space<hbm>> -> memref<32768xf32, #tpu.memory_space<hbm>>
        tpu.wait_dma2 semaphore(%arg13 : memref<!tpu.dma_semaphore, #tpu.memory_space<semaphore_mem>>) src(%arg7 : memref<32768xf32, #tpu.memory_space<vmem>>) dst(%dma_wait3A_216 : memref<32768xf32, #tpu.memory_space<hbm>>)
      } else {
      }
      %add3A_200 = arith.constant 3 : i32
      %add3A_201 = arith.addi %add3A_151, %add3A_200 : i32
      %sub3A_202 = arith.constant 1 : i32
      %sub3A_203 = arith.subi %add3A_201, %sub3A_202 : i32
      %lt3A_204 = arith.constant 100 : i32
      %lt3A_205 = arith.cmpi slt, %sub3A_203, %lt3A_204 : i32
      %convert_element_type3A_206 = arith.extui %lt3A_205 : i1 to i32
      %cond3A_207 = arith.constant 0 : i32
      %cond3A_208 = arith.cmpi ne, %convert_element_type3A_206, %cond3A_207 : i32
      scf.if %cond3A_208 {
        %add3A_210 = arith.constant 3 : i32
        %add3A_211 = arith.addi %add3A_151, %add3A_210 : i32
        %sub3A_212 = arith.constant 1 : i32
        %sub3A_213 = arith.subi %add3A_211, %sub3A_212 : i32
        %mul3A_214 = arith.constant 32768 : i32
        %mul3A_215 = arith.muli %sub3A_213, %mul3A_214 : i32
        %add3A_216 = arith.addi %mul3A_2, %mul3A_215 : i32
        %dma_start3A_217 = tpu.memref_slice %arg2[%add3A_216] : memref<104857600xf32, #tpu.memory_space<hbm>> -> memref<32768xf32, #tpu.memory_space<hbm>>
        %dma_start3A_218 = tpu.memref_slice %arg2[%add3A_216] : memref<104857600xf32, #tpu.memory_space<hbm>> -> memref<32768xf32, #tpu.memory_space<hbm>>
        tpu.enqueue_dma source(%dma_start3A_218 : memref<32768xf32, #tpu.memory_space<hbm>>) target(%arg7 : memref<32768xf32, #tpu.memory_space<vmem>>) target_semaphore(%arg10 : memref<!tpu.dma_semaphore, #tpu.memory_space<semaphore_mem>>)
      } else {
      }
      %scan3A_209 = arith.constant 0 : i32
      scf.yield %scan3A_209 : i32
    }
    %scan3A_17 = arith.constant 33 : i32
    %add3A_18 = arith.constant 3244032 : i32
    %add3A_19 = arith.addi %mul3A_2, %add3A_18 : i32
    %dma_wait3A = tpu.memref_slice %arg2[%add3A_19] : memref<104857600xf32, #tpu.memory_space<hbm>> -> memref<32768xf32, #tpu.memory_space<hbm>>
    %dma_wait3A_20 = tpu.memref_slice %arg2[%add3A_19] : memref<104857600xf32, #tpu.memory_space<hbm>> -> memref<32768xf32, #tpu.memory_space<hbm>>
    tpu.wait_dma2 semaphore(%arg9 : memref<!tpu.dma_semaphore, #tpu.memory_space<semaphore_mem>>) src(%dma_wait3A_20 : memref<32768xf32, #tpu.memory_space<hbm>>) dst(%arg6 : memref<32768xf32, #tpu.memory_space<vmem>>)
    %scan3A_21 = arith.constant 0 : i32
    %scan3A_22 = arith.constant 0 : i32
    %scan3A_23 = arith.constant 64 : i32
    %scan3A_24 = arith.addi %scan3A_22, %scan3A_23 : i32
    %scan3A_25 = arith.constant 1 : i32
    %scan3A_26 = scf.for %scan3A_40 = %scan3A_22 to %scan3A_24 step %scan3A_25 iter_args(%scan3A_41 = %scan3A_21) -> (i32)  : i32 {
      %mul3A_42 = arith.constant 16 : i32
      %mul3A_43 = arith.muli %scan3A_40, %mul3A_42 : i32
      %add3A_44 = arith.constant 24576 : i32
      %add3A_45 = arith.addi %add3A_44, %mul3A_43 : i32
      %get3A = arith.index_cast %add3A_45 : i32 to index
      %get3A_46 = tpu.vector_load %arg5[%get3A] {strides = array<i32>} : memref<25600xf32, #tpu.memory_space<vmem>>, vector<16xf32>,
      %get3A_47 = vector.shape_cast %get3A_46 : vector<16xf32> to vector<16xf32>
      %mul3A_48 = arith.constant 16 : i32
      %mul3A_49 = arith.muli %scan3A_40, %mul3A_48 : i32
      %add3A_50 = arith.constant 0 : i32
      %add3A_51 = arith.addi %add3A_50, %mul3A_49 : i32
      %get3A_52 = arith.index_cast %add3A_51 : i32 to index
      %get3A_53 = tpu.vector_load %arg6[%get3A_52] {strides = array<i32>} : memref<32768xf32, #tpu.memory_space<vmem>>, vector<16xf32>,
      %get3A_54 = vector.shape_cast %get3A_53 : vector<16xf32> to vector<16xf32>
      %add3A_55 = arith.addf %get3A_54, %get3A_47 : vector<16xf32>
      %mul3A_56 = arith.constant 16 : i32
      %mul3A_57 = arith.muli %scan3A_40, %mul3A_56 : i32
      %add3A_58 = arith.constant 0 : i32
      %add3A_59 = arith.addi %add3A_58, %mul3A_57 : i32
      %swap3A = arith.index_cast %add3A_59 : i32 to index
      %swap3A_60 = tpu.vector_load %arg6[%swap3A] {strides = array<i32>} : memref<32768xf32, #tpu.memory_space<vmem>>, vector<16xf32>,
      %swap3A_61 = vector.shape_cast %swap3A_60 : vector<16xf32> to vector<16xf32>
      %swap3A_62 = vector.shape_cast %add3A_55 : vector<16xf32> to vector<16xf32>
      tpu.vector_store %arg6[%swap3A], %swap3A_62 {strides = array<i32>} : memref<32768xf32, #tpu.memory_space<vmem>>, vector<16xf32>,
      %mul3A_63 = arith.constant 16 : i32
      %mul3A_64 = arith.muli %scan3A_40, %mul3A_63 : i32
      %add3A_65 = arith.constant 1024 : i32
      %add3A_66 = arith.addi %add3A_65, %mul3A_64 : i32
      %get3A_67 = arith.index_cast %add3A_66 : i32 to index
      %get3A_68 = tpu.vector_load %arg6[%get3A_67] {strides = array<i32>} : memref<32768xf32, #tpu.memory_space<vmem>>, vector<16xf32>,
      %get3A_69 = vector.shape_cast %get3A_68 : vector<16xf32> to vector<16xf32>
      %add3A_70 = arith.addf %get3A_69, %get3A_47 : vector<16xf32>
      %mul3A_71 = arith.constant 16 : i32
      %mul3A_72 = arith.muli %scan3A_40, %mul3A_71 : i32
      %add3A_73 = arith.constant 1024 : i32
      %add3A_74 = arith.addi %add3A_73, %mul3A_72 : i32
      %swap3A_75 = arith.index_cast %add3A_74 : i32 to index
      %swap3A_76 = tpu.vector_load %arg6[%swap3A_75] {strides = array<i32>} : memref<32768xf32, #tpu.memory_space<vmem>>, vector<16xf32>,
      %swap3A_77 = vector.shape_cast %swap3A_76 : vector<16xf32> to vector<16xf32>
      %swap3A_78 = vector.shape_cast %add3A_70 : vector<16xf32> to vector<16xf32>
      tpu.vector_store %arg6[%swap3A_75], %swap3A_78 {strides = array<i32>} : memref<32768xf32, #tpu.memory_space<vmem>>, vector<16xf32>,
      %mul3A_79 = arith.constant 16 : i32
      %mul3A_80 = arith.muli %scan3A_40, %mul3A_79 : i32
      %add3A_81 = arith.constant 2048 : i32
      %add3A_82 = arith.addi %add3A_81, %mul3A_80 : i32
      %get3A_83 = arith.index_cast %add3A_82 : i32 to index
      %get3A_84 = tpu.vector_load %arg6[%get3A_83] {strides = array<i32>} : memref<32768xf32, #tpu.memory_space<vmem>>, vector<16xf32>,
      %get3A_85 = vector.shape_cast %get3A_84 : vector<16xf32> to vector<16xf32>
      %add3A_86 = arith.addf %get3A_85, %get3A_47 : vector<16xf32>
      %mul3A_87 = arith.constant 16 : i32
      %mul3A_88 = arith.muli %scan3A_40, %mul3A_87 : i32
      %add3A_89 = arith.constant 2048 : i32
      %add3A_90 = arith.addi %add3A_89, %mul3A_88 : i32
      %swap3A_91 = arith.index_cast %add3A_90 : i32 to index
      %swap3A_92 = tpu.vector_load %arg6[%swap3A_91] {strides = array<i32>} : memref<32768xf32, #tpu.memory_space<vmem>>, vector<16xf32>,
      %swap3A_93 = vector.shape_cast %swap3A_92 : vector<16xf32> to vector<16xf32>
      %swap3A_94 = vector.shape_cast %add3A_86 : vector<16xf32> to vector<16xf32>
      tpu.vector_store %arg6[%swap3A_91], %swap3A_94 {strides = array<i32>} : memref<32768xf32, #tpu.memory_space<vmem>>, vector<16xf32>,
      %mul3A_95 = arith.constant 16 : i32
      %mul3A_96 = arith.muli %scan3A_40, %mul3A_95 : i32
      %add3A_97 = arith.constant 3072 : i32
      %add3A_98 = arith.addi %add3A_97, %mul3A_96 : i32
      %get3A_99 = arith.index_cast %add3A_98 : i32 to index
      %get3A_100 = tpu.vector_load %arg6[%get3A_99] {strides = array<i32>} : memref<32768xf32, #tpu.memory_space<vmem>>, vector<16xf32>,
      %get3A_101 = vector.shape_cast %get3A_100 : vector<16xf32> to vector<16xf32>
      %add3A_102 = arith.addf %get3A_101, %get3A_47 : vector<16xf32>
      %mul3A_103 = arith.constant 16 : i32
      %mul3A_104 = arith.muli %scan3A_40, %mul3A_103 : i32
      %add3A_105 = arith.constant 3072 : i32
      %add3A_106 = arith.addi %add3A_105, %mul3A_104 : i32
      %swap3A_107 = arith.index_cast %add3A_106 : i32 to index
      %swap3A_108 = tpu.vector_load %arg6[%swap3A_107] {strides = array<i32>} : memref<32768xf32, #tpu.memory_space<vmem>>, vector<16xf32>,
      %swap3A_109 = vector.shape_cast %swap3A_108 : vector<16xf32> to vector<16xf32>
      %swap3A_110 = vector.shape_cast %add3A_102 : vector<16xf32> to vector<16xf32>
      tpu.vector_store %arg6[%swap3A_107], %swap3A_110 {strides = array<i32>} : memref<32768xf32, #tpu.memory_space<vmem>>, vector<16xf32>,
      %mul3A_111 = arith.constant 16 : i32
      %mul3A_112 = arith.muli %scan3A_40, %mul3A_111 : i32
      %add3A_113 = arith.constant 4096 : i32
      %add3A_114 = arith.addi %add3A_113, %mul3A_112 : i32
      %get3A_115 = arith.index_cast %add3A_114 : i32 to index
      %get3A_116 = tpu.vector_load %arg6[%get3A_115] {strides = array<i32>} : memref<32768xf32, #tpu.memory_space<vmem>>, vector<16xf32>,
      %get3A_117 = vector.shape_cast %get3A_116 : vector<16xf32> to vector<16xf32>
      %add3A_118 = arith.addf %get3A_117, %get3A_47 : vector<16xf32>
      %mul3A_119 = arith.constant 16 : i32
      %mul3A_120 = arith.muli %scan3A_40, %mul3A_119 : i32
      %add3A_121 = arith.constant 4096 : i32
      %add3A_122 = arith.addi %add3A_121, %mul3A_120 : i32
      %swap3A_123 = arith.index_cast %add3A_122 : i32 to index
      %swap3A_124 = tpu.vector_load %arg6[%swap3A_123] {strides = array<i32>} : memref<32768xf32, #tpu.memory_space<vmem>>, vector<16xf32>,
      %swap3A_125 = vector.shape_cast %swap3A_124 : vector<16xf32> to vector<16xf32>
      %swap3A_126 = vector.shape_cast %add3A_118 : vector<16xf32> to vector<16xf32>
      tpu.vector_store %arg6[%swap3A_123], %swap3A_126 {strides = array<i32>} : memref<32768xf32, #tpu.memory_space<vmem>>, vector<16xf32>,
      %mul3A_127 = arith.constant 16 : i32
      %mul3A_128 = arith.muli %scan3A_40, %mul3A_127 : i32
      %add3A_129 = arith.constant 5120 : i32
      %add3A_130 = arith.addi %add3A_129, %mul3A_128 : i32
      %get3A_131 = arith.index_cast %add3A_130 : i32 to index
      %get3A_132 = tpu.vector_load %arg6[%get3A_131] {strides = array<i32>} : memref<32768xf32, #tpu.memory_space<vmem>>, vector<16xf32>,
      %get3A_133 = vector.shape_cast %get3A_132 : vector<16xf32> to vector<16xf32>
      %add3A_134 = arith.addf %get3A_133, %get3A_47 : vector<16xf32>
      %mul3A_135 = arith.constant 16 : i32
      %mul3A_136 = arith.muli %scan3A_40, %mul3A_135 : i32
      %add3A_137 = arith.constant 5120 : i32
      %add3A_138 = arith.addi %add3A_137, %mul3A_136 : i32
      %swap3A_139 = arith.index_cast %add3A_138 : i32 to index
      %swap3A_140 = tpu.vector_load %arg6[%swap3A_139] {strides = array<i32>} : memref<32768xf32, #tpu.memory_space<vmem>>, vector<16xf32>,
      %swap3A_141 = vector.shape_cast %swap3A_140 : vector<16xf32> to vector<16xf32>
      %swap3A_142 = vector.shape_cast %add3A_134 : vector<16xf32> to vector<16xf32>
      tpu.vector_store %arg6[%swap3A_139], %swap3A_142 {strides = array<i32>} : memref<32768xf32, #tpu.memory_space<vmem>>, vector<16xf32>,
      %mul3A_143 = arith.constant 16 : i32
      %mul3A_144 = arith.muli %scan3A_40, %mul3A_143 : i32
      %add3A_145 = arith.constant 6144 : i32
      %add3A_146 = arith.addi %add3A_145, %mul3A_144 : i32
      %get3A_147 = arith.index_cast %add3A_146 : i32 to index
      %get3A_148 = tpu.vector_load %arg6[%get3A_147] {strides = array<i32>} : memref<32768xf32, #tpu.memory_space<vmem>>, vector<16xf32>,
      %get3A_149 = vector.shape_cast %get3A_148 : vector<16xf32> to vector<16xf32>
      %add3A_150 = arith.addf %get3A_149, %get3A_47 : vector<16xf32>
      %mul3A_151 = arith.constant 16 : i32
      %mul3A_152 = arith.muli %scan3A_40, %mul3A_151 : i32
      %add3A_153 = arith.constant 6144 : i32
      %add3A_154 = arith.addi %add3A_153, %mul3A_152 : i32
      %swap3A_155 = arith.index_cast %add3A_154 : i32 to index
      %swap3A_156 = tpu.vector_load %arg6[%swap3A_155] {strides = array<i32>} : memref<32768xf32, #tpu.memory_space<vmem>>, vector<16xf32>,
      %swap3A_157 = vector.shape_cast %swap3A_156 : vector<16xf32> to vector<16xf32>
      %swap3A_158 = vector.shape_cast %add3A_150 : vector<16xf32> to vector<16xf32>
      tpu.vector_store %arg6[%swap3A_155], %swap3A_158 {strides = array<i32>} : memref<32768xf32, #tpu.memory_space<vmem>>, vector<16xf32>,
      %mul3A_159 = arith.constant 16 : i32
      %mul3A_160 = arith.muli %scan3A_40, %mul3A_159 : i32
      %add3A_161 = arith.constant 7168 : i32
      %add3A_162 = arith.addi %add3A_161, %mul3A_160 : i32
      %get3A_163 = arith.index_cast %add3A_162 : i32 to index
      %get3A_164 = tpu.vector_load %arg6[%get3A_163] {strides = array<i32>} : memref<32768xf32, #tpu.memory_space<vmem>>, vector<16xf32>,
      %get3A_165 = vector.shape_cast %get3A_164 : vector<16xf32> to vector<16xf32>
      %add3A_166 = arith.addf %get3A_165, %get3A_47 : vector<16xf32>
      %mul3A_167 = arith.constant 16 : i32
      %mul3A_168 = arith.muli %scan3A_40, %mul3A_167 : i32
      %add3A_169 = arith.constant 7168 : i32
      %add3A_170 = arith.addi %add3A_169, %mul3A_168 : i32
      %swap3A_171 = arith.index_cast %add3A_170 : i32 to index
      %swap3A_172 = tpu.vector_load %arg6[%swap3A_171] {strides = array<i32>} : memref<32768xf32, #tpu.memory_space<vmem>>, vector<16xf32>,
      %swap3A_173 = vector.shape_cast %swap3A_172 : vector<16xf32> to vector<16xf32>
      %swap3A_174 = vector.shape_cast %add3A_166 : vector<16xf32> to vector<16xf32>
      tpu.vector_store %arg6[%swap3A_171], %swap3A_174 {strides = array<i32>} : memref<32768xf32, #tpu.memory_space<vmem>>, vector<16xf32>,
      %mul3A_175 = arith.constant 16 : i32
      %mul3A_176 = arith.muli %scan3A_40, %mul3A_175 : i32
      %add3A_177 = arith.constant 8192 : i32
      %add3A_178 = arith.addi %add3A_177, %mul3A_176 : i32
      %get3A_179 = arith.index_cast %add3A_178 : i32 to index
      %get3A_180 = tpu.vector_load %arg6[%get3A_179] {strides = array<i32>} : memref<32768xf32, #tpu.memory_space<vmem>>, vector<16xf32>,
      %get3A_181 = vector.shape_cast %get3A_180 : vector<16xf32> to vector<16xf32>
      %add3A_182 = arith.addf %get3A_181, %get3A_47 : vector<16xf32>
      %mul3A_183 = arith.constant 16 : i32
      %mul3A_184 = arith.muli %scan3A_40, %mul3A_183 : i32
      %add3A_185 = arith.constant 8192 : i32
      %add3A_186 = arith.addi %add3A_185, %mul3A_184 : i32
      %swap3A_187 = arith.index_cast %add3A_186 : i32 to index
      %swap3A_188 = tpu.vector_load %arg6[%swap3A_187] {strides = array<i32>} : memref<32768xf32, #tpu.memory_space<vmem>>, vector<16xf32>,
      %swap3A_189 = vector.shape_cast %swap3A_188 : vector<16xf32> to vector<16xf32>
      %swap3A_190 = vector.shape_cast %add3A_182 : vector<16xf32> to vector<16xf32>
      tpu.vector_store %arg6[%swap3A_187], %swap3A_190 {strides = array<i32>} : memref<32768xf32, #tpu.memory_space<vmem>>, vector<16xf32>,
      %mul3A_191 = arith.constant 16 : i32
      %mul3A_192 = arith.muli %scan3A_40, %mul3A_191 : i32
      %add3A_193 = arith.constant 9216 : i32
      %add3A_194 = arith.addi %add3A_193, %mul3A_192 : i32
      %get3A_195 = arith.index_cast %add3A_194 : i32 to index
      %get3A_196 = tpu.vector_load %arg6[%get3A_195] {strides = array<i32>} : memref<32768xf32, #tpu.memory_space<vmem>>, vector<16xf32>,
      %get3A_197 = vector.shape_cast %get3A_196 : vector<16xf32> to vector<16xf32>
      %add3A_198 = arith.addf %get3A_197, %get3A_47 : vector<16xf32>
      %mul3A_199 = arith.constant 16 : i32
      %mul3A_200 = arith.muli %scan3A_40, %mul3A_199 : i32
      %add3A_201 = arith.constant 9216 : i32
      %add3A_202 = arith.addi %add3A_201, %mul3A_200 : i32
      %swap3A_203 = arith.index_cast %add3A_202 : i32 to index
      %swap3A_204 = tpu.vector_load %arg6[%swap3A_203] {strides = array<i32>} : memref<32768xf32, #tpu.memory_space<vmem>>, vector<16xf32>,
      %swap3A_205 = vector.shape_cast %swap3A_204 : vector<16xf32> to vector<16xf32>
      %swap3A_206 = vector.shape_cast %add3A_198 : vector<16xf32> to vector<16xf32>
      tpu.vector_store %arg6[%swap3A_203], %swap3A_206 {strides = array<i32>} : memref<32768xf32, #tpu.memory_space<vmem>>, vector<16xf32>,
      %mul3A_207 = arith.constant 16 : i32
      %mul3A_208 = arith.muli %scan3A_40, %mul3A_207 : i32
      %add3A_209 = arith.constant 10240 : i32
      %add3A_210 = arith.addi %add3A_209, %mul3A_208 : i32
      %get3A_211 = arith.index_cast %add3A_210 : i32 to index
      %get3A_212 = tpu.vector_load %arg6[%get3A_211] {strides = array<i32>} : memref<32768xf32, #tpu.memory_space<vmem>>, vector<16xf32>,
      %get3A_213 = vector.shape_cast %get3A_212 : vector<16xf32> to vector<16xf32>
      %add3A_214 = arith.addf %get3A_213, %get3A_47 : vector<16xf32>
      %mul3A_215 = arith.constant 16 : i32
      %mul3A_216 = arith.muli %scan3A_40, %mul3A_215 : i32
      %add3A_217 = arith.constant 10240 : i32
      %add3A_218 = arith.addi %add3A_217, %mul3A_216 : i32
      %swap3A_219 = arith.index_cast %add3A_218 : i32 to index
      %swap3A_220 = tpu.vector_load %arg6[%swap3A_219] {strides = array<i32>} : memref<32768xf32, #tpu.memory_space<vmem>>, vector<16xf32>,
      %swap3A_221 = vector.shape_cast %swap3A_220 : vector<16xf32> to vector<16xf32>
      %swap3A_222 = vector.shape_cast %add3A_214 : vector<16xf32> to vector<16xf32>
      tpu.vector_store %arg6[%swap3A_219], %swap3A_222 {strides = array<i32>} : memref<32768xf32, #tpu.memory_space<vmem>>, vector<16xf32>,
      %mul3A_223 = arith.constant 16 : i32
      %mul3A_224 = arith.muli %scan3A_40, %mul3A_223 : i32
      %add3A_225 = arith.constant 11264 : i32
      %add3A_226 = arith.addi %add3A_225, %mul3A_224 : i32
      %get3A_227 = arith.index_cast %add3A_226 : i32 to index
      %get3A_228 = tpu.vector_load %arg6[%get3A_227] {strides = array<i32>} : memref<32768xf32, #tpu.memory_space<vmem>>, vector<16xf32>,
      %get3A_229 = vector.shape_cast %get3A_228 : vector<16xf32> to vector<16xf32>
      %add3A_230 = arith.addf %get3A_229, %get3A_47 : vector<16xf32>
      %mul3A_231 = arith.constant 16 : i32
      %mul3A_232 = arith.muli %scan3A_40, %mul3A_231 : i32
      %add3A_233 = arith.constant 11264 : i32
      %add3A_234 = arith.addi %add3A_233, %mul3A_232 : i32
      %swap3A_235 = arith.index_cast %add3A_234 : i32 to index
      %swap3A_236 = tpu.vector_load %arg6[%swap3A_235] {strides = array<i32>} : memref<32768xf32, #tpu.memory_space<vmem>>, vector<16xf32>,
      %swap3A_237 = vector.shape_cast %swap3A_236 : vector<16xf32> to vector<16xf32>
      %swap3A_238 = vector.shape_cast %add3A_230 : vector<16xf32> to vector<16xf32>
      tpu.vector_store %arg6[%swap3A_235], %swap3A_238 {strides = array<i32>} : memref<32768xf32, #tpu.memory_space<vmem>>, vector<16xf32>,
      %mul3A_239 = arith.constant 16 : i32
      %mul3A_240 = arith.muli %scan3A_40, %mul3A_239 : i32
      %add3A_241 = arith.constant 12288 : i32
      %add3A_242 = arith.addi %add3A_241, %mul3A_240 : i32
      %get3A_243 = arith.index_cast %add3A_242 : i32 to index
      %get3A_244 = tpu.vector_load %arg6[%get3A_243] {strides = array<i32>} : memref<32768xf32, #tpu.memory_space<vmem>>, vector<16xf32>,
      %get3A_245 = vector.shape_cast %get3A_244 : vector<16xf32> to vector<16xf32>
      %add3A_246 = arith.addf %get3A_245, %get3A_47 : vector<16xf32>
      %mul3A_247 = arith.constant 16 : i32
      %mul3A_248 = arith.muli %scan3A_40, %mul3A_247 : i32
      %add3A_249 = arith.constant 12288 : i32
      %add3A_250 = arith.addi %add3A_249, %mul3A_248 : i32
      %swap3A_251 = arith.index_cast %add3A_250 : i32 to index
      %swap3A_252 = tpu.vector_load %arg6[%swap3A_251] {strides = array<i32>} : memref<32768xf32, #tpu.memory_space<vmem>>, vector<16xf32>,
      %swap3A_253 = vector.shape_cast %swap3A_252 : vector<16xf32> to vector<16xf32>
      %swap3A_254 = vector.shape_cast %add3A_246 : vector<16xf32> to vector<16xf32>
      tpu.vector_store %arg6[%swap3A_251], %swap3A_254 {strides = array<i32>} : memref<32768xf32, #tpu.memory_space<vmem>>, vector<16xf32>,
      %mul3A_255 = arith.constant 16 : i32
      %mul3A_256 = arith.muli %scan3A_40, %mul3A_255 : i32
      %add3A_257 = arith.constant 13312 : i32
      %add3A_258 = arith.addi %add3A_257, %mul3A_256 : i32
      %get3A_259 = arith.index_cast %add3A_258 : i32 to index
      %get3A_260 = tpu.vector_load %arg6[%get3A_259] {strides = array<i32>} : memref<32768xf32, #tpu.memory_space<vmem>>, vector<16xf32>,
      %get3A_261 = vector.shape_cast %get3A_260 : vector<16xf32> to vector<16xf32>
      %add3A_262 = arith.addf %get3A_261, %get3A_47 : vector<16xf32>
      %mul3A_263 = arith.constant 16 : i32
      %mul3A_264 = arith.muli %scan3A_40, %mul3A_263 : i32
      %add3A_265 = arith.constant 13312 : i32
      %add3A_266 = arith.addi %add3A_265, %mul3A_264 : i32
      %swap3A_267 = arith.index_cast %add3A_266 : i32 to index
      %swap3A_268 = tpu.vector_load %arg6[%swap3A_267] {strides = array<i32>} : memref<32768xf32, #tpu.memory_space<vmem>>, vector<16xf32>,
      %swap3A_269 = vector.shape_cast %swap3A_268 : vector<16xf32> to vector<16xf32>
      %swap3A_270 = vector.shape_cast %add3A_262 : vector<16xf32> to vector<16xf32>
      tpu.vector_store %arg6[%swap3A_267], %swap3A_270 {strides = array<i32>} : memref<32768xf32, #tpu.memory_space<vmem>>, vector<16xf32>,
      %mul3A_271 = arith.constant 16 : i32
      %mul3A_272 = arith.muli %scan3A_40, %mul3A_271 : i32
      %add3A_273 = arith.constant 14336 : i32
      %add3A_274 = arith.addi %add3A_273, %mul3A_272 : i32
      %get3A_275 = arith.index_cast %add3A_274 : i32 to index
      %get3A_276 = tpu.vector_load %arg6[%get3A_275] {strides = array<i32>} : memref<32768xf32, #tpu.memory_space<vmem>>, vector<16xf32>,
      %get3A_277 = vector.shape_cast %get3A_276 : vector<16xf32> to vector<16xf32>
      %add3A_278 = arith.addf %get3A_277, %get3A_47 : vector<16xf32>
      %mul3A_279 = arith.constant 16 : i32
      %mul3A_280 = arith.muli %scan3A_40, %mul3A_279 : i32
      %add3A_281 = arith.constant 14336 : i32
      %add3A_282 = arith.addi %add3A_281, %mul3A_280 : i32
      %swap3A_283 = arith.index_cast %add3A_282 : i32 to index
      %swap3A_284 = tpu.vector_load %arg6[%swap3A_283] {strides = array<i32>} : memref<32768xf32, #tpu.memory_space<vmem>>, vector<16xf32>,
      %swap3A_285 = vector.shape_cast %swap3A_284 : vector<16xf32> to vector<16xf32>
      %swap3A_286 = vector.shape_cast %add3A_278 : vector<16xf32> to vector<16xf32>
      tpu.vector_store %arg6[%swap3A_283], %swap3A_286 {strides = array<i32>} : memref<32768xf32, #tpu.memory_space<vmem>>, vector<16xf32>,
      %mul3A_287 = arith.constant 16 : i32
      %mul3A_288 = arith.muli %scan3A_40, %mul3A_287 : i32
      %add3A_289 = arith.constant 15360 : i32
      %add3A_290 = arith.addi %add3A_289, %mul3A_288 : i32
      %get3A_291 = arith.index_cast %add3A_290 : i32 to index
      %get3A_292 = tpu.vector_load %arg6[%get3A_291] {strides = array<i32>} : memref<32768xf32, #tpu.memory_space<vmem>>, vector<16xf32>,
      %get3A_293 = vector.shape_cast %get3A_292 : vector<16xf32> to vector<16xf32>
      %add3A_294 = arith.addf %get3A_293, %get3A_47 : vector<16xf32>
      %mul3A_295 = arith.constant 16 : i32
      %mul3A_296 = arith.muli %scan3A_40, %mul3A_295 : i32
      %add3A_297 = arith.constant 15360 : i32
      %add3A_298 = arith.addi %add3A_297, %mul3A_296 : i32
      %swap3A_299 = arith.index_cast %add3A_298 : i32 to index
      %swap3A_300 = tpu.vector_load %arg6[%swap3A_299] {strides = array<i32>} : memref<32768xf32, #tpu.memory_space<vmem>>, vector<16xf32>,
      %swap3A_301 = vector.shape_cast %swap3A_300 : vector<16xf32> to vector<16xf32>
      %swap3A_302 = vector.shape_cast %add3A_294 : vector<16xf32> to vector<16xf32>
      tpu.vector_store %arg6[%swap3A_299], %swap3A_302 {strides = array<i32>} : memref<32768xf32, #tpu.memory_space<vmem>>, vector<16xf32>,
      %mul3A_303 = arith.constant 16 : i32
      %mul3A_304 = arith.muli %scan3A_40, %mul3A_303 : i32
      %add3A_305 = arith.constant 16384 : i32
      %add3A_306 = arith.addi %add3A_305, %mul3A_304 : i32
      %get3A_307 = arith.index_cast %add3A_306 : i32 to index
      %get3A_308 = tpu.vector_load %arg6[%get3A_307] {strides = array<i32>} : memref<32768xf32, #tpu.memory_space<vmem>>, vector<16xf32>,
      %get3A_309 = vector.shape_cast %get3A_308 : vector<16xf32> to vector<16xf32>
      %add3A_310 = arith.addf %get3A_309, %get3A_47 : vector<16xf32>
      %mul3A_311 = arith.constant 16 : i32
      %mul3A_312 = arith.muli %scan3A_40, %mul3A_311 : i32
      %add3A_313 = arith.constant 16384 : i32
      %add3A_314 = arith.addi %add3A_313, %mul3A_312 : i32
      %swap3A_315 = arith.index_cast %add3A_314 : i32 to index
      %swap3A_316 = tpu.vector_load %arg6[%swap3A_315] {strides = array<i32>} : memref<32768xf32, #tpu.memory_space<vmem>>, vector<16xf32>,
      %swap3A_317 = vector.shape_cast %swap3A_316 : vector<16xf32> to vector<16xf32>
      %swap3A_318 = vector.shape_cast %add3A_310 : vector<16xf32> to vector<16xf32>
      tpu.vector_store %arg6[%swap3A_315], %swap3A_318 {strides = array<i32>} : memref<32768xf32, #tpu.memory_space<vmem>>, vector<16xf32>,
      %mul3A_319 = arith.constant 16 : i32
      %mul3A_320 = arith.muli %scan3A_40, %mul3A_319 : i32
      %add3A_321 = arith.constant 17408 : i32
      %add3A_322 = arith.addi %add3A_321, %mul3A_320 : i32
      %get3A_323 = arith.index_cast %add3A_322 : i32 to index
      %get3A_324 = tpu.vector_load %arg6[%get3A_323] {strides = array<i32>} : memref<32768xf32, #tpu.memory_space<vmem>>, vector<16xf32>,
      %get3A_325 = vector.shape_cast %get3A_324 : vector<16xf32> to vector<16xf32>
      %add3A_326 = arith.addf %get3A_325, %get3A_47 : vector<16xf32>
      %mul3A_327 = arith.constant 16 : i32
      %mul3A_328 = arith.muli %scan3A_40, %mul3A_327 : i32
      %add3A_329 = arith.constant 17408 : i32
      %add3A_330 = arith.addi %add3A_329, %mul3A_328 : i32
      %swap3A_331 = arith.index_cast %add3A_330 : i32 to index
      %swap3A_332 = tpu.vector_load %arg6[%swap3A_331] {strides = array<i32>} : memref<32768xf32, #tpu.memory_space<vmem>>, vector<16xf32>,
      %swap3A_333 = vector.shape_cast %swap3A_332 : vector<16xf32> to vector<16xf32>
      %swap3A_334 = vector.shape_cast %add3A_326 : vector<16xf32> to vector<16xf32>
      tpu.vector_store %arg6[%swap3A_331], %swap3A_334 {strides = array<i32>} : memref<32768xf32, #tpu.memory_space<vmem>>, vector<16xf32>,
      %mul3A_335 = arith.constant 16 : i32
      %mul3A_336 = arith.muli %scan3A_40, %mul3A_335 : i32
      %add3A_337 = arith.constant 18432 : i32
      %add3A_338 = arith.addi %add3A_337, %mul3A_336 : i32
      %get3A_339 = arith.index_cast %add3A_338 : i32 to index
      %get3A_340 = tpu.vector_load %arg6[%get3A_339] {strides = array<i32>} : memref<32768xf32, #tpu.memory_space<vmem>>, vector<16xf32>,
      %get3A_341 = vector.shape_cast %get3A_340 : vector<16xf32> to vector<16xf32>
      %add3A_342 = arith.addf %get3A_341, %get3A_47 : vector<16xf32>
      %mul3A_343 = arith.constant 16 : i32
      %mul3A_344 = arith.muli %scan3A_40, %mul3A_343 : i32
      %add3A_345 = arith.constant 18432 : i32
      %add3A_346 = arith.addi %add3A_345, %mul3A_344 : i32
      %swap3A_347 = arith.index_cast %add3A_346 : i32 to index
      %swap3A_348 = tpu.vector_load %arg6[%swap3A_347] {strides = array<i32>} : memref<32768xf32, #tpu.memory_space<vmem>>, vector<16xf32>,
      %swap3A_349 = vector.shape_cast %swap3A_348 : vector<16xf32> to vector<16xf32>
      %swap3A_350 = vector.shape_cast %add3A_342 : vector<16xf32> to vector<16xf32>
      tpu.vector_store %arg6[%swap3A_347], %swap3A_350 {strides = array<i32>} : memref<32768xf32, #tpu.memory_space<vmem>>, vector<16xf32>,
      %mul3A_351 = arith.constant 16 : i32
      %mul3A_352 = arith.muli %scan3A_40, %mul3A_351 : i32
      %add3A_353 = arith.constant 19456 : i32
      %add3A_354 = arith.addi %add3A_353, %mul3A_352 : i32
      %get3A_355 = arith.index_cast %add3A_354 : i32 to index
      %get3A_356 = tpu.vector_load %arg6[%get3A_355] {strides = array<i32>} : memref<32768xf32, #tpu.memory_space<vmem>>, vector<16xf32>,
      %get3A_357 = vector.shape_cast %get3A_356 : vector<16xf32> to vector<16xf32>
      %add3A_358 = arith.addf %get3A_357, %get3A_47 : vector<16xf32>
      %mul3A_359 = arith.constant 16 : i32
      %mul3A_360 = arith.muli %scan3A_40, %mul3A_359 : i32
      %add3A_361 = arith.constant 19456 : i32
      %add3A_362 = arith.addi %add3A_361, %mul3A_360 : i32
      %swap3A_363 = arith.index_cast %add3A_362 : i32 to index
      %swap3A_364 = tpu.vector_load %arg6[%swap3A_363] {strides = array<i32>} : memref<32768xf32, #tpu.memory_space<vmem>>, vector<16xf32>,
      %swap3A_365 = vector.shape_cast %swap3A_364 : vector<16xf32> to vector<16xf32>
      %swap3A_366 = vector.shape_cast %add3A_358 : vector<16xf32> to vector<16xf32>
      tpu.vector_store %arg6[%swap3A_363], %swap3A_366 {strides = array<i32>} : memref<32768xf32, #tpu.memory_space<vmem>>, vector<16xf32>,
      %mul3A_367 = arith.constant 16 : i32
      %mul3A_368 = arith.muli %scan3A_40, %mul3A_367 : i32
      %add3A_369 = arith.constant 20480 : i32
      %add3A_370 = arith.addi %add3A_369, %mul3A_368 : i32
      %get3A_371 = arith.index_cast %add3A_370 : i32 to index
      %get3A_372 = tpu.vector_load %arg6[%get3A_371] {strides = array<i32>} : memref<32768xf32, #tpu.memory_space<vmem>>, vector<16xf32>,
      %get3A_373 = vector.shape_cast %get3A_372 : vector<16xf32> to vector<16xf32>
      %add3A_374 = arith.addf %get3A_373, %get3A_47 : vector<16xf32>
      %mul3A_375 = arith.constant 16 : i32
      %mul3A_376 = arith.muli %scan3A_40, %mul3A_375 : i32
      %add3A_377 = arith.constant 20480 : i32
      %add3A_378 = arith.addi %add3A_377, %mul3A_376 : i32
      %swap3A_379 = arith.index_cast %add3A_378 : i32 to index
      %swap3A_380 = tpu.vector_load %arg6[%swap3A_379] {strides = array<i32>} : memref<32768xf32, #tpu.memory_space<vmem>>, vector<16xf32>,
      %swap3A_381 = vector.shape_cast %swap3A_380 : vector<16xf32> to vector<16xf32>
      %swap3A_382 = vector.shape_cast %add3A_374 : vector<16xf32> to vector<16xf32>
      tpu.vector_store %arg6[%swap3A_379], %swap3A_382 {strides = array<i32>} : memref<32768xf32, #tpu.memory_space<vmem>>, vector<16xf32>,
      %mul3A_383 = arith.constant 16 : i32
      %mul3A_384 = arith.muli %scan3A_40, %mul3A_383 : i32
      %add3A_385 = arith.constant 21504 : i32
      %add3A_386 = arith.addi %add3A_385, %mul3A_384 : i32
      %get3A_387 = arith.index_cast %add3A_386 : i32 to index
      %get3A_388 = tpu.vector_load %arg6[%get3A_387] {strides = array<i32>} : memref<32768xf32, #tpu.memory_space<vmem>>, vector<16xf32>,
      %get3A_389 = vector.shape_cast %get3A_388 : vector<16xf32> to vector<16xf32>
      %add3A_390 = arith.addf %get3A_389, %get3A_47 : vector<16xf32>
      %mul3A_391 = arith.constant 16 : i32
      %mul3A_392 = arith.muli %scan3A_40, %mul3A_391 : i32
      %add3A_393 = arith.constant 21504 : i32
      %add3A_394 = arith.addi %add3A_393, %mul3A_392 : i32
      %swap3A_395 = arith.index_cast %add3A_394 : i32 to index
      %swap3A_396 = tpu.vector_load %arg6[%swap3A_395] {strides = array<i32>} : memref<32768xf32, #tpu.memory_space<vmem>>, vector<16xf32>,
      %swap3A_397 = vector.shape_cast %swap3A_396 : vector<16xf32> to vector<16xf32>
      %swap3A_398 = vector.shape_cast %add3A_390 : vector<16xf32> to vector<16xf32>
      tpu.vector_store %arg6[%swap3A_395], %swap3A_398 {strides = array<i32>} : memref<32768xf32, #tpu.memory_space<vmem>>, vector<16xf32>,
      %mul3A_399 = arith.constant 16 : i32
      %mul3A_400 = arith.muli %scan3A_40, %mul3A_399 : i32
      %add3A_401 = arith.constant 22528 : i32
      %add3A_402 = arith.addi %add3A_401, %mul3A_400 : i32
      %get3A_403 = arith.index_cast %add3A_402 : i32 to index
      %get3A_404 = tpu.vector_load %arg6[%get3A_403] {strides = array<i32>} : memref<32768xf32, #tpu.memory_space<vmem>>, vector<16xf32>,
      %get3A_405 = vector.shape_cast %get3A_404 : vector<16xf32> to vector<16xf32>
      %add3A_406 = arith.addf %get3A_405, %get3A_47 : vector<16xf32>
      %mul3A_407 = arith.constant 16 : i32
      %mul3A_408 = arith.muli %scan3A_40, %mul3A_407 : i32
      %add3A_409 = arith.constant 22528 : i32
      %add3A_410 = arith.addi %add3A_409, %mul3A_408 : i32
      %swap3A_411 = arith.index_cast %add3A_410 : i32 to index
      %swap3A_412 = tpu.vector_load %arg6[%swap3A_411] {strides = array<i32>} : memref<32768xf32, #tpu.memory_space<vmem>>, vector<16xf32>,
      %swap3A_413 = vector.shape_cast %swap3A_412 : vector<16xf32> to vector<16xf32>
      %swap3A_414 = vector.shape_cast %add3A_406 : vector<16xf32> to vector<16xf32>
      tpu.vector_store %arg6[%swap3A_411], %swap3A_414 {strides = array<i32>} : memref<32768xf32, #tpu.memory_space<vmem>>, vector<16xf32>,
      %mul3A_415 = arith.constant 16 : i32
      %mul3A_416 = arith.muli %scan3A_40, %mul3A_415 : i32
      %add3A_417 = arith.constant 23552 : i32
      %add3A_418 = arith.addi %add3A_417, %mul3A_416 : i32
      %get3A_419 = arith.index_cast %add3A_418 : i32 to index
      %get3A_420 = tpu.vector_load %arg6[%get3A_419] {strides = array<i32>} : memref<32768xf32, #tpu.memory_space<vmem>>, vector<16xf32>,
      %get3A_421 = vector.shape_cast %get3A_420 : vector<16xf32> to vector<16xf32>
      %add3A_422 = arith.addf %get3A_421, %get3A_47 : vector<16xf32>
      %mul3A_423 = arith.constant 16 : i32
      %mul3A_424 = arith.muli %scan3A_40, %mul3A_423 : i32
      %add3A_425 = arith.constant 23552 : i32
      %add3A_426 = arith.addi %add3A_425, %mul3A_424 : i32
      %swap3A_427 = arith.index_cast %add3A_426 : i32 to index
      %swap3A_428 = tpu.vector_load %arg6[%swap3A_427] {strides = array<i32>} : memref<32768xf32, #tpu.memory_space<vmem>>, vector<16xf32>,
      %swap3A_429 = vector.shape_cast %swap3A_428 : vector<16xf32> to vector<16xf32>
      %swap3A_430 = vector.shape_cast %add3A_422 : vector<16xf32> to vector<16xf32>
      tpu.vector_store %arg6[%swap3A_427], %swap3A_430 {strides = array<i32>} : memref<32768xf32, #tpu.memory_space<vmem>>, vector<16xf32>,
      %mul3A_431 = arith.constant 16 : i32
      %mul3A_432 = arith.muli %scan3A_40, %mul3A_431 : i32
      %add3A_433 = arith.constant 24576 : i32
      %add3A_434 = arith.addi %add3A_433, %mul3A_432 : i32
      %get3A_435 = arith.index_cast %add3A_434 : i32 to index
      %get3A_436 = tpu.vector_load %arg6[%get3A_435] {strides = array<i32>} : memref<32768xf32, #tpu.memory_space<vmem>>, vector<16xf32>,
      %get3A_437 = vector.shape_cast %get3A_436 : vector<16xf32> to vector<16xf32>
      %add3A_438 = arith.addf %get3A_437, %get3A_47 : vector<16xf32>
      %mul3A_439 = arith.constant 16 : i32
      %mul3A_440 = arith.muli %scan3A_40, %mul3A_439 : i32
      %add3A_441 = arith.constant 24576 : i32
      %add3A_442 = arith.addi %add3A_441, %mul3A_440 : i32
      %swap3A_443 = arith.index_cast %add3A_442 : i32 to index
      %swap3A_444 = tpu.vector_load %arg6[%swap3A_443] {strides = array<i32>} : memref<32768xf32, #tpu.memory_space<vmem>>, vector<16xf32>,
      %swap3A_445 = vector.shape_cast %swap3A_444 : vector<16xf32> to vector<16xf32>
      %swap3A_446 = vector.shape_cast %add3A_438 : vector<16xf32> to vector<16xf32>
      tpu.vector_store %arg6[%swap3A_443], %swap3A_446 {strides = array<i32>} : memref<32768xf32, #tpu.memory_space<vmem>>, vector<16xf32>,
      %mul3A_447 = arith.constant 16 : i32
      %mul3A_448 = arith.muli %scan3A_40, %mul3A_447 : i32
      %add3A_449 = arith.constant 25600 : i32
      %add3A_450 = arith.addi %add3A_449, %mul3A_448 : i32
      %get3A_451 = arith.index_cast %add3A_450 : i32 to index
      %get3A_452 = tpu.vector_load %arg6[%get3A_451] {strides = array<i32>} : memref<32768xf32, #tpu.memory_space<vmem>>, vector<16xf32>,
      %get3A_453 = vector.shape_cast %get3A_452 : vector<16xf32> to vector<16xf32>
      %add3A_454 = arith.addf %get3A_453, %get3A_47 : vector<16xf32>
      %mul3A_455 = arith.constant 16 : i32
      %mul3A_456 = arith.muli %scan3A_40, %mul3A_455 : i32
      %add3A_457 = arith.constant 25600 : i32
      %add3A_458 = arith.addi %add3A_457, %mul3A_456 : i32
      %swap3A_459 = arith.index_cast %add3A_458 : i32 to index
      %swap3A_460 = tpu.vector_load %arg6[%swap3A_459] {strides = array<i32>} : memref<32768xf32, #tpu.memory_space<vmem>>, vector<16xf32>,
      %swap3A_461 = vector.shape_cast %swap3A_460 : vector<16xf32> to vector<16xf32>
      %swap3A_462 = vector.shape_cast %add3A_454 : vector<16xf32> to vector<16xf32>
      tpu.vector_store %arg6[%swap3A_459], %swap3A_462 {strides = array<i32>} : memref<32768xf32, #tpu.memory_space<vmem>>, vector<16xf32>,
      %mul3A_463 = arith.constant 16 : i32
      %mul3A_464 = arith.muli %scan3A_40, %mul3A_463 : i32
      %add3A_465 = arith.constant 26624 : i32
      %add3A_466 = arith.addi %add3A_465, %mul3A_464 : i32
      %get3A_467 = arith.index_cast %add3A_466 : i32 to index
      %get3A_468 = tpu.vector_load %arg6[%get3A_467] {strides = array<i32>} : memref<32768xf32, #tpu.memory_space<vmem>>, vector<16xf32>,
      %get3A_469 = vector.shape_cast %get3A_468 : vector<16xf32> to vector<16xf32>
      %add3A_470 = arith.addf %get3A_469, %get3A_47 : vector<16xf32>
      %mul3A_471 = arith.constant 16 : i32
      %mul3A_472 = arith.muli %scan3A_40, %mul3A_471 : i32
      %add3A_473 = arith.constant 26624 : i32
      %add3A_474 = arith.addi %add3A_473, %mul3A_472 : i32
      %swap3A_475 = arith.index_cast %add3A_474 : i32 to index
      %swap3A_476 = tpu.vector_load %arg6[%swap3A_475] {strides = array<i32>} : memref<32768xf32, #tpu.memory_space<vmem>>, vector<16xf32>,
      %swap3A_477 = vector.shape_cast %swap3A_476 : vector<16xf32> to vector<16xf32>
      %swap3A_478 = vector.shape_cast %add3A_470 : vector<16xf32> to vector<16xf32>
      tpu.vector_store %arg6[%swap3A_475], %swap3A_478 {strides = array<i32>} : memref<32768xf32, #tpu.memory_space<vmem>>, vector<16xf32>,
      %mul3A_479 = arith.constant 16 : i32
      %mul3A_480 = arith.muli %scan3A_40, %mul3A_479 : i32
      %add3A_481 = arith.constant 27648 : i32
      %add3A_482 = arith.addi %add3A_481, %mul3A_480 : i32
      %get3A_483 = arith.index_cast %add3A_482 : i32 to index
      %get3A_484 = tpu.vector_load %arg6[%get3A_483] {strides = array<i32>} : memref<32768xf32, #tpu.memory_space<vmem>>, vector<16xf32>,
      %get3A_485 = vector.shape_cast %get3A_484 : vector<16xf32> to vector<16xf32>
      %add3A_486 = arith.addf %get3A_485, %get3A_47 : vector<16xf32>
      %mul3A_487 = arith.constant 16 : i32
      %mul3A_488 = arith.muli %scan3A_40, %mul3A_487 : i32
      %add3A_489 = arith.constant 27648 : i32
      %add3A_490 = arith.addi %add3A_489, %mul3A_488 : i32
      %swap3A_491 = arith.index_cast %add3A_490 : i32 to index
      %swap3A_492 = tpu.vector_load %arg6[%swap3A_491] {strides = array<i32>} : memref<32768xf32, #tpu.memory_space<vmem>>, vector<16xf32>,
      %swap3A_493 = vector.shape_cast %swap3A_492 : vector<16xf32> to vector<16xf32>
      %swap3A_494 = vector.shape_cast %add3A_486 : vector<16xf32> to vector<16xf32>
      tpu.vector_store %arg6[%swap3A_491], %swap3A_494 {strides = array<i32>} : memref<32768xf32, #tpu.memory_space<vmem>>, vector<16xf32>,
      %mul3A_495 = arith.constant 16 : i32
      %mul3A_496 = arith.muli %scan3A_40, %mul3A_495 : i32
      %add3A_497 = arith.constant 28672 : i32
      %add3A_498 = arith.addi %add3A_497, %mul3A_496 : i32
      %get3A_499 = arith.index_cast %add3A_498 : i32 to index
      %get3A_500 = tpu.vector_load %arg6[%get3A_499] {strides = array<i32>} : memref<32768xf32, #tpu.memory_space<vmem>>, vector<16xf32>,
      %get3A_501 = vector.shape_cast %get3A_500 : vector<16xf32> to vector<16xf32>
      %add3A_502 = arith.addf %get3A_501, %get3A_47 : vector<16xf32>
      %mul3A_503 = arith.constant 16 : i32
      %mul3A_504 = arith.muli %scan3A_40, %mul3A_503 : i32
      %add3A_505 = arith.constant 28672 : i32
      %add3A_506 = arith.addi %add3A_505, %mul3A_504 : i32
      %swap3A_507 = arith.index_cast %add3A_506 : i32 to index
      %swap3A_508 = tpu.vector_load %arg6[%swap3A_507] {strides = array<i32>} : memref<32768xf32, #tpu.memory_space<vmem>>, vector<16xf32>,
      %swap3A_509 = vector.shape_cast %swap3A_508 : vector<16xf32> to vector<16xf32>
      %swap3A_510 = vector.shape_cast %add3A_502 : vector<16xf32> to vector<16xf32>
      tpu.vector_store %arg6[%swap3A_507], %swap3A_510 {strides = array<i32>} : memref<32768xf32, #tpu.memory_space<vmem>>, vector<16xf32>,
      %mul3A_511 = arith.constant 16 : i32
      %mul3A_512 = arith.muli %scan3A_40, %mul3A_511 : i32
      %add3A_513 = arith.constant 29696 : i32
      %add3A_514 = arith.addi %add3A_513, %mul3A_512 : i32
      %get3A_515 = arith.index_cast %add3A_514 : i32 to index
      %get3A_516 = tpu.vector_load %arg6[%get3A_515] {strides = array<i32>} : memref<32768xf32, #tpu.memory_space<vmem>>, vector<16xf32>,
      %get3A_517 = vector.shape_cast %get3A_516 : vector<16xf32> to vector<16xf32>
      %add3A_518 = arith.addf %get3A_517, %get3A_47 : vector<16xf32>
      %mul3A_519 = arith.constant 16 : i32
      %mul3A_520 = arith.muli %scan3A_40, %mul3A_519 : i32
      %add3A_521 = arith.constant 29696 : i32
      %add3A_522 = arith.addi %add3A_521, %mul3A_520 : i32
      %swap3A_523 = arith.index_cast %add3A_522 : i32 to index
      %swap3A_524 = tpu.vector_load %arg6[%swap3A_523] {strides = array<i32>} : memref<32768xf32, #tpu.memory_space<vmem>>, vector<16xf32>,
      %swap3A_525 = vector.shape_cast %swap3A_524 : vector<16xf32> to vector<16xf32>
      %swap3A_526 = vector.shape_cast %add3A_518 : vector<16xf32> to vector<16xf32>
      tpu.vector_store %arg6[%swap3A_523], %swap3A_526 {strides = array<i32>} : memref<32768xf32, #tpu.memory_space<vmem>>, vector<16xf32>,
      %mul3A_527 = arith.constant 16 : i32
      %mul3A_528 = arith.muli %scan3A_40, %mul3A_527 : i32
      %add3A_529 = arith.constant 30720 : i32
      %add3A_530 = arith.addi %add3A_529, %mul3A_528 : i32
      %get3A_531 = arith.index_cast %add3A_530 : i32 to index
      %get3A_532 = tpu.vector_load %arg6[%get3A_531] {strides = array<i32>} : memref<32768xf32, #tpu.memory_space<vmem>>, vector<16xf32>,
      %get3A_533 = vector.shape_cast %get3A_532 : vector<16xf32> to vector<16xf32>
      %add3A_534 = arith.addf %get3A_533, %get3A_47 : vector<16xf32>
      %mul3A_535 = arith.constant 16 : i32
      %mul3A_536 = arith.muli %scan3A_40, %mul3A_535 : i32
      %add3A_537 = arith.constant 30720 : i32
      %add3A_538 = arith.addi %add3A_537, %mul3A_536 : i32
      %swap3A_539 = arith.index_cast %add3A_538 : i32 to index
      %swap3A_540 = tpu.vector_load %arg6[%swap3A_539] {strides = array<i32>} : memref<32768xf32, #tpu.memory_space<vmem>>, vector<16xf32>,
      %swap3A_541 = vector.shape_cast %swap3A_540 : vector<16xf32> to vector<16xf32>
      %swap3A_542 = vector.shape_cast %add3A_534 : vector<16xf32> to vector<16xf32>
      tpu.vector_store %arg6[%swap3A_539], %swap3A_542 {strides = array<i32>} : memref<32768xf32, #tpu.memory_space<vmem>>, vector<16xf32>,
      %mul3A_543 = arith.constant 16 : i32
      %mul3A_544 = arith.muli %scan3A_40, %mul3A_543 : i32
      %add3A_545 = arith.constant 31744 : i32
      %add3A_546 = arith.addi %add3A_545, %mul3A_544 : i32
      %get3A_547 = arith.index_cast %add3A_546 : i32 to index
      %get3A_548 = tpu.vector_load %arg6[%get3A_547] {strides = array<i32>} : memref<32768xf32, #tpu.memory_space<vmem>>, vector<16xf32>,
      %get3A_549 = vector.shape_cast %get3A_548 : vector<16xf32> to vector<16xf32>
      %add3A_550 = arith.addf %get3A_549, %get3A_47 : vector<16xf32>
      %mul3A_551 = arith.constant 16 : i32
      %mul3A_552 = arith.muli %scan3A_40, %mul3A_551 : i32
      %add3A_553 = arith.constant 31744 : i32
      %add3A_554 = arith.addi %add3A_553, %mul3A_552 : i32
      %swap3A_555 = arith.index_cast %add3A_554 : i32 to index
      %swap3A_556 = tpu.vector_load %arg6[%swap3A_555] {strides = array<i32>} : memref<32768xf32, #tpu.memory_space<vmem>>, vector<16xf32>,
      %swap3A_557 = vector.shape_cast %swap3A_556 : vector<16xf32> to vector<16xf32>
      %swap3A_558 = vector.shape_cast %add3A_550 : vector<16xf32> to vector<16xf32>
      tpu.vector_store %arg6[%swap3A_555], %swap3A_558 {strides = array<i32>} : memref<32768xf32, #tpu.memory_space<vmem>>, vector<16xf32>,
      %scan3A_559 = arith.constant 0 : i32
      scf.yield %scan3A_559 : i32
    }
    %scan3A_27 = arith.constant 64 : i32
    %add3A_28 = arith.constant 3244032 : i32
    %add3A_29 = arith.addi %mul3A_2, %add3A_28 : i32
    %dma_start3A_30 = tpu.memref_slice %arg4[%add3A_29] : memref<104857600xf32, #tpu.memory_space<hbm>> -> memref<32768xf32, #tpu.memory_space<hbm>>
    %dma_start3A_31 = tpu.memref_slice %arg4[%add3A_29] : memref<104857600xf32, #tpu.memory_space<hbm>> -> memref<32768xf32, #tpu.memory_space<hbm>>
    tpu.enqueue_dma source(%arg6 : memref<32768xf32, #tpu.memory_space<vmem>>) target(%dma_start3A_31 : memref<32768xf32, #tpu.memory_space<hbm>>) target_semaphore(%arg12 : memref<!tpu.dma_semaphore, #tpu.memory_space<semaphore_mem>>)
    %add3A_32 = arith.constant 3211264 : i32
    %add3A_33 = arith.addi %mul3A_2, %add3A_32 : i32
    %dma_wait3A_34 = tpu.memref_slice %arg4[%add3A_33] : memref<104857600xf32, #tpu.memory_space<hbm>> -> memref<32768xf32, #tpu.memory_space<hbm>>
    %dma_wait3A_35 = tpu.memref_slice %arg4[%add3A_33] : memref<104857600xf32, #tpu.memory_space<hbm>> -> memref<32768xf32, #tpu.memory_space<hbm>>
    tpu.wait_dma2 semaphore(%arg14 : memref<!tpu.dma_semaphore, #tpu.memory_space<semaphore_mem>>) src(%arg8 : memref<32768xf32, #tpu.memory_space<vmem>>) dst(%dma_wait3A_35 : memref<32768xf32, #tpu.memory_space<hbm>>)
    %add3A_36 = arith.constant 3244032 : i32
    %add3A_37 = arith.addi %mul3A_2, %add3A_36 : i32
    %dma_wait3A_38 = tpu.memref_slice %arg4[%add3A_37] : memref<104857600xf32, #tpu.memory_space<hbm>> -> memref<32768xf32, #tpu.memory_space<hbm>>
    %dma_wait3A_39 = tpu.memref_slice %arg4[%add3A_37] : memref<104857600xf32, #tpu.memory_space<hbm>> -> memref<32768xf32, #tpu.memory_space<hbm>>
    tpu.wait_dma2 semaphore(%arg12 : memref<!tpu.dma_semaphore, #tpu.memory_space<semaphore_mem>>) src(%arg6 : memref<32768xf32, #tpu.memory_space<vmem>>) dst(%dma_wait3A_39 : memref<32768xf32, #tpu.memory_space<hbm>>)
    return
  }
}

</mosaic_0001>

<sc_bundles>
// kernel: kernel.3.cloned.1.call-start
scs
__scs_entry_jumppad:
0x0: {  	(pc) =	sbr.rel $0x88, $3  }
0x1: {  	(tag) =	ssettag $0x0;
	lr =	simm.s32 $0x1  }
0x2: {  	[smem:$0x3F9F] =	sst lr;
	_ =	strace $0xD0000000  }
0x3: {  	_ = 	snop  }
0x4: {  	_ = 	snop  }
0x5: {  	_ = 	snop  }
0x6: {  	_ = 	snop  }
0x7: {  	_ = 	snop  }
__scs_overlays_trampoline_lowered:
0x8: {  	[smem:$0x3FAE] =	sst s0  }
0x9: {  	[smem:$0x3FAF] =	sst s1  }
0xa: {  	[smem:$0x3FB0] =	sst s2  }
0xb: {  	[smem:$0x3FB1] =	sst s3  }
0xc: {  	[smem:$0x3FB2] =	sst s4  }
0xd: {  	[smem:$0x3FB3] =	sst s5  }
0xe: {  	[smem:$0x3FB4] =	sst s6  }
0xf: {  	[smem:$0x3FB5] =	sst s7  }
0x10: {  	[smem:$0x3FB6] =	sst s8  }
0x11: {  	[smem:$0x3FB7] =	sst s9;
	s0 =	simm.s32 @!p0 $0x0  }
0x12: {  	s1 =	sld [smem:$0x3F9D];
	s0 =	simm.s32 @p0 $0x1  }
0x13: {  	[smem:$0x3FB8] =	sst s0;
	s0 =	simm.s32 @!p1 $0x0  }
0x14: {  	s2 =	sld [smem:$0x3F9C];
	s0 =	simm.s32 @p1 $0x1  }
0x15: {  	[smem:$0x3FB9] =	sst s0;
	s0 =	simm.s32 @!p2 $0x0  }
0x16: {  	s3 =	sld [smem:$0x3FDB];
	s0 =	simm.s32 @p2 $0x1  }
0x17: {  	s4 =	simm.s32 $0x1BF5;
	[smem:$0x3FBB] =	sst s0  }
0x18: {  	s0 =	sld [smem:$0x3F9E];
	_ =	swait.ge [sflag:s4], $0x0  }
0x19: {  	s7 =	sld [smem:$0x3F9F]  }
0x1a: {  	s8 =	sadd.s32 $0xFFFFE003, lr  }
0x1b: {  	s9 =	sadd.s32 $0xFFFFFEF7, lr;
	s5 =	simm.s32 $0xFFFFFFFF;
	p2 =	slt.u32 s8, $0xFFFFF086  }
0x1c: {  	p1 =	slt.u32 s9, $0xF7A;
	s5 =	simm.s32 @!p2 $0x0  }
0x1d: {  	s5 =	simm.s32 @p1 $0x1;
	p0 =	seq.s32 s7, s2  }
0x1e: {  	s7 =	smul.u32 @!p0 $0xF7A, s2;
	p2 =	seq.s32 @!p0 s5, $0x0  }
0x1f: {  	s9 =	smul.u32 $0xF7A, s1;
	s8 =	simm.s32 @!p0 $0x1BF5;
	p2 =	por !p2, p0  }
0x20: {  	[sflag:s8] =	ssyncset.s32 @!p0 $0xFFFFF086;
	s6 =	sadd.s32 @!p0 s3, s7;
	s7 =	simm.s32 @!p0 $0x108  }
0x21: {  	s3 =	sadd.s32 s3, s9;
	s6 =	sadd.s32 @!p0 $0x88, s6;
	s7 =	simm.s32 @p2 $0x1082  }
0x22: {  	[simem:s7], [sflag:s8] =	dma.local @!p0 [hbm:s6], $0xF7A  }
0x23: {  	s9 =	sor.u32 $0xD0000000, s2;
	s6 =	simm.s32 $0x108;
	_ =	swait.ge @!p0 [sflag:s8], $0x0  }
0x24: {  	s3 =	sadd.s32 $0x88, s3;
	s6 =	simm.s32 @!p1 $0x1082;
	[sflag:s4] =	ssyncset.s32 $0xFFFFF086  }
0x25: {  	[simem:s6], [sflag:s4] =	dma.local [hbm:s3], $0xF7A  }
0x26: {  	[smem:$0x3F9F] =	sst s1;
	(tag) =	ssettag s2;
	_ =	strace s9  }
0x27: {  	s1 =	sld [smem:$0x3FAF]  }
0x28: {  	s2 =	sld [smem:$0x3FB0]  }
0x29: {  	s4 =	sld [smem:$0x3FB2]  }
0x2a: {  	p0 =	seq.s32 s5, $0x0;
	s5 =	sld [smem:$0x3FB3]  }
0x2b: {  	s6 =	sld [smem:$0x3FB4]  }
0x2c: {  	s7 =	sld [smem:$0x3FB5]  }
0x2d: {  	s3 =	simm.s32 $0x108;
	s8 =	sld [smem:$0x3FB6]  }
0x2e: {  	s3 =	simm.s32 @!p0 $0x1082;
	s9 =	sld [smem:$0x3FB7]  }
0x2f: {  	lr =	sadd.s32 s0, s3;
	s0 =	sld [smem:$0x3FAE]  }
0x30: {  	s3 =	sld [smem:$0x3FB1]  }
0x31: {  	[smem:$0x3FBA] =	sst s10  }
0x32: {  	s10 =	sld [smem:$0x3FB8];
	_ =	sdelay $0x3  }
0x33: {  	p0 =	seq.s32 s10, $0x1;
	s10 =	sld [smem:$0x3FBA];
	_ =	sdelay $0x3  }
0x34: {  	[smem:$0x3FBA] =	sst s10  }
0x35: {  	s10 =	sld [smem:$0x3FB9];
	_ =	sdelay $0x3  }
0x36: {  	p1 =	seq.s32 s10, $0x1;
	s10 =	sld [smem:$0x3FBA];
	_ =	sdelay $0x3  }
0x37: {  	[smem:$0x3FBA] =	sst s10  }
0x38: {  	s10 =	sld [smem:$0x3FBB]  }
0x39: {  	_ = 	snop;
	(pc) =	sbr.ind lr, $3  }
0x3a: {  	_ = 	snop  }
0x3b: {  	_ = 	snop  }
0x3c: {  	p2 =	seq.s32 s10, $0x1;
	s10 =	sld [smem:$0x3FBA]  }
0x3d: {  	_ =	shalt  }
0x3e: {  	_ =	shalt  }
0x3f: {  	_ =	shalt  }
0x40: {  	_ =	shalt  }
0x41: {  	_ =	shalt  }
0x42: {  	_ =	shalt  }
0x43: {  	_ =	shalt  }
0x44: {  	_ =	shalt  }
0x45: {  	_ =	shalt  }
0x46: {  	_ =	shalt  }
0x47: {  	_ =	shalt  }
0x48: {  	_ =	shalt  }
0x49: {  	_ =	shalt  }
0x4a: {  	_ =	shalt  }
0x4b: {  	_ =	shalt  }
0x4c: {  	_ =	shalt  }
0x4d: {  	_ =	shalt  }
0x4e: {  	_ =	shalt  }
0x4f: {  	_ =	shalt  }
0x50: {  	_ =	shalt  }
0x51: {  	_ =	shalt  }
0x52: {  	_ =	shalt  }
0x53: {  	_ =	shalt  }
0x54: {  	_ =	shalt  }
0x55: {  	_ =	shalt  }
0x56: {  	_ =	shalt  }
0x57: {  	_ =	shalt  }
0x58: {  	_ =	shalt  }
0x59: {  	_ =	shalt  }
0x5a: {  	_ =	shalt  }
0x5b: {  	_ =	shalt  }
0x5c: {  	_ =	shalt  }
0x5d: {  	_ =	shalt  }
0x5e: {  	_ =	shalt  }
0x5f: {  	_ =	shalt  }
0x60: {  	_ =	shalt  }
0x61: {  	_ =	shalt  }
0x62: {  	_ =	shalt  }
0x63: {  	_ =	shalt  }
0x64: {  	_ =	shalt  }
0x65: {  	_ =	shalt  }
0x66: {  	_ =	shalt  }
0x67: {  	_ =	shalt  }
0x68: {  	_ =	shalt  }
0x69: {  	_ =	shalt  }
0x6a: {  	_ =	shalt  }
0x6b: {  	_ =	shalt  }
0x6c: {  	_ =	shalt  }
0x6d: {  	_ =	shalt  }
0x6e: {  	_ =	shalt  }
0x6f: {  	_ =	shalt  }
0x70: {  	_ =	shalt  }
0x71: {  	_ =	shalt  }
0x72: {  	_ =	shalt  }
0x73: {  	_ =	shalt  }
0x74: {  	_ =	shalt  }
0x75: {  	_ =	shalt  }
0x76: {  	_ =	shalt  }
0x77: {  	_ =	shalt  }
0x78: {  	_ =	shalt  }
0x79: {  	_ =	shalt  }
0x7a: {  	_ =	shalt  }
0x7b: {  	_ =	shalt  }
0x7c: {  	_ =	shalt  }
0x7d: {  	_ =	shalt  }
0x7e: {  	_ =	shalt  }
0x7f: {  	_ =	shalt  }
0x80: {  	_ =	shalt  }
0x81: {  	_ =	shalt  }
0x82: {  	_ =	shalt  }
0x83: {  	_ =	shalt  }
0x84: {  	_ =	shalt  }
0x85: {  	_ =	shalt  }
0x86: {  	_ =	shalt  }
0x87: {  	_ =	shalt  }
.Lfunc_end0:
.L_simem_size_0:
called_computation_lowered:
.L_overlay_start_0:
0x88: {  	s2 =	sld [smem:$0x3FD9]  }
0x89: {  	s3 =	sld [smem:$0x3FFE];
	_ =	sdelay $0x1  }
0x8a: {  	s1 =	srdreg.scid  }
0x8b: {  	s0 =	sand.u32 $0x1, s1  }
0x8c: {  	s17 =	sshll.u32 s0, $0xA;
	s2 =	sadd.s32 s3, s2  }
0x8d: {  	s2 =	sadd.s32 s2, s17  }
0x8e: {  	[smem:$0x3FC6] =	sst s2  }
0x8f: {  	_ = 	snop  }
0x90: {  	s2 =	sld [smem:$0x3FC9]  }
0x91: {  	s18 =	sld [smem:$0x3FD0];
	(tm) =	ssettm $0x1  }
0x92: {  	s4 =	sld [smem:$0x3FFB];
	_ =	sdelay $0x3  }
0x93: {  	_ =	strace s4  }
0x94: {  	s4 =	sld [smem:$0x3FFC];
	_ =	sdelay $0x3  }
0x95: {  	_ =	strace s4  }
0x96: {  	s4 =	sld [smem:$0x3FFD];
	_ =	sdelay $0x3  }
0x97: {  	_ =	strace s4  }
0x98: {  	_ =	strace $0x8FFFFFFF  }
0x99: {  	s19 =	sld [smem:$0x3FDB];
	_ =	sdelay $0x1  }
0x9a: {  	s5 =	simm.s32 $_scs_section_size  }
0x9b: {  	s6 =	simm.s32 $_size__tile_overlayer_lowered;
	s7 =	simm.s32 $_tile_overlayer_lowered  }
0x9c: {  	s22 =	simm.s32 $0x1BFF;
	s21 =	sshll.u32 s7, $0x1;
	s4 =	sadd.s32 s5, s19  }
0x9d: {  	s8 =	simm.s32 $0x0;
	s20 =	sshll.u32 s6, $0x1;
	s6 =	sadd.s32 s21, s4  }
0x9e: {  	[timem:s8], [sflag:s22] =	dma.local [hbm:s6], s20  }
0x9f: {  	_ =	swait.ge [sflag:s22], s20  }
0xa0: {  	s5 =	ssub.s32 $0x0, s20;
	[sflag:s22] =	ssyncset.done $0x0  }
0xa1: {  	[sflag:s22] =	ssyncadd.s32 s5;
	_ =	sdelay $0x1  }
0xa2: {  	s23 =	simm.s32 $0x1B8B  }
0xa3: {  	_ =	swait.ge [sflag:s23], $0x1  }
0xa4: {  	[sflag:s23] =	ssyncset.done $0x0  }
0xa5: {  	s25 =	simm.s32 $0x1B8E;
	s24 =	sld [smem:$0x3FFE];
	[sflag:s23] =	ssyncadd.s32 $0xFFFFFFFF  }
0xa6: {  	s26 =	simm.s32 $execute0_lowered;
	[smem:$0x3FD2] =	sst s25  }
0xa7: {  	s6 =	sshll.u32 s26, $0x1;
	_ =	strace $0x80000046;
	[dreg:$0x1] =	wrdreg $0xFFFFFFFF  }
0xa8: {  	s28 =	simm.s32 $_size_execute0_lowered;
	s4 =	sadd.s32 s4, s6;
	[dreg:$0x0] =	wrdreg $0x0  }
0xa9: {  	s6 =	sshll.u32 s28, $0x1;
	[dreg:$0x2] =	wrdreg s4  }
0xaa: {  	[dreg:$0x3] =	wrdreg s6  }
0xab: {  	[dreg:$0x4] =	wrdreg $0xC0  }
0xac: {  	_ =	task [dreg:s8], $0x5FFFF  }
0xad: {  	[dreg:$0x1] =	wrdreg $0xFFFFFFFF  }
0xae: {  	[dreg:$0x0] =	wrdreg $0x60  }
0xaf: {  	[dreg:$0x2] =	wrdreg s2  }
0xb0: {  	[dreg:$0x3] =	wrdreg s24  }
0xb1: {  	[dreg:$0x4] =	wrdreg s18  }
0xb2: {  	[dreg:$0x5] =	wrdreg $0x9  }
0xb3: {  	_ =	task.clear_ibuf [dreg:s8], $0x6FFFF;
	_ =	strace $0x90000046  }
0xb4: {  	s29 =	simm.s32 $0x9;
	_ =	strace $0x80000048  }
0xb5: {  	_ =	swait.ge [sflag:s29], $0x1  }
0xb6: {  	[sflag:s29] =	ssyncadd.s32 $0xFFFFFFFF  }
0xb7: {  	_ =	strace $0x90000048  }
0xb8: {  	_ =	sfence  }
0xb9: {  	s30 =	sld [smem:$0x0];
	_ =	sdelay $0x2  }
0xba: {  	s31 =	sshll.u32 s1, $0xD;
	s1 =	sshrl.u32 s1, $0x2  }
0xbb: {  	s3 =	sand.u32 $0x4000, s31;
	s1 =	sadd.s32 s1, s30  }
0xbc: {  	s0 =	sor.u32 s3, s0;
	s1 =	sshll.u32 s1, $0x11  }
0xbd: {  	s0 =	sor.u32 s1, s0  }
0xbe: {  	s0 =	sadd.s32 $0x8F2B, s0  }
0xbf: {  	[sflag:s0] =	ssyncadd.remote.s32 $0x1  }
0xc0: {  	_ =	sfence.sel $0xFFFF  }
0xc1: {  	[dreg:$0x0] =	wrdreg $0xFFFFFFFF;
	(pc) =	sbr.abs _section_cstart, $3  }
0xc2: {  	[dreg:$0x1] =	wrdreg $0xFFFFFFFF  }
0xc3: {  	_ =	task.clear_ibuf [dreg:s8], $0x2FFFF;
	_ =	strace $0x9FFFFFFF  }
0xc4: {  	(tm) =	ssettm $0x7FFFFFFF  }
0xc5: {  	_ =	shalt  }
tec
execute0_lowered:
.L_overlay_start_1:
0x0: {  	(tag) =	ssettag $0x1  }
0x1: {  	s1 =	rddreg [dreg:$0x0];
	s0 =	srdreg.scid  }
0x2: {  	s3 =	stileid.u32;
	s2 =	rddreg [dreg:$0x1]  }
0x3: {  	s13 =	simm.s32 $0x7;
	s14 =	simm.s32 $0x6400;
	s15 =	simm.s32 $0xE400  }
0x4: {  	s16 =	simm.s32 $0x1;
	s17 =	simm.s32 $0x16400;
	s18 =	simm.s32 $0x2  }
0x5: {  	s19 =	simm.s32 $0x4;
	s0 =	sand.u32 $0x1, s0;
	s4 =	sshll.u32 s3, $0x1  }
0x6: {  	s20 =	simm.s32 $0x3;
	s21 =	simm.s32 $0x5;
	s6 =	sor.u32 s0, s4  }
0x7: {  	s22 =	simm.s32 $0x6;
	s3 =	rddreg [dreg:$0x2];
	s5 =	smul.u32 $0x320000, s6  }
0x8: {  	s4 =	simm.s32 $0x0;
	s0 =	ssub.s32 $0x2, s0;
	s6 =	smul.u32 $0xC80, s6  }
0x9: {  	s23 =	simm.s32 $0x0;
	[smem:$0x7FF] =	sst s4;
	s7 =	sshrl.u32 s0, $0x1  }
0xa: {  	_ =	strace $0x80000047;
	s9 =	sshrl.u32 s5, $0x3;
	s2 =	sadd.s32 s6, s2  }
0xb: {  	s0 =	ssub.s32 s0, s7;
	s6 =	sadd.s32 s1, s9;
	s2 =	sadd.s32 $0x400, s2  }
0xc: {  	s31 =	sadd.s32 s3, s9;
	[dreg:$0x4] =	wrdreg s2;
	s30 =	sadd.s32 $0x1000, s6  }
0xd: {  	s10 =	sadd.s32 $0x20000, s5;
	s2 =	sadd.s32 $0x63000, s31;
	[dreg:$0x5] =	wrdreg s30  }
0xe: {  	s12 =	smax.u32 s0, $0x1;
	s9 =	sor.u32 $0x18000, s5;
	[dreg:$0x6] =	wrdreg s2  }
.LBB2_1:
0xf: {  	s0 =	rddreg [dreg:$0x4]  }
0x10: {  	[tilespmem:s4], [sflag:$0x7] =	stream.linear.gather [hbm4b:s0+s4], $0x6400, $0x38;
	[tilespmem:$0x1E400] =	vst v63  }
0x11: {  	_ =	swait.ge [sflag:s13], $0x6400  }
0x12: {  	[sflag:s13] =	ssyncset.done $0x0  }
0x13: {  	[sflag:s13] =	ssyncadd.s32 $0xFFFF9C00  }
0x14: {  	[tilespmem:s14], [sflag:$0x1] =	stream.linear.gather [hbm4b:s6+s4], $0x8000, $0x38;
	[tilespmem:$0x1E400] =	vst v63  }
0x15: {  	s24 =	simm.s32 $0x0;
	s31 =	rddreg [dreg:$0x5]  }
0x16: {  	[tilespmem:s15], [sflag:$0x2] =	stream.linear.gather [hbm4b:s31+s4], $0x8000, $0x38;
	[tilespmem:$0x1E400] =	vst v63  }
.LBB2_2:
0x17: {  	s0 =	smul.u32 $0x300, s24  }
0x18: {  	s2 =	simm.s32 $0x0;
	_ =	swait.ge [sflag:s16], $0x8000;
	s28 =	simm.s32 $0x6400  }
0x19: {  	s31 =	sand.u32 $0x380, s2;
	[sflag:s16] =	ssyncset.done $0x0;
	s25 =	sand.u32 $0xFC00, s0  }
0x1a: {  	s2 =	sand.u32 $0x70, s2;
	[sflag:s16] =	ssyncadd.s32 $0xFFFF8000;
	s7 =	sadd.s32 s31, s25  }
0x1b: {  	v1 =	vld [tilespmem:s28+$0x0];
	s7 =	sadd.s32 s2, s7  }
0x1c: {  	v0 =	vld [tilespmem:s7+$0x0];
	_ =	sdelay $0x4  }
0x1d: {  	v1 =	vadd.f32 v1, v0;
	_ =	sdelay $0x1  }
0x1e: {  	s26 =	sor.u32 s2, s31;
	[tilespmem:s28+$0x0] =	vst v1  }
0x1f: {  	v1 =	vld [tilespmem:s26+$0x6800]  }
0x20: {  	v5 =	vld [tilespmem:s26+$0x6C00]  }
0x21: {  	v4 =	vld [tilespmem:s26+$0x7000]  }
0x22: {  	v3 =	vld [tilespmem:s26+$0x7400]  }
0x23: {  	v2 =	vld [tilespmem:s26+$0x7800]  }
0x24: {  	s2 =	simm.s32 $0x10;
	v6 =	vadd.f32 v1, v0;
	v1 =	vld [tilespmem:s26+$0x7C00]  }
.LBB2_3:
0x25: {  	p0 =	sne.s32 s2, $0x3F0  }
0x26: {  	v5 =	vadd.f32 v5, v0;
	v7 =	vld [tilespmem:s26+$0x8000];
	s28 =	sadd.s32 $0x10, s28;
	s0 =	smov.u32 s2;
	s2 =	sadd.s32 $0x10, s2  }
0x27: {  	[tilespmem:s26+$0x6800] =	vst v6;
	v4 =	vadd.f32 v4, v0;
	v6 =	vld [tilespmem:s26+$0x8400]  }
0x28: {  	[tilespmem:s26+$0x6C00] =	vst v5;
	v3 =	vadd.f32 v3, v0;
	v5 =	vld [tilespmem:s26+$0x8800]  }
0x29: {  	[tilespmem:s26+$0x7000] =	vst v4;
	v2 =	vadd.f32 v2, v0;
	v4 =	vld [tilespmem:s26+$0x8C00]  }
0x2a: {  	[tilespmem:s26+$0x7400] =	vst v3;
	v1 =	vadd.f32 v1, v0;
	v3 =	vld [tilespmem:s26+$0x9000]  }
0x2b: {  	[tilespmem:s26+$0x7800] =	vst v2;
	v2 =	vadd.f32 v7, v0;
	v7 =	vld [tilespmem:s26+$0x9400]  }
0x2c: {  	[tilespmem:s26+$0x7C00] =	vst v1;
	v1 =	vadd.f32 v6, v0;
	v6 =	vld [tilespmem:s26+$0x9800]  }
0x2d: {  	[tilespmem:s26+$0x8000] =	vst v2;
	v2 =	vadd.f32 v5, v0;
	v5 =	vld [tilespmem:s26+$0x9C00]  }
0x2e: {  	[tilespmem:s26+$0x8400] =	vst v1;
	v1 =	vadd.f32 v4, v0;
	v4 =	vld [tilespmem:s26+$0xA000]  }
0x2f: {  	[tilespmem:s26+$0x8800] =	vst v2;
	v2 =	vadd.f32 v3, v0;
	v3 =	vld [tilespmem:s26+$0xA400]  }
0x30: {  	[tilespmem:s26+$0x8C00] =	vst v1;
	v1 =	vadd.f32 v7, v0;
	v7 =	vld [tilespmem:s26+$0xA800]  }
0x31: {  	[tilespmem:s26+$0x9000] =	vst v2;
	v2 =	vadd.f32 v6, v0;
	v6 =	vld [tilespmem:s26+$0xAC00]  }
0x32: {  	[tilespmem:s26+$0x9400] =	vst v1;
	v1 =	vadd.f32 v5, v0;
	v5 =	vld [tilespmem:s26+$0xB000]  }
0x33: {  	[tilespmem:s26+$0x9800] =	vst v2;
	v2 =	vadd.f32 v4, v0;
	v4 =	vld [tilespmem:s26+$0xB400]  }
0x34: {  	[tilespmem:s26+$0x9C00] =	vst v1;
	v1 =	vadd.f32 v3, v0;
	v3 =	vld [tilespmem:s26+$0xB800]  }
0x35: {  	[tilespmem:s26+$0xA000] =	vst v2;
	v2 =	vadd.f32 v7, v0;
	v7 =	vld [tilespmem:s26+$0xBC00]  }
0x36: {  	[tilespmem:s26+$0xA400] =	vst v1;
	v1 =	vadd.f32 v6, v0;
	v6 =	vld [tilespmem:s26+$0xC000]  }
0x37: {  	[tilespmem:s26+$0xA800] =	vst v2;
	v2 =	vadd.f32 v5, v0;
	v5 =	vld [tilespmem:s26+$0xC400]  }
0x38: {  	[tilespmem:s26+$0xAC00] =	vst v1;
	v1 =	vadd.f32 v4, v0;
	v4 =	vld [tilespmem:s26+$0xC800]  }
0x39: {  	[tilespmem:s26+$0xB000] =	vst v2;
	v2 =	vadd.f32 v3, v0;
	v3 =	vld [tilespmem:s26+$0xCC00]  }
0x3a: {  	[tilespmem:s26+$0xB400] =	vst v1;
	v1 =	vadd.f32 v7, v0;
	v7 =	vld [tilespmem:s26+$0xD000]  }
0x3b: {  	[tilespmem:s26+$0xB800] =	vst v2;
	v2 =	vadd.f32 v6, v0;
	v6 =	vld [tilespmem:s26+$0xD400]  }
0x3c: {  	[tilespmem:s26+$0xBC00] =	vst v1;
	v1 =	vadd.f32 v5, v0;
	v5 =	vld [tilespmem:s26+$0xD800]  }
0x3d: {  	[tilespmem:s26+$0xC000] =	vst v2;
	v2 =	vadd.f32 v4, v0;
	v4 =	vld [tilespmem:s26+$0xDC00]  }
0x3e: {  	[tilespmem:s26+$0xC400] =	vst v1;
	v1 =	vadd.f32 v3, v0;
	v3 =	vld [tilespmem:s26+$0xE000]  }
0x3f: {  	[tilespmem:s26+$0xC800] =	vst v2;
	v2 =	vadd.f32 v7, v0  }
0x40: {  	[tilespmem:s26+$0xCC00] =	vst v1;
	v1 =	vadd.f32 v6, v0  }
0x41: {  	[tilespmem:s26+$0xD000] =	vst v2;
	v2 =	vadd.f32 v5, v0  }
0x42: {  	[tilespmem:s26+$0xD400] =	vst v1;
	v1 =	vadd.f32 v4, v0  }
0x43: {  	s7 =	sand.u32 $0x380, s0;
	[tilespmem:s26+$0xD800] =	vst v2;
	v0 =	vadd.f32 v3, v0  }
0x44: {  	s0 =	sand.u32 $0x70, s0;
	s29 =	sadd.s32 s7, s25;
	[tilespmem:s26+$0xDC00] =	vst v1  }
0x45: {  	s29 =	sadd.s32 s0, s29;
	[tilespmem:s26+$0xE000] =	vst v0  }
0x46: {  	v0 =	vld [tilespmem:s29+$0x0]  }
0x47: {  	v1 =	vld [tilespmem:s28+$0x0];
	_ =	sdelay $0x4  }
0x48: {  	v1 =	vadd.f32 v1, v0  }
0x49: {  	s26 =	sor.u32 s0, s7  }
0x4a: {  	[tilespmem:s28+$0x0] =	vst v1  }
0x4b: {  	v1 =	vld [tilespmem:s26+$0x6800]  }
.Ltmp0:
0x4c: {  	v5 =	vld [tilespmem:s26+$0x6C00];
	(pc) =	sbr.rel @p0 .LBB2_3-.Ltmp0, $4  }
0x4d: {  	v4 =	vld [tilespmem:s26+$0x7000]  }
0x4e: {  	v3 =	vld [tilespmem:s26+$0x7400]  }
0x4f: {  	v2 =	vld [tilespmem:s26+$0x7800]  }
0x50: {  	v6 =	vadd.f32 v1, v0;
	v1 =	vld [tilespmem:s26+$0x7C00]  }
0x51: {  	v7 =	vld [tilespmem:s26+$0x8000];
	v5 =	vadd.f32 v5, v0  }
0x52: {  	[tilespmem:s26+$0x6800] =	vst v6;
	v6 =	vld [tilespmem:s26+$0x8400];
	v4 =	vadd.f32 v4, v0  }
0x53: {  	[tilespmem:s26+$0x6C00] =	vst v5;
	v5 =	vld [tilespmem:s26+$0x8800];
	v3 =	vadd.f32 v3, v0  }
0x54: {  	[tilespmem:s26+$0x7000] =	vst v4;
	v4 =	vld [tilespmem:s26+$0x8C00];
	v2 =	vadd.f32 v2, v0  }
0x55: {  	[tilespmem:s26+$0x7400] =	vst v3;
	v3 =	vld [tilespmem:s26+$0x9000];
	v1 =	vadd.f32 v1, v0  }
0x56: {  	[tilespmem:s26+$0x7800] =	vst v2;
	v2 =	vld [tilespmem:s26+$0x9400];
	v7 =	vadd.f32 v7, v0  }
0x57: {  	[tilespmem:s26+$0x7C00] =	vst v1;
	v1 =	vld [tilespmem:s26+$0x9800];
	v6 =	vadd.f32 v6, v0  }
0x58: {  	[tilespmem:s26+$0x8000] =	vst v7;
	v7 =	vld [tilespmem:s26+$0x9C00];
	v5 =	vadd.f32 v5, v0  }
0x59: {  	[tilespmem:s26+$0x8400] =	vst v6;
	v6 =	vld [tilespmem:s26+$0xA000];
	v4 =	vadd.f32 v4, v0  }
0x5a: {  	[tilespmem:s26+$0x8800] =	vst v5;
	v5 =	vld [tilespmem:s26+$0xA400];
	v3 =	vadd.f32 v3, v0  }
0x5b: {  	[tilespmem:s26+$0x8C00] =	vst v4;
	v4 =	vld [tilespmem:s26+$0xA800];
	v2 =	vadd.f32 v2, v0  }
0x5c: {  	[tilespmem:s26+$0x9000] =	vst v3;
	v3 =	vld [tilespmem:s26+$0xAC00];
	v1 =	vadd.f32 v1, v0  }
0x5d: {  	[tilespmem:s26+$0x9400] =	vst v2;
	v2 =	vld [tilespmem:s26+$0xB000];
	v7 =	vadd.f32 v7, v0  }
0x5e: {  	[tilespmem:s26+$0x9800] =	vst v1;
	v1 =	vld [tilespmem:s26+$0xB400];
	v6 =	vadd.f32 v6, v0  }
0x5f: {  	[tilespmem:s26+$0x9C00] =	vst v7;
	v7 =	vld [tilespmem:s26+$0xB800];
	v5 =	vadd.f32 v5, v0  }
0x60: {  	[tilespmem:s26+$0xA000] =	vst v6;
	v6 =	vld [tilespmem:s26+$0xBC00];
	v4 =	vadd.f32 v4, v0  }
0x61: {  	[tilespmem:s26+$0xA400] =	vst v5;
	v5 =	vld [tilespmem:s26+$0xC000];
	v3 =	vadd.f32 v3, v0  }
0x62: {  	[tilespmem:s26+$0xA800] =	vst v4;
	v4 =	vld [tilespmem:s26+$0xC400];
	v2 =	vadd.f32 v2, v0  }
0x63: {  	[tilespmem:s26+$0xAC00] =	vst v3;
	v3 =	vld [tilespmem:s26+$0xC800];
	v1 =	vadd.f32 v1, v0  }
0x64: {  	[tilespmem:s26+$0xB000] =	vst v2;
	v2 =	vld [tilespmem:s26+$0xCC00];
	v7 =	vadd.f32 v7, v0  }
0x65: {  	[tilespmem:s26+$0xB400] =	vst v1;
	v1 =	vld [tilespmem:s26+$0xD000];
	v6 =	vadd.f32 v6, v0  }
0x66: {  	[tilespmem:s26+$0xB800] =	vst v7;
	v7 =	vld [tilespmem:s26+$0xD400];
	v5 =	vadd.f32 v5, v0  }
0x67: {  	[tilespmem:s26+$0xBC00] =	vst v6;
	v6 =	vld [tilespmem:s26+$0xD800];
	v4 =	vadd.f32 v4, v0  }
0x68: {  	[tilespmem:s26+$0xC000] =	vst v5;
	v5 =	vld [tilespmem:s26+$0xDC00];
	v3 =	vadd.f32 v3, v0  }
0x69: {  	[tilespmem:s26+$0xC400] =	vst v4;
	v2 =	vadd.f32 v2, v0;
	v4 =	vld [tilespmem:s26+$0xE000]  }
0x6a: {  	[tilespmem:s26+$0xC800] =	vst v3;
	v1 =	vadd.f32 v1, v0  }
0x6b: {  	[tilespmem:s26+$0xCC00] =	vst v2;
	v2 =	vadd.f32 v7, v0  }
0x6c: {  	s25 =	smul.u32 $0x18000, s24;
	[tilespmem:s26+$0xD000] =	vst v1;
	v1 =	vadd.f32 v6, v0  }
0x6d: {  	[tilespmem:s26+$0xD400] =	vst v2;
	v2 =	vadd.f32 v5, v0  }
0x6e: {  	s2 =	smul.u32 $0x3, s24;
	s0 =	sadd.s32 s5, s25;
	[tilespmem:s26+$0xD800] =	vst v1;
	v0 =	vadd.f32 v4, v0  }
0x6f: {  	s0 =	sshrl.u32 s0, $0x3;
	[tilespmem:s26+$0xDC00] =	vst v2  }
0x70: {  	p0 =	seq.s32 s24, $0x0;
	s28 =	sadd.s32 $0x2, s2;
	s0 =	sadd.s32 s3, s0;
	[tilespmem:s26+$0xE000] =	vst v0  }
0x71: {  	[hbm4b:s0+s4] =	stream.linear.scatter [tilespmem:s14], [sflag:$0x4], $0x8000, $0x38;
	[tilespmem:$0x1E400] =	vst v63  }
0x72: {  	s7 =	sshll.u32 s28, $0xF;
	s0 =	simm.s32 @!p0 $0x6  }
0x73: {  	s11 =	simm.s32 $0x0;
	s7 =	sadd.s32 s5, s7;
	_ =	swait.ge @!p0 [sflag:s0], $0x8000  }
0x74: {  	s29 =	sadd.s32 $0x1, s2;
	s26 =	sshrl.u32 s7, $0x3;
	[sflag:s0] =	ssyncset.done @!p0 $0x0  }
0x75: {  	s2 =	sshll.u32 s29, $0x8;
	s8 =	sadd.s32 s1, s26;
	[sflag:s0] =	ssyncadd.s32 @!p0 $0xFFFF8000  }
0x76: {  	[tilespmem:s17], [sflag:$0x3] =	stream.linear.gather [hbm4b:s8+s11], $0x8000, $0x38;
	[tilespmem:$0x1E400] =	vst v63  }
0x77: {  	s31 =	sand.u32 $0x1FC00, s2;
	s8 =	sand.u32 $0x380, s11;
	_ =	swait.ge [sflag:s18], $0x8000  }
0x78: {  	s7 =	sand.u32 $0x70, s11;
	s11 =	sadd.s32 s8, s31;
	[sflag:s18] =	ssyncset.done $0x0  }
0x79: {  	s30 =	sadd.s32 s7, s11;
	[sflag:s18] =	ssyncadd.s32 $0xFFFF8000  }
0x7a: {  	s2 =	simm.s32 $0xE400;
	v0 =	vld [tilespmem:s30+$0x0]  }
0x7b: {  	v1 =	vld [tilespmem:s2+$0x0];
	_ =	sdelay $0x4  }
0x7c: {  	v1 =	vadd.f32 v1, v0;
	_ =	sdelay $0x1  }
0x7d: {  	s30 =	sor.u32 s7, s8;
	[tilespmem:s2+$0x0] =	vst v1  }
0x7e: {  	v1 =	vld [tilespmem:s30+$0xE800]  }
0x7f: {  	v5 =	vld [tilespmem:s30+$0xEC00]  }
0x80: {  	v4 =	vld [tilespmem:s30+$0xF000]  }
0x81: {  	v3 =	vld [tilespmem:s30+$0xF400]  }
0x82: {  	v2 =	vld [tilespmem:s30+$0xF800]  }
0x83: {  	s0 =	simm.s32 $0x10;
	v6 =	vadd.f32 v1, v0;
	v1 =	vld [tilespmem:s30+$0xFC00]  }
.LBB2_5:
0x84: {  	p0 =	sne.s32 s0, $0x3F0  }
0x85: {  	v5 =	vadd.f32 v5, v0;
	v7 =	vld [tilespmem:s30+$0x10000];
	s2 =	sadd.s32 $0x10, s2;
	s7 =	smov.u32 s0;
	s0 =	sadd.s32 $0x10, s0  }
0x86: {  	[tilespmem:s30+$0xE800] =	vst v6;
	v4 =	vadd.f32 v4, v0;
	v6 =	vld [tilespmem:s30+$0x10400]  }
0x87: {  	[tilespmem:s30+$0xEC00] =	vst v5;
	v3 =	vadd.f32 v3, v0;
	v5 =	vld [tilespmem:s30+$0x10800]  }
0x88: {  	[tilespmem:s30+$0xF000] =	vst v4;
	v2 =	vadd.f32 v2, v0;
	v4 =	vld [tilespmem:s30+$0x10C00]  }
0x89: {  	[tilespmem:s30+$0xF400] =	vst v3;
	v1 =	vadd.f32 v1, v0;
	v3 =	vld [tilespmem:s30+$0x11000]  }
0x8a: {  	[tilespmem:s30+$0xF800] =	vst v2;
	v2 =	vadd.f32 v7, v0;
	v7 =	vld [tilespmem:s30+$0x11400]  }
0x8b: {  	[tilespmem:s30+$0xFC00] =	vst v1;
	v1 =	vadd.f32 v6, v0;
	v6 =	vld [tilespmem:s30+$0x11800]  }
0x8c: {  	[tilespmem:s30+$0x10000] =	vst v2;
	v2 =	vadd.f32 v5, v0;
	v5 =	vld [tilespmem:s30+$0x11C00]  }
0x8d: {  	[tilespmem:s30+$0x10400] =	vst v1;
	v1 =	vadd.f32 v4, v0;
	v4 =	vld [tilespmem:s30+$0x12000]  }
0x8e: {  	[tilespmem:s30+$0x10800] =	vst v2;
	v2 =	vadd.f32 v3, v0;
	v3 =	vld [tilespmem:s30+$0x12400]  }
0x8f: {  	[tilespmem:s30+$0x10C00] =	vst v1;
	v1 =	vadd.f32 v7, v0;
	v7 =	vld [tilespmem:s30+$0x12800]  }
0x90: {  	[tilespmem:s30+$0x11000] =	vst v2;
	v2 =	vadd.f32 v6, v0;
	v6 =	vld [tilespmem:s30+$0x12C00]  }
0x91: {  	[tilespmem:s30+$0x11400] =	vst v1;
	v1 =	vadd.f32 v5, v0;
	v5 =	vld [tilespmem:s30+$0x13000]  }
0x92: {  	[tilespmem:s30+$0x11800] =	vst v2;
	v2 =	vadd.f32 v4, v0;
	v4 =	vld [tilespmem:s30+$0x13400]  }
0x93: {  	[tilespmem:s30+$0x11C00] =	vst v1;
	v1 =	vadd.f32 v3, v0;
	v3 =	vld [tilespmem:s30+$0x13800]  }
0x94: {  	[tilespmem:s30+$0x12000] =	vst v2;
	v2 =	vadd.f32 v7, v0;
	v7 =	vld [tilespmem:s30+$0x13C00]  }
0x95: {  	[tilespmem:s30+$0x12400] =	vst v1;
	v1 =	vadd.f32 v6, v0;
	v6 =	vld [tilespmem:s30+$0x14000]  }
0x96: {  	[tilespmem:s30+$0x12800] =	vst v2;
	v2 =	vadd.f32 v5, v0;
	v5 =	vld [tilespmem:s30+$0x14400]  }
0x97: {  	[tilespmem:s30+$0x12C00] =	vst v1;
	v1 =	vadd.f32 v4, v0;
	v4 =	vld [tilespmem:s30+$0x14800]  }
0x98: {  	[tilespmem:s30+$0x13000] =	vst v2;
	v2 =	vadd.f32 v3, v0;
	v3 =	vld [tilespmem:s30+$0x14C00]  }
0x99: {  	[tilespmem:s30+$0x13400] =	vst v1;
	v1 =	vadd.f32 v7, v0;
	v7 =	vld [tilespmem:s30+$0x15000]  }
0x9a: {  	[tilespmem:s30+$0x13800] =	vst v2;
	v2 =	vadd.f32 v6, v0;
	v6 =	vld [tilespmem:s30+$0x15400]  }
0x9b: {  	[tilespmem:s30+$0x13C00] =	vst v1;
	v1 =	vadd.f32 v5, v0;
	v5 =	vld [tilespmem:s30+$0x15800]  }
0x9c: {  	[tilespmem:s30+$0x14000] =	vst v2;
	v2 =	vadd.f32 v4, v0;
	v4 =	vld [tilespmem:s30+$0x15C00]  }
0x9d: {  	[tilespmem:s30+$0x14400] =	vst v1;
	v1 =	vadd.f32 v3, v0;
	v3 =	vld [tilespmem:s30+$0x16000]  }
0x9e: {  	[tilespmem:s30+$0x14800] =	vst v2;
	v2 =	vadd.f32 v7, v0  }
0x9f: {  	[tilespmem:s30+$0x14C00] =	vst v1;
	v1 =	vadd.f32 v6, v0  }
0xa0: {  	[tilespmem:s30+$0x15000] =	vst v2;
	v2 =	vadd.f32 v5, v0  }
0xa1: {  	[tilespmem:s30+$0x15400] =	vst v1;
	v1 =	vadd.f32 v4, v0  }
0xa2: {  	s8 =	sand.u32 $0x380, s7;
	[tilespmem:s30+$0x15800] =	vst v2;
	v0 =	vadd.f32 v3, v0  }
0xa3: {  	s7 =	sand.u32 $0x70, s7;
	s11 =	sadd.s32 s8, s31;
	[tilespmem:s30+$0x15C00] =	vst v1  }
0xa4: {  	s11 =	sadd.s32 s7, s11;
	[tilespmem:s30+$0x16000] =	vst v0  }
0xa5: {  	v0 =	vld [tilespmem:s11+$0x0]  }
0xa6: {  	v1 =	vld [tilespmem:s2+$0x0];
	_ =	sdelay $0x4  }
0xa7: {  	v1 =	vadd.f32 v1, v0  }
0xa8: {  	s30 =	sor.u32 s7, s8  }
0xa9: {  	[tilespmem:s2+$0x0] =	vst v1  }
0xaa: {  	v1 =	vld [tilespmem:s30+$0xE800]  }
.Ltmp1:
0xab: {  	v5 =	vld [tilespmem:s30+$0xEC00];
	(pc) =	sbr.rel @p0 .LBB2_5-.Ltmp1, $4  }
0xac: {  	v4 =	vld [tilespmem:s30+$0xF000]  }
0xad: {  	v3 =	vld [tilespmem:s30+$0xF400]  }
0xae: {  	v2 =	vld [tilespmem:s30+$0xF800]  }
0xaf: {  	v6 =	vadd.f32 v1, v0;
	v1 =	vld [tilespmem:s30+$0xFC00]  }
0xb0: {  	v7 =	vld [tilespmem:s30+$0x10000];
	v5 =	vadd.f32 v5, v0  }
0xb1: {  	[tilespmem:s30+$0xE800] =	vst v6;
	v6 =	vld [tilespmem:s30+$0x10400];
	v4 =	vadd.f32 v4, v0  }
0xb2: {  	[tilespmem:s30+$0xEC00] =	vst v5;
	v5 =	vld [tilespmem:s30+$0x10800];
	v3 =	vadd.f32 v3, v0  }
0xb3: {  	[tilespmem:s30+$0xF000] =	vst v4;
	v4 =	vld [tilespmem:s30+$0x10C00];
	v2 =	vadd.f32 v2, v0  }
0xb4: {  	[tilespmem:s30+$0xF400] =	vst v3;
	v3 =	vld [tilespmem:s30+$0x11000];
	v1 =	vadd.f32 v1, v0  }
0xb5: {  	[tilespmem:s30+$0xF800] =	vst v2;
	v2 =	vld [tilespmem:s30+$0x11400];
	v7 =	vadd.f32 v7, v0  }
0xb6: {  	[tilespmem:s30+$0xFC00] =	vst v1;
	v1 =	vld [tilespmem:s30+$0x11800];
	v6 =	vadd.f32 v6, v0  }
0xb7: {  	[tilespmem:s30+$0x10000] =	vst v7;
	v7 =	vld [tilespmem:s30+$0x11C00];
	v5 =	vadd.f32 v5, v0  }
0xb8: {  	[tilespmem:s30+$0x10400] =	vst v6;
	v6 =	vld [tilespmem:s30+$0x12000];
	v4 =	vadd.f32 v4, v0  }
0xb9: {  	[tilespmem:s30+$0x10800] =	vst v5;
	v5 =	vld [tilespmem:s30+$0x12400];
	v3 =	vadd.f32 v3, v0  }
0xba: {  	[tilespmem:s30+$0x10C00] =	vst v4;
	v4 =	vld [tilespmem:s30+$0x12800];
	v2 =	vadd.f32 v2, v0  }
0xbb: {  	[tilespmem:s30+$0x11000] =	vst v3;
	v3 =	vld [tilespmem:s30+$0x12C00];
	v1 =	vadd.f32 v1, v0  }
0xbc: {  	[tilespmem:s30+$0x11400] =	vst v2;
	v2 =	vld [tilespmem:s30+$0x13000];
	v7 =	vadd.f32 v7, v0  }
0xbd: {  	[tilespmem:s30+$0x11800] =	vst v1;
	v1 =	vld [tilespmem:s30+$0x13400];
	v6 =	vadd.f32 v6, v0  }
0xbe: {  	[tilespmem:s30+$0x11C00] =	vst v7;
	v7 =	vld [tilespmem:s30+$0x13800];
	v5 =	vadd.f32 v5, v0  }
0xbf: {  	[tilespmem:s30+$0x12000] =	vst v6;
	v6 =	vld [tilespmem:s30+$0x13C00];
	v4 =	vadd.f32 v4, v0  }
0xc0: {  	[tilespmem:s30+$0x12400] =	vst v5;
	v5 =	vld [tilespmem:s30+$0x14000];
	v3 =	vadd.f32 v3, v0  }
0xc1: {  	[tilespmem:s30+$0x12800] =	vst v4;
	v4 =	vld [tilespmem:s30+$0x14400];
	v2 =	vadd.f32 v2, v0  }
0xc2: {  	[tilespmem:s30+$0x12C00] =	vst v3;
	v3 =	vld [tilespmem:s30+$0x14800];
	v1 =	vadd.f32 v1, v0  }
0xc3: {  	[tilespmem:s30+$0x13000] =	vst v2;
	v2 =	vld [tilespmem:s30+$0x14C00];
	v7 =	vadd.f32 v7, v0  }
0xc4: {  	[tilespmem:s30+$0x13400] =	vst v1;
	v1 =	vld [tilespmem:s30+$0x15000];
	v6 =	vadd.f32 v6, v0  }
0xc5: {  	[tilespmem:s30+$0x13800] =	vst v7;
	v7 =	vld [tilespmem:s30+$0x15400];
	v5 =	vadd.f32 v5, v0  }
0xc6: {  	[tilespmem:s30+$0x13C00] =	vst v6;
	v6 =	vld [tilespmem:s30+$0x15800];
	v4 =	vadd.f32 v4, v0  }
0xc7: {  	[tilespmem:s30+$0x14000] =	vst v5;
	v5 =	vld [tilespmem:s30+$0x15C00];
	v3 =	vadd.f32 v3, v0  }
0xc8: {  	[tilespmem:s30+$0x14400] =	vst v4;
	v2 =	vadd.f32 v2, v0;
	v4 =	vld [tilespmem:s30+$0x16000]  }
0xc9: {  	[tilespmem:s30+$0x14800] =	vst v3;
	v1 =	vadd.f32 v1, v0  }
0xca: {  	[tilespmem:s30+$0x14C00] =	vst v2;
	v2 =	vadd.f32 v7, v0  }
0xcb: {  	[tilespmem:s30+$0x15000] =	vst v1;
	v1 =	vadd.f32 v6, v0  }
0xcc: {  	s0 =	sshll.u32 s29, $0xF;
	[tilespmem:s30+$0x15400] =	vst v2;
	v2 =	vadd.f32 v5, v0  }
0xcd: {  	s0 =	sadd.s32 s5, s0;
	[tilespmem:s30+$0x15800] =	vst v1;
	v0 =	vadd.f32 v4, v0  }
0xce: {  	s0 =	sshrl.u32 s0, $0x3;
	[tilespmem:s30+$0x15C00] =	vst v2  }
0xcf: {  	s2 =	simm.s32 $0x0;
	s0 =	sadd.s32 s3, s0;
	[tilespmem:s30+$0x16000] =	vst v0  }
0xd0: {  	[hbm4b:s0+s2] =	stream.linear.scatter [tilespmem:s15], [sflag:$0x5], $0x8000, $0x38;
	[tilespmem:$0x1E400] =	vst v63  }
0xd1: {  	s8 =	sadd.s32 s25, s9;
	_ =	swait.ge [sflag:s19], $0x8000  }
0xd2: {  	s0 =	sshrl.u32 s8, $0x3;
	[sflag:s19] =	ssyncset.done $0x0  }
0xd3: {  	s11 =	sshll.u32 s28, $0x8;
	s0 =	sadd.s32 s1, s0;
	[sflag:s19] =	ssyncadd.s32 $0xFFFF8000  }
0xd4: {  	[tilespmem:s14], [sflag:$0x1] =	stream.linear.gather [hbm4b:s0+s2], $0x8000, $0x38;
	[tilespmem:$0x1E400] =	vst v63  }
0xd5: {  	s29 =	sand.u32 $0x1FC00, s11;
	s30 =	sand.u32 $0x380, s2;
	_ =	swait.ge [sflag:s20], $0x8000  }
0xd6: {  	s7 =	sand.u32 $0x70, s2;
	s31 =	sadd.s32 s30, s29;
	[sflag:s20] =	ssyncset.done $0x0  }
0xd7: {  	s8 =	sadd.s32 s7, s31;
	[sflag:s20] =	ssyncadd.s32 $0xFFFF8000  }
0xd8: {  	s2 =	simm.s32 $0x16400;
	v0 =	vld [tilespmem:s8+$0x0]  }
0xd9: {  	v1 =	vld [tilespmem:s2+$0x0];
	_ =	sdelay $0x4  }
0xda: {  	v1 =	vadd.f32 v1, v0;
	_ =	sdelay $0x1  }
0xdb: {  	s28 =	sor.u32 s7, s30;
	[tilespmem:s2+$0x0] =	vst v1  }
0xdc: {  	v1 =	vld [tilespmem:s28+$0x16800]  }
0xdd: {  	v5 =	vld [tilespmem:s28+$0x16C00]  }
0xde: {  	v4 =	vld [tilespmem:s28+$0x17000]  }
0xdf: {  	v3 =	vld [tilespmem:s28+$0x17400]  }
0xe0: {  	v2 =	vld [tilespmem:s28+$0x17800]  }
0xe1: {  	s0 =	simm.s32 $0x10;
	v6 =	vadd.f32 v1, v0;
	v1 =	vld [tilespmem:s28+$0x17C00]  }
.LBB2_7:
0xe2: {  	p0 =	sne.s32 s0, $0x3F0  }
0xe3: {  	v5 =	vadd.f32 v5, v0;
	v7 =	vld [tilespmem:s28+$0x18000];
	s2 =	sadd.s32 $0x10, s2;
	s7 =	smov.u32 s0;
	s0 =	sadd.s32 $0x10, s0  }
0xe4: {  	[tilespmem:s28+$0x16800] =	vst v6;
	v4 =	vadd.f32 v4, v0;
	v6 =	vld [tilespmem:s28+$0x18400]  }
0xe5: {  	[tilespmem:s28+$0x16C00] =	vst v5;
	v3 =	vadd.f32 v3, v0;
	v5 =	vld [tilespmem:s28+$0x18800]  }
0xe6: {  	[tilespmem:s28+$0x17000] =	vst v4;
	v2 =	vadd.f32 v2, v0;
	v4 =	vld [tilespmem:s28+$0x18C00]  }
0xe7: {  	[tilespmem:s28+$0x17400] =	vst v3;
	v1 =	vadd.f32 v1, v0;
	v3 =	vld [tilespmem:s28+$0x19000]  }
0xe8: {  	[tilespmem:s28+$0x17800] =	vst v2;
	v2 =	vadd.f32 v7, v0;
	v7 =	vld [tilespmem:s28+$0x19400]  }
0xe9: {  	[tilespmem:s28+$0x17C00] =	vst v1;
	v1 =	vadd.f32 v6, v0;
	v6 =	vld [tilespmem:s28+$0x19800]  }
0xea: {  	[tilespmem:s28+$0x18000] =	vst v2;
	v2 =	vadd.f32 v5, v0;
	v5 =	vld [tilespmem:s28+$0x19C00]  }
0xeb: {  	[tilespmem:s28+$0x18400] =	vst v1;
	v1 =	vadd.f32 v4, v0;
	v4 =	vld [tilespmem:s28+$0x1A000]  }
0xec: {  	[tilespmem:s28+$0x18800] =	vst v2;
	v2 =	vadd.f32 v3, v0;
	v3 =	vld [tilespmem:s28+$0x1A400]  }
0xed: {  	[tilespmem:s28+$0x18C00] =	vst v1;
	v1 =	vadd.f32 v7, v0;
	v7 =	vld [tilespmem:s28+$0x1A800]  }
0xee: {  	[tilespmem:s28+$0x19000] =	vst v2;
	v2 =	vadd.f32 v6, v0;
	v6 =	vld [tilespmem:s28+$0x1AC00]  }
0xef: {  	[tilespmem:s28+$0x19400] =	vst v1;
	v1 =	vadd.f32 v5, v0;
	v5 =	vld [tilespmem:s28+$0x1B000]  }
0xf0: {  	[tilespmem:s28+$0x19800] =	vst v2;
	v2 =	vadd.f32 v4, v0;
	v4 =	vld [tilespmem:s28+$0x1B400]  }
0xf1: {  	[tilespmem:s28+$0x19C00] =	vst v1;
	v1 =	vadd.f32 v3, v0;
	v3 =	vld [tilespmem:s28+$0x1B800]  }
0xf2: {  	[tilespmem:s28+$0x1A000] =	vst v2;
	v2 =	vadd.f32 v7, v0;
	v7 =	vld [tilespmem:s28+$0x1BC00]  }
0xf3: {  	[tilespmem:s28+$0x1A400] =	vst v1;
	v1 =	vadd.f32 v6, v0;
	v6 =	vld [tilespmem:s28+$0x1C000]  }
0xf4: {  	[tilespmem:s28+$0x1A800] =	vst v2;
	v2 =	vadd.f32 v5, v0;
	v5 =	vld [tilespmem:s28+$0x1C400]  }
0xf5: {  	[tilespmem:s28+$0x1AC00] =	vst v1;
	v1 =	vadd.f32 v4, v0;
	v4 =	vld [tilespmem:s28+$0x1C800]  }
0xf6: {  	[tilespmem:s28+$0x1B000] =	vst v2;
	v2 =	vadd.f32 v3, v0;
	v3 =	vld [tilespmem:s28+$0x1CC00]  }
0xf7: {  	[tilespmem:s28+$0x1B400] =	vst v1;
	v1 =	vadd.f32 v7, v0;
	v7 =	vld [tilespmem:s28+$0x1D000]  }
0xf8: {  	[tilespmem:s28+$0x1B800] =	vst v2;
	v2 =	vadd.f32 v6, v0;
	v6 =	vld [tilespmem:s28+$0x1D400]  }
0xf9: {  	[tilespmem:s28+$0x1BC00] =	vst v1;
	v1 =	vadd.f32 v5, v0;
	v5 =	vld [tilespmem:s28+$0x1D800]  }
0xfa: {  	[tilespmem:s28+$0x1C000] =	vst v2;
	v2 =	vadd.f32 v4, v0;
	v4 =	vld [tilespmem:s28+$0x1DC00]  }
0xfb: {  	[tilespmem:s28+$0x1C400] =	vst v1;
	v1 =	vadd.f32 v3, v0;
	v3 =	vld [tilespmem:s28+$0x1E000]  }
0xfc: {  	[tilespmem:s28+$0x1C800] =	vst v2;
	v2 =	vadd.f32 v7, v0  }
0xfd: {  	[tilespmem:s28+$0x1CC00] =	vst v1;
	v1 =	vadd.f32 v6, v0  }
0xfe: {  	[tilespmem:s28+$0x1D000] =	vst v2;
	v2 =	vadd.f32 v5, v0  }
0xff: {  	[tilespmem:s28+$0x1D400] =	vst v1;
	v1 =	vadd.f32 v4, v0  }
0x100: {  	s8 =	sand.u32 $0x380, s7;
	[tilespmem:s28+$0x1D800] =	vst v2;
	v0 =	vadd.f32 v3, v0  }
0x101: {  	s7 =	sand.u32 $0x70, s7;
	s11 =	sadd.s32 s8, s29;
	[tilespmem:s28+$0x1DC00] =	vst v1  }
0x102: {  	s11 =	sadd.s32 s7, s11;
	[tilespmem:s28+$0x1E000] =	vst v0  }
0x103: {  	v0 =	vld [tilespmem:s11+$0x0]  }
0x104: {  	v1 =	vld [tilespmem:s2+$0x0];
	_ =	sdelay $0x4  }
0x105: {  	v1 =	vadd.f32 v1, v0  }
0x106: {  	s28 =	sor.u32 s7, s8  }
0x107: {  	[tilespmem:s2+$0x0] =	vst v1  }
0x108: {  	v1 =	vld [tilespmem:s28+$0x16800]  }
.Ltmp2:
0x109: {  	v5 =	vld [tilespmem:s28+$0x16C00];
	(pc) =	sbr.rel @p0 .LBB2_7-.Ltmp2, $4  }
0x10a: {  	v4 =	vld [tilespmem:s28+$0x17000]  }
0x10b: {  	v3 =	vld [tilespmem:s28+$0x17400]  }
0x10c: {  	v2 =	vld [tilespmem:s28+$0x17800]  }
0x10d: {  	v6 =	vadd.f32 v1, v0;
	v1 =	vld [tilespmem:s28+$0x17C00]  }
0x10e: {  	v7 =	vld [tilespmem:s28+$0x18000];
	v5 =	vadd.f32 v5, v0  }
0x10f: {  	v36 =	vld [tilespmem:s28+$0x18400];
	[tilespmem:s28+$0x16800] =	vst v6;
	v4 =	vadd.f32 v4, v0  }
0x110: {  	v37 =	vld [tilespmem:s28+$0x18800];
	[tilespmem:s28+$0x16C00] =	vst v5;
	v3 =	vadd.f32 v3, v0  }
0x111: {  	v38 =	vld [tilespmem:s28+$0x18C00];
	[tilespmem:s28+$0x17000] =	vst v4;
	v2 =	vadd.f32 v2, v0  }
0x112: {  	v39 =	vld [tilespmem:s28+$0x19000];
	[tilespmem:s28+$0x17400] =	vst v3;
	v1 =	vadd.f32 v1, v0  }
0x113: {  	v40 =	vld [tilespmem:s28+$0x19400];
	[tilespmem:s28+$0x17800] =	vst v2;
	v7 =	vadd.f32 v7, v0  }
0x114: {  	v56 =	vld [tilespmem:s28+$0x1D400];
	v6 =	vadd.f32 v36, v0;
	[tilespmem:s28+$0x17C00] =	vst v1  }
0x115: {  	v57 =	vld [tilespmem:s28+$0x1D800];
	v5 =	vadd.f32 v37, v0;
	[tilespmem:s28+$0x18000] =	vst v7  }
0x116: {  	v58 =	vld [tilespmem:s28+$0x1DC00];
	v4 =	vadd.f32 v38, v0;
	[tilespmem:s28+$0x18400] =	vst v6  }
0x117: {  	v59 =	vld [tilespmem:s28+$0x1E000];
	v3 =	vadd.f32 v39, v0;
	[tilespmem:s28+$0x18800] =	vst v5  }
0x118: {  	v41 =	vld [tilespmem:s28+$0x19800];
	v2 =	vadd.f32 v40, v0;
	[tilespmem:s28+$0x18C00] =	vst v4  }
0x119: {  	v42 =	vld [tilespmem:s28+$0x19C00];
	v60 =	vadd.f32 v56, v0;
	[tilespmem:s28+$0x19000] =	vst v3  }
0x11a: {  	v43 =	vld [tilespmem:s28+$0x1A000];
	v61 =	vadd.f32 v57, v0;
	[tilespmem:s28+$0x19400] =	vst v2  }
0x11b: {  	v44 =	vld [tilespmem:s28+$0x1A400];
	v62 =	vadd.f32 v58, v0;
	[tilespmem:s28+$0x1D400] =	vst v60  }
0x11c: {  	v45 =	vld [tilespmem:s28+$0x1A800];
	v63 =	vadd.f32 v59, v0;
	[tilespmem:s28+$0x1D800] =	vst v61  }
0x11d: {  	v46 =	vld [tilespmem:s28+$0x1AC00];
	v1 =	vadd.f32 v41, v0;
	[tilespmem:s28+$0x1DC00] =	vst v62  }
0x11e: {  	v47 =	vld [tilespmem:s28+$0x1B000];
	v7 =	vadd.f32 v42, v0;
	[tilespmem:s28+$0x1E000] =	vst v63  }
0x11f: {  	v48 =	vld [tilespmem:s28+$0x1B400];
	v6 =	vadd.f32 v43, v0;
	[tilespmem:s28+$0x19800] =	vst v1  }
0x120: {  	v49 =	vld [tilespmem:s28+$0x1B800];
	v5 =	vadd.f32 v44, v0;
	[tilespmem:s28+$0x19C00] =	vst v7  }
0x121: {  	v50 =	vld [tilespmem:s28+$0x1BC00];
	v4 =	vadd.f32 v45, v0;
	[tilespmem:s28+$0x1A000] =	vst v6  }
0x122: {  	v51 =	vld [tilespmem:s28+$0x1C000];
	v3 =	vadd.f32 v46, v0;
	[tilespmem:s28+$0x1A400] =	vst v5  }
0x123: {  	v52 =	vld [tilespmem:s28+$0x1C400];
	v2 =	vadd.f32 v47, v0;
	[tilespmem:s28+$0x1A800] =	vst v4  }
0x124: {  	v53 =	vld [tilespmem:s28+$0x1C800];
	v1 =	vadd.f32 v48, v0;
	[tilespmem:s28+$0x1AC00] =	vst v3  }
0x125: {  	v54 =	vld [tilespmem:s28+$0x1CC00];
	[tilespmem:s28+$0x1B000] =	vst v2;
	v7 =	vadd.f32 v49, v0  }
0x126: {  	v55 =	vld [tilespmem:s28+$0x1D000];
	v6 =	vadd.f32 v50, v0;
	[tilespmem:s28+$0x1B400] =	vst v1  }
0x127: {  	v5 =	vadd.f32 v51, v0;
	[tilespmem:s28+$0x1B800] =	vst v7  }
0x128: {  	v4 =	vadd.f32 v52, v0;
	[tilespmem:s28+$0x1BC00] =	vst v6  }
0x129: {  	v3 =	vadd.f32 v53, v0;
	[tilespmem:s28+$0x1C000] =	vst v5  }
0x12a: {  	v2 =	vadd.f32 v54, v0;
	[tilespmem:s28+$0x1C400] =	vst v4  }
0x12b: {  	v1 =	vadd.f32 v55, v0;
	[tilespmem:s28+$0x1C800] =	vst v3  }
0x12c: {  	p0 =	seq.s32 s24, $0x20;
	[tilespmem:s28+$0x1CC00] =	vst v2  }
.Ltmp3:
0x12d: {  	s0 =	sadd.s32 s3, s26;
	[tilespmem:s28+$0x1D000] =	vst v1;
	(pc) =	sbr.rel @p0 .LBB2_10-.Ltmp3, $4  }
0x12e: {  	[hbm4b:s0+s4] =	stream.linear.scatter [tilespmem:s17], [sflag:$0x6], $0x8000, $0x38;
	[tilespmem:$0x1E400] =	vst v63  }
0x12f: {  	_ =	swait.ge [sflag:s21], $0x8000  }
0x130: {  	[sflag:s21] =	ssyncset.done $0x0  }
0x131: {  	[sflag:s21] =	ssyncadd.s32 $0xFFFF8000  }
.Ltmp4:
0x132: {  	(pc) =	sbr.rel .LBB2_2-.Ltmp4, $4  }
0x133: {  	s0 =	sadd.s32 s25, s10  }
0x134: {  	s0 =	sshrl.u32 s0, $0x3  }
0x135: {  	s24 =	sadd.s32 $0x1, s24;
	s0 =	sadd.s32 s1, s0  }
0x136: {  	[tilespmem:s15], [sflag:$0x2] =	stream.linear.gather [hbm4b:s0+s4], $0x8000, $0x38;
	[tilespmem:$0x1E400] =	vst v63  }
.LBB2_10:
0x137: {  	_ =	swait.ge [sflag:s16], $0x8000  }
0x138: {  	[sflag:s16] =	ssyncset.done $0x0  }
0x139: {  	s26 =	simm.s32 $0xC400;
	[sflag:s16] =	ssyncadd.s32 $0xFFFF8000  }
0x13a: {  	s28 =	simm.s32 $0x6000;
	v1 =	vld [tilespmem:s26+$0xFFFFA000]  }
0x13b: {  	v0 =	vld [tilespmem:s28+$0x0];
	_ =	sdelay $0x4  }
0x13c: {  	v1 =	vadd.f32 v1, v0  }
0x13d: {  	s0 =	simm.s32 $0x0  }
0x13e: {  	s24 =	sand.u32 $0x3F0, s0;
	[tilespmem:s26+$0xFFFFA000] =	vst v1  }
0x13f: {  	v2 =	vld [tilespmem:s24+$0xC000]  }
0x140: {  	v3 =	vld [tilespmem:s24+$0x7400]  }
0x141: {  	v5 =	vld [tilespmem:s24+$0x7000]  }
0x142: {  	v6 =	vld [tilespmem:s24+$0x7C00]  }
0x143: {  	v7 =	vld [tilespmem:s24+$0x8000]  }
0x144: {  	v1 =	vld [tilespmem:s24+$0x8C00];
	v8 =	vadd.f32 v2, v0  }
0x145: {  	v4 =	vld [tilespmem:s24+$0x9000];
	v3 =	vadd.f32 v3, v0  }
0x146: {  	v2 =	vld [tilespmem:s24+$0x6800];
	v5 =	vadd.f32 v5, v0;
	[tilespmem:s24+$0xC000] =	vst v8  }
0x147: {  	[tilespmem:s24+$0x7400] =	vst v3;
	v3 =	vld [tilespmem:s24+$0xAC00]  }
0x148: {  	s29 =	simm.s32 $0x10;
	s25 =	simm.s32 $0xC400;
	v6 =	vadd.f32 v6, v0;
	v7 =	vadd.f32 v7, v0;
	[tilespmem:s24+$0x7000] =	vst v5;
	v5 =	vld [tilespmem:s24+$0xB000]  }
.LBB2_11:
0x149: {  	p0 =	sne.s32 s29, $0x3F0;
	v8 =	vld [tilespmem:s24+$0xB400];
	s26 =	sadd.s32 $0x10, s26;
	s28 =	sadd.s32 $0x10, s28  }
0x14a: {  	s0 =	smov.u32 s29;
	s29 =	sadd.s32 $0x10, s29;
	v9 =	vld [tilespmem:s24+$0x7800];
	[tilespmem:s24+$0x8000] =	vst v7;
	v4 =	vadd.f32 v4, v0  }
0x14b: {  	v2 =	vadd.f32 v2, v0;
	[tilespmem:s24+$0x7C00] =	vst v6;
	v6 =	vld [tilespmem:s24+$0xBC00]  }
0x14c: {  	v7 =	vld [tilespmem:s24+$0x8800];
	[tilespmem:s24+$0x9000] =	vst v4;
	v3 =	vadd.f32 v3, v0  }
0x14d: {  	[tilespmem:s24+$0x6800] =	vst v2;
	v2 =	vadd.f32 v5, v0;
	v4 =	vld [tilespmem:s24+$0xB800]  }
0x14e: {  	v5 =	vld [tilespmem:s24+$0xA800];
	[tilespmem:s24+$0xAC00] =	vst v3;
	v3 =	vadd.f32 v8, v0  }
0x14f: {  	v1 =	vadd.f32 v1, v0;
	v8 =	vadd.f32 v9, v0;
	v9 =	vld [tilespmem:s24+$0xA400];
	[tilespmem:s24+$0xB000] =	vst v2  }
0x150: {  	v2 =	vld [tilespmem:s24+$0xA000];
	[tilespmem:s24+$0xB400] =	vst v3;
	v3 =	vadd.f32 v6, v0  }
0x151: {  	v6 =	vadd.f32 v7, v0;
	[tilespmem:s24+$0x8C00] =	vst v1;
	v1 =	vld [tilespmem:s24+$0x9C00]  }
0x152: {  	v7 =	vld [tilespmem:s24+$0x9800];
	v4 =	vadd.f32 v4, v0;
	[tilespmem:s24+$0xBC00] =	vst v3  }
0x153: {  	[tilespmem:s24+$0x7800] =	vst v8;
	v3 =	vld [tilespmem:s24+$0x9400];
	v5 =	vadd.f32 v5, v0  }
0x154: {  	v8 =	vld [tilespmem:s24+$0x8400];
	[tilespmem:s24+$0x8800] =	vst v6;
	v6 =	vadd.f32 v9, v0  }
0x155: {  	v9 =	vld [tilespmem:s24+$0x6C00];
	v2 =	vadd.f32 v2, v0;
	[tilespmem:s24+$0xA800] =	vst v5  }
0x156: {  	v1 =	vadd.f32 v1, v0;
	[tilespmem:s24+$0xA400] =	vst v6  }
0x157: {  	v5 =	vadd.f32 v7, v0;
	[tilespmem:s24+$0xA000] =	vst v2  }
0x158: {  	v2 =	vadd.f32 v3, v0;
	[tilespmem:s24+$0x9C00] =	vst v1  }
0x159: {  	v1 =	vadd.f32 v8, v0;
	[tilespmem:s24+$0x9800] =	vst v5  }
0x15a: {  	v3 =	vadd.f32 v9, v0;
	[tilespmem:s24+$0xB800] =	vst v4  }
0x15b: {  	[tilespmem:s24+$0x9400] =	vst v2  }
0x15c: {  	[tilespmem:s24+$0x6C00] =	vst v3  }
0x15d: {  	[tilespmem:s24+$0x8400] =	vst v1  }
0x15e: {  	v1 =	vld [tilespmem:s25+$0x0];
	_ =	sdelay $0x4  }
0x15f: {  	v1 =	vadd.f32 v1, v0;
	_ =	sdelay $0x1  }
0x160: {  	[tilespmem:s25+$0x0] =	vst v1;
	s25 =	smov.u32 s26  }
0x161: {  	v1 =	vld [tilespmem:s24+$0xC800]  }
0x162: {  	v2 =	vld [tilespmem:s24+$0xCC00]  }
0x163: {  	v3 =	vld [tilespmem:s24+$0xD000]  }
0x164: {  	v4 =	vld [tilespmem:s24+$0xD400]  }
0x165: {  	v5 =	vld [tilespmem:s24+$0xD800]  }
0x166: {  	v1 =	vadd.f32 v1, v0;
	v6 =	vld [tilespmem:s24+$0xDC00]  }
0x167: {  	v2 =	vadd.f32 v2, v0;
	v7 =	vld [tilespmem:s24+$0xE000]  }
0x168: {  	[tilespmem:s24+$0xC800] =	vst v1;
	v1 =	vadd.f32 v3, v0  }
0x169: {  	[tilespmem:s24+$0xCC00] =	vst v2;
	v2 =	vadd.f32 v4, v0  }
0x16a: {  	[tilespmem:s24+$0xD000] =	vst v1;
	v1 =	vadd.f32 v5, v0  }
0x16b: {  	[tilespmem:s24+$0xD400] =	vst v2;
	v2 =	vadd.f32 v6, v0  }
0x16c: {  	[tilespmem:s24+$0xD800] =	vst v1;
	v0 =	vadd.f32 v7, v0  }
0x16d: {  	[tilespmem:s24+$0xDC00] =	vst v2  }
0x16e: {  	[tilespmem:s24+$0xE000] =	vst v0  }
0x16f: {  	v1 =	vld [tilespmem:s26+$0xFFFFA000]  }
0x170: {  	v0 =	vld [tilespmem:s28+$0x0];
	_ =	sdelay $0x4  }
0x171: {  	v1 =	vadd.f32 v1, v0;
	_ =	sdelay $0x1  }
0x172: {  	s24 =	sand.u32 $0x3F0, s0;
	[tilespmem:s26+$0xFFFFA000] =	vst v1  }
0x173: {  	v2 =	vld [tilespmem:s24+$0xC000]  }
0x174: {  	v3 =	vld [tilespmem:s24+$0x7400]  }
0x175: {  	v5 =	vld [tilespmem:s24+$0x7000]  }
0x176: {  	v6 =	vld [tilespmem:s24+$0x7C00]  }
0x177: {  	v7 =	vld [tilespmem:s24+$0x8000]  }
.Ltmp5:
0x178: {  	v1 =	vld [tilespmem:s24+$0x8C00];
	v8 =	vadd.f32 v2, v0;
	(pc) =	sbr.rel @p0 .LBB2_11-.Ltmp5, $4  }
0x179: {  	v3 =	vadd.f32 v3, v0;
	v4 =	vld [tilespmem:s24+$0x9000]  }
0x17a: {  	v2 =	vld [tilespmem:s24+$0x6800];
	v5 =	vadd.f32 v5, v0;
	[tilespmem:s24+$0xC000] =	vst v8  }
0x17b: {  	[tilespmem:s24+$0x7400] =	vst v3;
	v6 =	vadd.f32 v6, v0;
	v3 =	vld [tilespmem:s24+$0xAC00]  }
0x17c: {  	[tilespmem:s24+$0x7000] =	vst v5;
	v7 =	vadd.f32 v7, v0;
	v5 =	vld [tilespmem:s24+$0xB000]  }
0x17d: {  	v8 =	vld [tilespmem:s24+$0xB400];
	[tilespmem:s24+$0x7C00] =	vst v6;
	v1 =	vadd.f32 v1, v0  }
0x17e: {  	v32 =	vld [tilespmem:s24+$0xBC00];
	[tilespmem:s24+$0x8000] =	vst v7;
	v4 =	vadd.f32 v4, v0  }
0x17f: {  	v9 =	vld [tilespmem:s24+$0x7800];
	v2 =	vadd.f32 v2, v0;
	[tilespmem:s24+$0x8C00] =	vst v1  }
0x180: {  	v33 =	vld [tilespmem:s24+$0x8800];
	[tilespmem:s24+$0x9000] =	vst v4;
	v34 =	vadd.f32 v3, v0  }
0x181: {  	v36 =	vld [tilespmem:s24+$0xA800];
	[tilespmem:s24+$0x6800] =	vst v2;
	v5 =	vadd.f32 v5, v0  }
0x182: {  	v37 =	vld [tilespmem:s24+$0xA400];
	[tilespmem:s24+$0xAC00] =	vst v34;
	v8 =	vadd.f32 v8, v0  }
0x183: {  	v40 =	vld [tilespmem:s24+$0x9C00];
	v39 =	vadd.f32 v32, v0;
	[tilespmem:s24+$0xB000] =	vst v5  }
0x184: {  	v42 =	vld [tilespmem:s24+$0x9800];
	v41 =	vadd.f32 v9, v0;
	[tilespmem:s24+$0xB400] =	vst v8  }
0x185: {  	v35 =	vld [tilespmem:s24+$0xB800];
	v43 =	vadd.f32 v33, v0;
	[tilespmem:s24+$0xBC00] =	vst v39  }
0x186: {  	v44 =	vld [tilespmem:s24+$0x9400];
	v4 =	vadd.f32 v36, v0;
	[tilespmem:s24+$0x7800] =	vst v41  }
0x187: {  	v47 =	vld [tilespmem:s24+$0x6C00];
	v46 =	vadd.f32 v37, v0;
	[tilespmem:s24+$0x8800] =	vst v43  }
0x188: {  	v45 =	vld [tilespmem:s24+$0x8400];
	v48 =	vadd.f32 v40, v0;
	[tilespmem:s24+$0xA800] =	vst v4  }
0x189: {  	v38 =	vld [tilespmem:s24+$0xA000];
	v49 =	vadd.f32 v42, v0;
	[tilespmem:s24+$0xA400] =	vst v46  }
0x18a: {  	v3 =	vadd.f32 v35, v0;
	[tilespmem:s24+$0x9C00] =	vst v48  }
0x18b: {  	v50 =	vadd.f32 v44, v0;
	[tilespmem:s24+$0x9800] =	vst v49  }
0x18c: {  	v51 =	vadd.f32 v47, v0;
	[tilespmem:s24+$0xB800] =	vst v3  }
0x18d: {  	v52 =	vadd.f32 v45, v0;
	[tilespmem:s24+$0x9400] =	vst v50  }
0x18e: {  	v5 =	vadd.f32 v38, v0;
	[tilespmem:s24+$0x6C00] =	vst v51  }
0x18f: {  	[tilespmem:s24+$0x8400] =	vst v52  }
0x190: {  	[tilespmem:s24+$0xA000] =	vst v5  }
0x191: {  	v1 =	vld [tilespmem:s25+$0x0];
	_ =	sdelay $0x4  }
0x192: {  	v1 =	vadd.f32 v1, v0;
	_ =	sdelay $0x1  }
0x193: {  	[tilespmem:s25+$0x0] =	vst v1  }
0x194: {  	v1 =	vld [tilespmem:s24+$0xC800]  }
0x195: {  	v53 =	vld [tilespmem:s24+$0xCC00]  }
0x196: {  	v54 =	vld [tilespmem:s24+$0xD000]  }
0x197: {  	v55 =	vld [tilespmem:s24+$0xD400]  }
0x198: {  	v56 =	vld [tilespmem:s24+$0xD800]  }
0x199: {  	v57 =	vld [tilespmem:s24+$0xDC00];
	v1 =	vadd.f32 v1, v0  }
0x19a: {  	v58 =	vld [tilespmem:s24+$0xE000];
	v2 =	vadd.f32 v53, v0  }
0x19b: {  	v59 =	vadd.f32 v54, v0;
	[tilespmem:s24+$0xC800] =	vst v1  }
0x19c: {  	v60 =	vadd.f32 v55, v0;
	[tilespmem:s24+$0xCC00] =	vst v2  }
0x19d: {  	v61 =	vadd.f32 v56, v0;
	[tilespmem:s24+$0xD000] =	vst v59  }
0x19e: {  	v62 =	vadd.f32 v57, v0;
	[tilespmem:s24+$0xD400] =	vst v60  }
0x19f: {  	v63 =	vadd.f32 v58, v0;
	[tilespmem:s24+$0xD800] =	vst v61  }
0x1a0: {  	[tilespmem:s24+$0xDC00] =	vst v62  }
0x1a1: {  	s0 =	rddreg [dreg:$0x6];
	s23 =	sadd.s32 $0x1, s23;
	[tilespmem:s24+$0xE000] =	vst v63  }
0x1a2: {  	[hbm4b:s0+s4] =	stream.linear.scatter [tilespmem:s14], [sflag:$0x4], $0x8000, $0x38;
	[tilespmem:$0x1E400] =	vst v63  }
0x1a3: {  	p0 =	sne.s32 s23, s12;
	_ =	swait.ge [sflag:s22], $0x8000  }
.Ltmp6:
0x1a4: {  	[sflag:s22] =	ssyncset.done $0x0;
	(pc) =	sbr.rel @p0 .LBB2_1-.Ltmp6, $4  }
0x1a5: {  	[sflag:s22] =	ssyncadd.s32 $0xFFFF8000  }
0x1a6: {  	_ =	swait.ge [sflag:s19], $0x8000  }
0x1a7: {  	[sflag:s19] =	ssyncset.done $0x0  }
0x1a8: {  	[sflag:s19] =	ssyncadd.s32 $0xFFFF8000  }
0x1a9: {  	_ =	sfence.sel $0x180000  }
0x1aa: {  	[bflag:$0x0] =	sbarrier.arrive $0xFFFF  }
0x1ab: {  	_ =	strace $0x90000047  }
0x1ac: {  	s0 =	stileid.u32;
	[bflag:$0x2] =	sbarrier.arrive $0xFFFF  }
0x1ad: {  	p0 =	sne.s32 s0, $0x0;
	s0 =	rddreg [dreg:$0x3]  }
0x1ae: {  	s0 =	sadd.s32 @!p0 $0x100000, s0  }
0x1af: {  	[sflag:s0] =	ssyncadd.tile.s32 @!p0 $0x1;
	_ =	shalt  }
.Lfunc_end2:
_tile_overlayer_lowered:
.L_overlay_start_2:
0x1b0: {  	(tag) =	ssettag $0x2  }
0x1b1: {  	s0 =	rddreg [dreg:$0x0];
	s2 =	stileid.u32  }
0x1b2: {  	s1 =	rddreg [dreg:$0x1];
	p0 =	sne.s32 s2, $0x0  }
0x1b3: {  	s3 =	rddreg [dreg:$0x2];
	[bflag:$0x3] =	sbarrier.arrive $0xFFFF;
	s2 =	simm.s32 @!p0 $0x1C07  }
0x1b4: {  	[timem:s3], [sflag:s2] =	dma.local @!p0 [hbm:s0], s1  }
0x1b5: {  	s0 =	simm.s32 @!p0 $0x7  }
0x1b6: {  	_ =	swait.ge @!p0 [sflag:s0], s1  }
0x1b7: {  	s1 =	ssub.s32 @!p0 $0x0, s1;
	[sflag:s0] =	ssyncset.done @!p0 $0x0  }
0x1b8: {  	[sflag:s0] =	ssyncadd.s32 @!p0 s1  }
0x1b9: {  	[bflag:$0x3] =	sbarrier.arrive $0xFFFF  }
0x1ba: {  	_ =	shalt  }

</sc_bundles>
